<compile_context>
chip_gen: v7x
topology: tpu7x:2x2x1
jax: 0.10.2.dev20260603
libtpu: 0.0.44.dev20260713+nightly
codegen_flags: <defaults>
</compile_context>

<pallas_src>
import numpy as np
import jax
import jax.numpy as jnp
from jax import lax
from jax.experimental import pallas as pl
from jax.experimental.pallas import tpu as pltpu
from jax.experimental.pallas import tpu_sc as plsc

_SR = 44100
_SIL_LO = int(0.01 * _SR)
_SIL_HI = int(0.1 * _SR)
_RATIO_LO, _RATIO_HI = 0.1, 0.2
_LENGTH = 441000
_BATCH = 8


def _plan(length):
    rng = np.random.default_rng(0)
    cur = 0
    total_target = int(rng.integers(int(_RATIO_LO * length), int(_RATIO_HI * length)))
    segs = []
    while cur < total_target:
        sl = int(rng.integers(_SIL_LO, _SIL_HI))
        start = int(rng.integers(0, length - sl))
        mode = int(rng.integers(0, 2))
        segs.append((start, sl, mode))
        cur += sl
    return segs


_SEGS = _plan(_LENGTH)

_NW = 32
_SPAN_A = 108 * 128
_SPAN_B = 107 * 128
_NA = 21
_BASE_B0 = _NA * _SPAN_A
_BASE_LAST = _BASE_B0 + 10 * _SPAN_B
_SPAN_LAST = _LENGTH - _BASE_LAST


def _sc_envelope_body(env_hbm, mbuf, sem):
    cid = lax.axis_index("c")
    sid = lax.axis_index("s")
    wid = sid * 2 + cid

    is_a = wid < _NA
    is_last = wid == _NW - 1
    base = jnp.where(
        is_a, wid * _SPAN_A,
        jnp.where(is_last, _BASE_LAST, _BASE_B0 + (wid - _NA) * _SPAN_B))
    span = jnp.where(is_a, _SPAN_A, jnp.where(is_last, _SPAN_LAST, _SPAN_B))

    ones16 = jnp.full((16,), 1.0, jnp.float32)

    def _init(i, carry):
        mbuf[pl.ds(i * 16, 16)] = ones16
        return carry
    lax.fori_loop(0, _SPAN_A // 16, _init, 0, unroll=4)
    @pl.when(is_last)
    def _init_tail():
        mbuf[pl.ds(_SPAN_LAST - 16, 16)] = ones16

    iota = lax.iota(jnp.int32, 16)
    for start, sl, mode in _SEGS:
        half = sl // 2
        m = sl - half
        a_up = np.float32(1.0 / (half - 1))
        a_dn = np.float32(-1.0 / (m - 1))
        ls = jnp.maximum(start - base, 0)
        le = jnp.minimum(start + sl - base, span)

        nch = sl // 16 + 2
        cbase = (ls // 16) * 16

        def _apply_chunk(ci, carry, _start=start, _mode=mode, _half=half,
                         _a_up=a_up, _a_dn=a_dn, _ls=ls, _le=le,
                         _cbase=cbase):
            off = _cbase + ci * 16
            idx = off + iota
            lanes = jnp.logical_and(idx >= _ls, idx < _le)
            pos = jnp.minimum(off, _SPAN_A - 16)
            win = pl.ds(pos, 16)
            cur = mbuf[win]
            if _mode == 0:
                new = jnp.where(lanes, jnp.float32(0.0), cur)
            else:
                k = (idx + base) - _start
                kf = k.astype(jnp.float32)
                fade = jnp.where(k < _half, kf * _a_up,
                                 1.0 + (kf - _half) * _a_dn)
                new = jnp.where(lanes, cur * fade, cur)
            mbuf[win] = new
            return carry

        @pl.when(ls < le)
        def _apply_seg(_nch=nch, _body=_apply_chunk):
            lax.fori_loop(0, _nch, _body, 0)

    @pl.when(is_a)
    def _out_a():
        b = pl.multiple_of(wid * _SPAN_A, 128)
        pltpu.async_copy(mbuf.at[pl.ds(0, _SPAN_A)],
                         env_hbm.at[0, 0, pl.ds(b, _SPAN_A)], sem).wait()

    @pl.when(jnp.logical_and(wid >= _NA, wid < _NW - 1))
    def _out_b():
        b = pl.multiple_of(_BASE_B0 + (wid - _NA) * _SPAN_B, 128)
        pltpu.async_copy(mbuf.at[pl.ds(0, _SPAN_B)],
                         env_hbm.at[0, 0, pl.ds(b, _SPAN_B)], sem).wait()

    @pl.when(is_last)
    def _out_last():
        pltpu.async_copy(mbuf.at[pl.ds(0, _SPAN_LAST)],
                         env_hbm.at[0, 0, pl.ds(_BASE_LAST, _SPAN_LAST)],
                         sem).wait()


def _build_envelope():
    run = pl.kernel(
        _sc_envelope_body,
        out_type=jax.ShapeDtypeStruct((1, 1, _LENGTH), jnp.float32),
        mesh=plsc.VectorSubcoreMesh(core_axis_name="c", subcore_axis_name="s"),
        scratch_types=[
            pltpu.VMEM((_SPAN_A,), jnp.float32),
            pltpu.SemaphoreType.DMA,
        ],
    )
    return run()


_CHUNK = 147456


def _mul_kernel(w_ref, m_ref, o_ref):
    o_ref[...] = w_ref[...] * m_ref[...]


def kernel(waveform):
    b, c, length = waveform.shape
    env = _build_envelope()
    grid = (pl.cdiv(length, _CHUNK),)
    out = pl.pallas_call(
        _mul_kernel,
        grid=grid,
        in_specs=[
            pl.BlockSpec((b, c, _CHUNK), lambda i: (0, 0, i)),
            pl.BlockSpec((1, c, _CHUNK), lambda i: (0, 0, i)),
        ],
        out_specs=pl.BlockSpec((b, c, _CHUNK), lambda i: (0, 0, i)),
        out_shape=jax.ShapeDtypeStruct((b, c, length), jnp.float32),
        compiler_params=pltpu.CompilerParams(
            dimension_semantics=("parallel",),
        ),
    )(waveform, env)
    return out

# --- scband reference (transcript-rebuilt; emitter-appended) ---
"""Pipeline reference for scband-random-discontinuous-65283502899356 (READ-ONLY COPY).

The authoritative reference and input builder live on the scoring server;
editing this copy changes nothing except your own understanding.
"""

import jax, jax.numpy as jnp
import numpy as np

_SR = 44100
_SIL_LO = int(0.01 * _SR)   # 441
_SIL_HI = int(0.1 * _SR)    # 4410
_RATIO_LO, _RATIO_HI = 0.1, 0.2


def _plan_segments(length, seed=0):
    # Deterministic re-implementation of the torch module's data-dependent
    # random segment selection (torch.randint calls) using a fixed numpy RNG.
    rng = np.random.default_rng(seed)
    cur = 0
    total_target = int(rng.integers(int(_RATIO_LO * length), int(_RATIO_HI * length)))
    segs = []
    while cur < total_target:
        sl = int(rng.integers(_SIL_LO, _SIL_HI))
        start = int(rng.integers(0, length - sl))
        mode = int(rng.integers(0, 2))
        segs.append((start, sl, mode))
        cur += sl
    return segs


def setup_inputs(seed: int = 0) -> dict:
    key = jax.random.key(seed)
    waveform = jax.random.normal(key, (8, 1, 441000), dtype=jnp.float32)
    return {"waveform": waveform}


def reference(waveform):
    length = waveform.shape[-1]
    segs = _plan_segments(length)
    out = waveform
    for start, sl, mode in segs:
        if mode == 0:
            # scatter-overwrite: zero out the silent span
            out = out.at[..., start:start + sl].set(0.0)
        else:
            # scatter-multiply with a triangular fade envelope
            fade = jnp.concatenate((
                jnp.linspace(0.0, 1.0, sl // 2, dtype=jnp.float32),
                jnp.linspace(1.0, 0.0, sl - sl // 2, dtype=jnp.float32),
            ))
            out = out.at[..., start:start + sl].multiply(fade)
    return out

if __name__ == "__main__":
    import jax
    _d = setup_inputs()
    print(jax.jit(kernel)(*tuple(_d.values())))

</pallas_src>

<mosaic_0001>
#map = affine_map<(d0, d1) -> (0, 0, 0)>
module attributes {stable_mosaic.version = 14 : i64} {
  func.func @_sc_envelope_body(%arg0: i32, %arg1: i32, %arg2: memref<1x1x441000xf32, #tpu.memory_space<hbm>>, %arg3: memref<13824xf32, #tpu.memory_space<vmem>>, %arg4: memref<!tpu.dma_semaphore, #tpu.memory_space<semaphore_mem>>) attributes {dimension_semantics = [#tpu.dimension_semantics<core_parallel>, #tpu.dimension_semantics<subcore_parallel>], iteration_bounds = array<i64: 2, 16>, scalar_prefetch = 0 : i64, scratch_operands = 2 : i64, tpu.core_type = #tpu.core_type<sc_vector_subcore>, window_params = [{transform_indices = #map}]} {
    %mul3A = arith.constant 2 : i32
    %mul3A_0 = arith.muli %arg1, %mul3A : i32
    %add3A = arith.addi %mul3A_0, %arg0 : i32
    %lt3A = arith.constant 21 : i32
    %lt3A_1 = arith.cmpi slt, %add3A, %lt3A : i32
    %eq3A = arith.constant 31 : i32
    %eq3A_2 = arith.cmpi eq, %add3A, %eq3A : i32
    %mul3A_3 = arith.constant 13824 : i32
    %mul3A_4 = arith.muli %add3A, %mul3A_3 : i32
    %sub3A = arith.constant 21 : i32
    %sub3A_5 = arith.subi %add3A, %sub3A : i32
    %mul3A_6 = arith.constant 13696 : i32
    %mul3A_7 = arith.muli %sub3A_5, %mul3A_6 : i32
    %add3A_8 = arith.constant 290304 : i32
    %add3A_9 = arith.addi %add3A_8, %mul3A_7 : i32
    %jit3A = arith.constant 427264 : i32
    %select_n3A = arith.select %eq3A_2, %jit3A, %add3A_9 : i32
    %select_n3A_10 = arith.select %lt3A_1, %mul3A_4, %select_n3A : i32
    %jit3A_11 = arith.constant 13736 : i32
    %jit3A_12 = arith.constant 13696 : i32
    %select_n3A_13 = arith.select %eq3A_2, %jit3A_11, %jit3A_12 : i32
    %jit3A_14 = arith.constant 13824 : i32
    %select_n3A_15 = arith.select %lt3A_1, %jit3A_14, %select_n3A_13 : i32
    %broadcast_in_dim3A = arith.constant 1.000000e+00 : f32
    %broadcast_in_dim3A_16 = vector.broadcast %broadcast_in_dim3A : f32 to vector<16xf32>
    %scan3A = arith.constant 0 : i32
    %scan3A_17 = arith.constant 0 : i32
    %scan3A_18 = arith.constant 864 : i32
    %scan3A_19 = arith.addi %scan3A_17, %scan3A_18 : i32
    %scan3A_20 = arith.constant 4 : i32
    scf.for %scan3A_1213 = %scan3A_17 to %scan3A_19 step %scan3A_20  : i32 {
      %mul3A_1214 = arith.constant 16 : i32
      %mul3A_1215 = arith.muli %scan3A_1213, %mul3A_1214 : i32
      %swap3A = arith.index_cast %mul3A_1215 : i32 to index
      %swap3A_1216 = tpu.vector_load %arg3[%swap3A] {strides = array<i32>} : memref<13824xf32, #tpu.memory_space<vmem>>, vector<16xf32>,
      %swap3A_1217 = vector.shape_cast %swap3A_1216 : vector<16xf32> to vector<16xf32>
      %swap3A_1218 = vector.shape_cast %broadcast_in_dim3A_16 : vector<16xf32> to vector<16xf32>
      tpu.vector_store %arg3[%swap3A], %swap3A_1218 {strides = array<i32>} : memref<13824xf32, #tpu.memory_space<vmem>>, vector<16xf32>,
      %scan3A_1219 = arith.constant 1 : i32
      %scan3A_1220 = arith.addi %scan3A_1213, %scan3A_1219 : i32
      %mul3A_1221 = arith.constant 16 : i32
      %mul3A_1222 = arith.muli %scan3A_1220, %mul3A_1221 : i32
      %swap3A_1223 = arith.index_cast %mul3A_1222 : i32 to index
      %swap3A_1224 = tpu.vector_load %arg3[%swap3A_1223] {strides = array<i32>} : memref<13824xf32, #tpu.memory_space<vmem>>, vector<16xf32>,
      %swap3A_1225 = vector.shape_cast %swap3A_1224 : vector<16xf32> to vector<16xf32>
      %swap3A_1226 = vector.shape_cast %broadcast_in_dim3A_16 : vector<16xf32> to vector<16xf32>
      tpu.vector_store %arg3[%swap3A_1223], %swap3A_1226 {strides = array<i32>} : memref<13824xf32, #tpu.memory_space<vmem>>, vector<16xf32>,
      %scan3A_1227 = arith.constant 2 : i32
      %scan3A_1228 = arith.addi %scan3A_1213, %scan3A_1227 : i32
      %mul3A_1229 = arith.constant 16 : i32
      %mul3A_1230 = arith.muli %scan3A_1228, %mul3A_1229 : i32
      %swap3A_1231 = arith.index_cast %mul3A_1230 : i32 to index
      %swap3A_1232 = tpu.vector_load %arg3[%swap3A_1231] {strides = array<i32>} : memref<13824xf32, #tpu.memory_space<vmem>>, vector<16xf32>,
      %swap3A_1233 = vector.shape_cast %swap3A_1232 : vector<16xf32> to vector<16xf32>
      %swap3A_1234 = vector.shape_cast %broadcast_in_dim3A_16 : vector<16xf32> to vector<16xf32>
      tpu.vector_store %arg3[%swap3A_1231], %swap3A_1234 {strides = array<i32>} : memref<13824xf32, #tpu.memory_space<vmem>>, vector<16xf32>,
      %scan3A_1235 = arith.constant 3 : i32
      %scan3A_1236 = arith.addi %scan3A_1213, %scan3A_1235 : i32
      %mul3A_1237 = arith.constant 16 : i32
      %mul3A_1238 = arith.muli %scan3A_1236, %mul3A_1237 : i32
      %swap3A_1239 = arith.index_cast %mul3A_1238 : i32 to index
      %swap3A_1240 = tpu.vector_load %arg3[%swap3A_1239] {strides = array<i32>} : memref<13824xf32, #tpu.memory_space<vmem>>, vector<16xf32>,
      %swap3A_1241 = vector.shape_cast %swap3A_1240 : vector<16xf32> to vector<16xf32>
      %swap3A_1242 = vector.shape_cast %broadcast_in_dim3A_16 : vector<16xf32> to vector<16xf32>
      tpu.vector_store %arg3[%swap3A_1239], %swap3A_1242 {strides = array<i32>} : memref<13824xf32, #tpu.memory_space<vmem>>, vector<16xf32>,
    }
    %scan3A_21 = arith.constant 864 : i32
    %convert_element_type3A = arith.extui %eq3A_2 : i1 to i32
    %cond3A = arith.constant 0 : i32
    %cond3A_22 = arith.cmpi ne, %convert_element_type3A, %cond3A : i32
    scf.if %cond3A_22 {
      %swap3A = arith.constant 13720 : index
      %swap3A_1213 = tpu.vector_load %arg3[%swap3A] {strides = array<i32>} : memref<13824xf32, #tpu.memory_space<vmem>>, vector<16xf32>,
      %swap3A_1214 = vector.shape_cast %swap3A_1213 : vector<16xf32> to vector<16xf32>
      %swap3A_1215 = vector.shape_cast %broadcast_in_dim3A_16 : vector<16xf32> to vector<16xf32>
      tpu.vector_store %arg3[%swap3A], %swap3A_1215 {strides = array<i32>} : memref<13824xf32, #tpu.memory_space<vmem>>, vector<16xf32>,
    } else {
    }
    %iota3A = tpu.iota {dimensions = array<i32: 0>} : vector<16xi32>
    %sub3A_23 = arith.constant 223893 : i32
    %sub3A_24 = arith.subi %sub3A_23, %select_n3A_10 : i32
    %max3A = arith.constant 0 : i32
    %max3A_25 = arith.maxsi %sub3A_24, %max3A : i32
    %sub3A_26 = arith.constant 226862 : i32
    %sub3A_27 = arith.subi %sub3A_26, %select_n3A_10 : i32
    %min3A = arith.minsi %sub3A_27, %select_n3A_15 : i32
    %jit3A_28 = arith.constant 16 : i32
    %div3A = arith.divsi %max3A_25, %jit3A_28 : i32
    %sign3A = arith.constant 0 : i32
    %sign3A_29 = arith.cmpi sgt, %max3A_25, %sign3A : i32
    %sign3A_30 = arith.extui %sign3A_29 : i1 to i32
    %sign3A_31 = arith.constant 0 : i32
    %sign3A_32 = arith.cmpi slt, %max3A_25, %sign3A_31 : i32
    %sign3A_33 = arith.extui %sign3A_32 : i1 to i32
    %sign3A_34 = arith.subi %sign3A_30, %sign3A_33 : i32
    %sign3A_35 = arith.constant 0 : i32
    %sign3A_36 = arith.cmpi sgt, %jit3A_28, %sign3A_35 : i32
    %sign3A_37 = arith.extui %sign3A_36 : i1 to i32
    %sign3A_38 = arith.constant 0 : i32
    %sign3A_39 = arith.cmpi slt, %jit3A_28, %sign3A_38 : i32
    %sign3A_40 = arith.extui %sign3A_39 : i1 to i32
    %sign3A_41 = arith.subi %sign3A_37, %sign3A_40 : i32
    %ne3A = arith.cmpi ne, %sign3A_34, %sign3A_41 : i32
    %rem3A = arith.remsi %max3A_25, %jit3A_28 : i32
    %ne3A_42 = arith.constant 0 : i32
    %ne3A_43 = arith.cmpi ne, %rem3A, %ne3A_42 : i32
    %and3A = arith.andi %ne3A, %ne3A_43 : i1
    %sub3A_44 = arith.constant 1 : i32
    %sub3A_45 = arith.subi %div3A, %sub3A_44 : i32
    %select_n3A_46 = arith.select %and3A, %sub3A_45, %div3A : i32
    %mul3A_47 = arith.constant 16 : i32
    %mul3A_48 = arith.muli %select_n3A_46, %mul3A_47 : i32
    %lt3A_49 = arith.cmpi slt, %max3A_25, %min3A : i32
    %convert_element_type3A_50 = arith.extui %lt3A_49 : i1 to i32
    %cond3A_51 = arith.constant 0 : i32
    %cond3A_52 = arith.cmpi ne, %convert_element_type3A_50, %cond3A_51 : i32
    scf.if %cond3A_52 {
      %scan3A_1213 = arith.constant 0 : i32
      %scan3A_1214 = arith.constant 0 : i32
      %scan3A_1215 = arith.constant 187 : i32
      %scan3A_1216 = arith.addi %scan3A_1214, %scan3A_1215 : i32
      %scan3A_1217 = arith.constant 1 : i32
      scf.for %scan3A_1219 = %scan3A_1214 to %scan3A_1216 step %scan3A_1217  : i32 {
        %mul3A_1220 = arith.constant 16 : i32
        %mul3A_1221 = arith.muli %scan3A_1219, %mul3A_1220 : i32
        %add3A_1222 = arith.addi %mul3A_48, %mul3A_1221 : i32
        %add3A_1223 = vector.broadcast %add3A_1222 : i32 to vector<16xi32>
        %add3A_1224 = arith.addi %add3A_1223, %iota3A : vector<16xi32>
        %ge3A_1225 = vector.broadcast %max3A_25 : i32 to vector<16xi32>
        %ge3A_1226 = arith.cmpi sge, %add3A_1224, %ge3A_1225 : vector<16xi32>
        %lt3A_1227 = vector.broadcast %min3A : i32 to vector<16xi32>
        %lt3A_1228 = arith.cmpi slt, %add3A_1224, %lt3A_1227 : vector<16xi32>
        %and3A_1229 = arith.andi %ge3A_1226, %lt3A_1228 : vector<16xi1>
        %min3A_1230 = arith.constant 13808 : i32
        %min3A_1231 = arith.minsi %add3A_1222, %min3A_1230 : i32
        %get3A = arith.index_cast %min3A_1231 : i32 to index
        %get3A_1232 = tpu.vector_load %arg3[%get3A] {strides = array<i32>} : memref<13824xf32, #tpu.memory_space<vmem>>, vector<16xf32>,
        %get3A_1233 = vector.shape_cast %get3A_1232 : vector<16xf32> to vector<16xf32>
        %jit3A_1234 = arith.constant 0.000000e+00 : f32
        %broadcast_in_dim3A_1235 = vector.broadcast %jit3A_1234 : f32 to vector<16xf32>
        %select_n3A_1236 = arith.select %and3A_1229, %broadcast_in_dim3A_1235, %get3A_1233 : vector<16xi1>, vector<16xf32>
        %swap3A = arith.index_cast %min3A_1231 : i32 to index
        %swap3A_1237 = tpu.vector_load %arg3[%swap3A] {strides = array<i32>} : memref<13824xf32, #tpu.memory_space<vmem>>, vector<16xf32>,
        %swap3A_1238 = vector.shape_cast %swap3A_1237 : vector<16xf32> to vector<16xf32>
        %swap3A_1239 = vector.shape_cast %select_n3A_1236 : vector<16xf32> to vector<16xf32>
        tpu.vector_store %arg3[%swap3A], %swap3A_1239 {strides = array<i32>} : memref<13824xf32, #tpu.memory_space<vmem>>, vector<16xf32>,
      }
      %scan3A_1218 = arith.constant 187 : i32
    } else {
    }
    %sub3A_53 = arith.constant 18001 : i32
    %sub3A_54 = arith.subi %sub3A_53, %select_n3A_10 : i32
    %max3A_55 = arith.constant 0 : i32
    %max3A_56 = arith.maxsi %sub3A_54, %max3A_55 : i32
    %sub3A_57 = arith.constant 19663 : i32
    %sub3A_58 = arith.subi %sub3A_57, %select_n3A_10 : i32
    %min3A_59 = arith.minsi %sub3A_58, %select_n3A_15 : i32
    %jit3A_60 = arith.constant 16 : i32
    %div3A_61 = arith.divsi %max3A_56, %jit3A_60 : i32
    %sign3A_62 = arith.constant 0 : i32
    %sign3A_63 = arith.cmpi sgt, %max3A_56, %sign3A_62 : i32
    %sign3A_64 = arith.extui %sign3A_63 : i1 to i32
    %sign3A_65 = arith.constant 0 : i32
    %sign3A_66 = arith.cmpi slt, %max3A_56, %sign3A_65 : i32
    %sign3A_67 = arith.extui %sign3A_66 : i1 to i32
    %sign3A_68 = arith.subi %sign3A_64, %sign3A_67 : i32
    %sign3A_69 = arith.constant 0 : i32
    %sign3A_70 = arith.cmpi sgt, %jit3A_60, %sign3A_69 : i32
    %sign3A_71 = arith.extui %sign3A_70 : i1 to i32
    %sign3A_72 = arith.constant 0 : i32
    %sign3A_73 = arith.cmpi slt, %jit3A_60, %sign3A_72 : i32
    %sign3A_74 = arith.extui %sign3A_73 : i1 to i32
    %sign3A_75 = arith.subi %sign3A_71, %sign3A_74 : i32
    %ne3A_76 = arith.cmpi ne, %sign3A_68, %sign3A_75 : i32
    %rem3A_77 = arith.remsi %max3A_56, %jit3A_60 : i32
    %ne3A_78 = arith.constant 0 : i32
    %ne3A_79 = arith.cmpi ne, %rem3A_77, %ne3A_78 : i32
    %and3A_80 = arith.andi %ne3A_76, %ne3A_79 : i1
    %sub3A_81 = arith.constant 1 : i32
    %sub3A_82 = arith.subi %div3A_61, %sub3A_81 : i32
    %select_n3A_83 = arith.select %and3A_80, %sub3A_82, %div3A_61 : i32
    %mul3A_84 = arith.constant 16 : i32
    %mul3A_85 = arith.muli %select_n3A_83, %mul3A_84 : i32
    %lt3A_86 = arith.cmpi slt, %max3A_56, %min3A_59 : i32
    %convert_element_type3A_87 = arith.extui %lt3A_86 : i1 to i32
    %cond3A_88 = arith.constant 0 : i32
    %cond3A_89 = arith.cmpi ne, %convert_element_type3A_87, %cond3A_88 : i32
    scf.if %cond3A_89 {
      %scan3A_1213 = arith.constant 0 : i32
      %scan3A_1214 = arith.constant 0 : i32
      %scan3A_1215 = arith.constant 105 : i32
      %scan3A_1216 = arith.addi %scan3A_1214, %scan3A_1215 : i32
      %scan3A_1217 = arith.constant 1 : i32
      scf.for %scan3A_1219 = %scan3A_1214 to %scan3A_1216 step %scan3A_1217  : i32 {
        %mul3A_1220 = arith.constant 16 : i32
        %mul3A_1221 = arith.muli %scan3A_1219, %mul3A_1220 : i32
        %add3A_1222 = arith.addi %mul3A_85, %mul3A_1221 : i32
        %add3A_1223 = vector.broadcast %add3A_1222 : i32 to vector<16xi32>
        %add3A_1224 = arith.addi %add3A_1223, %iota3A : vector<16xi32>
        %ge3A_1225 = vector.broadcast %max3A_56 : i32 to vector<16xi32>
        %ge3A_1226 = arith.cmpi sge, %add3A_1224, %ge3A_1225 : vector<16xi32>
        %lt3A_1227 = vector.broadcast %min3A_59 : i32 to vector<16xi32>
        %lt3A_1228 = arith.cmpi slt, %add3A_1224, %lt3A_1227 : vector<16xi32>
        %and3A_1229 = arith.andi %ge3A_1226, %lt3A_1228 : vector<16xi1>
        %min3A_1230 = arith.constant 13808 : i32
        %min3A_1231 = arith.minsi %add3A_1222, %min3A_1230 : i32
        %get3A = arith.index_cast %min3A_1231 : i32 to index
        %get3A_1232 = tpu.vector_load %arg3[%get3A] {strides = array<i32>} : memref<13824xf32, #tpu.memory_space<vmem>>, vector<16xf32>,
        %get3A_1233 = vector.shape_cast %get3A_1232 : vector<16xf32> to vector<16xf32>
        %jit3A_1234 = arith.constant 0.000000e+00 : f32
        %broadcast_in_dim3A_1235 = vector.broadcast %jit3A_1234 : f32 to vector<16xf32>
        %select_n3A_1236 = arith.select %and3A_1229, %broadcast_in_dim3A_1235, %get3A_1233 : vector<16xi1>, vector<16xf32>
        %swap3A = arith.index_cast %min3A_1231 : i32 to index
        %swap3A_1237 = tpu.vector_load %arg3[%swap3A] {strides = array<i32>} : memref<13824xf32, #tpu.memory_space<vmem>>, vector<16xf32>,
        %swap3A_1238 = vector.shape_cast %swap3A_1237 : vector<16xf32> to vector<16xf32>
        %swap3A_1239 = vector.shape_cast %select_n3A_1236 : vector<16xf32> to vector<16xf32>
        tpu.vector_store %arg3[%swap3A], %swap3A_1239 {strides = array<i32>} : memref<13824xf32, #tpu.memory_space<vmem>>, vector<16xf32>,
      }
      %scan3A_1218 = arith.constant 105 : i32
    } else {
    }
    %sub3A_90 = arith.constant 77204 : i32
    %sub3A_91 = arith.subi %sub3A_90, %select_n3A_10 : i32
    %max3A_92 = arith.constant 0 : i32
    %max3A_93 = arith.maxsi %sub3A_91, %max3A_92 : i32
    %sub3A_94 = arith.constant 77710 : i32
    %sub3A_95 = arith.subi %sub3A_94, %select_n3A_10 : i32
    %min3A_96 = arith.minsi %sub3A_95, %select_n3A_15 : i32
    %jit3A_97 = arith.constant 16 : i32
    %div3A_98 = arith.divsi %max3A_93, %jit3A_97 : i32
    %sign3A_99 = arith.constant 0 : i32
    %sign3A_100 = arith.cmpi sgt, %max3A_93, %sign3A_99 : i32
    %sign3A_101 = arith.extui %sign3A_100 : i1 to i32
    %sign3A_102 = arith.constant 0 : i32
    %sign3A_103 = arith.cmpi slt, %max3A_93, %sign3A_102 : i32
    %sign3A_104 = arith.extui %sign3A_103 : i1 to i32
    %sign3A_105 = arith.subi %sign3A_101, %sign3A_104 : i32
    %sign3A_106 = arith.constant 0 : i32
    %sign3A_107 = arith.cmpi sgt, %jit3A_97, %sign3A_106 : i32
    %sign3A_108 = arith.extui %sign3A_107 : i1 to i32
    %sign3A_109 = arith.constant 0 : i32
    %sign3A_110 = arith.cmpi slt, %jit3A_97, %sign3A_109 : i32
    %sign3A_111 = arith.extui %sign3A_110 : i1 to i32
    %sign3A_112 = arith.subi %sign3A_108, %sign3A_111 : i32
    %ne3A_113 = arith.cmpi ne, %sign3A_105, %sign3A_112 : i32
    %rem3A_114 = arith.remsi %max3A_93, %jit3A_97 : i32
    %ne3A_115 = arith.constant 0 : i32
    %ne3A_116 = arith.cmpi ne, %rem3A_114, %ne3A_115 : i32
    %and3A_117 = arith.andi %ne3A_113, %ne3A_116 : i1
    %sub3A_118 = arith.constant 1 : i32
    %sub3A_119 = arith.subi %div3A_98, %sub3A_118 : i32
    %select_n3A_120 = arith.select %and3A_117, %sub3A_119, %div3A_98 : i32
    %mul3A_121 = arith.constant 16 : i32
    %mul3A_122 = arith.muli %select_n3A_120, %mul3A_121 : i32
    %lt3A_123 = arith.cmpi slt, %max3A_93, %min3A_96 : i32
    %convert_element_type3A_124 = arith.extui %lt3A_123 : i1 to i32
    %cond3A_125 = arith.constant 0 : i32
    %cond3A_126 = arith.cmpi ne, %convert_element_type3A_124, %cond3A_125 : i32
    scf.if %cond3A_126 {
      %scan3A_1213 = arith.constant 0 : i32
      %scan3A_1214 = arith.constant 0 : i32
      %scan3A_1215 = arith.constant 33 : i32
      %scan3A_1216 = arith.addi %scan3A_1214, %scan3A_1215 : i32
      %scan3A_1217 = arith.constant 1 : i32
      scf.for %scan3A_1219 = %scan3A_1214 to %scan3A_1216 step %scan3A_1217  : i32 {
        %mul3A_1220 = arith.constant 16 : i32
        %mul3A_1221 = arith.muli %scan3A_1219, %mul3A_1220 : i32
        %add3A_1222 = arith.addi %mul3A_122, %mul3A_1221 : i32
        %add3A_1223 = vector.broadcast %add3A_1222 : i32 to vector<16xi32>
        %add3A_1224 = arith.addi %add3A_1223, %iota3A : vector<16xi32>
        %ge3A_1225 = vector.broadcast %max3A_93 : i32 to vector<16xi32>
        %ge3A_1226 = arith.cmpi sge, %add3A_1224, %ge3A_1225 : vector<16xi32>
        %lt3A_1227 = vector.broadcast %min3A_96 : i32 to vector<16xi32>
        %lt3A_1228 = arith.cmpi slt, %add3A_1224, %lt3A_1227 : vector<16xi32>
        %and3A_1229 = arith.andi %ge3A_1226, %lt3A_1228 : vector<16xi1>
        %min3A_1230 = arith.constant 13808 : i32
        %min3A_1231 = arith.minsi %add3A_1222, %min3A_1230 : i32
        %get3A = arith.index_cast %min3A_1231 : i32 to index
        %get3A_1232 = tpu.vector_load %arg3[%get3A] {strides = array<i32>} : memref<13824xf32, #tpu.memory_space<vmem>>, vector<16xf32>,
        %get3A_1233 = vector.shape_cast %get3A_1232 : vector<16xf32> to vector<16xf32>
        %add3A_1234 = vector.broadcast %select_n3A_10 : i32 to vector<16xi32>
        %add3A_1235 = arith.addi %add3A_1224, %add3A_1234 : vector<16xi32>
        %sub3A_1236 = arith.constant 77204 : i32
        %sub3A_1237 = vector.broadcast %sub3A_1236 : i32 to vector<16xi32>
        %sub3A_1238 = arith.subi %add3A_1235, %sub3A_1237 : vector<16xi32>
        %convert_element_type3A_1239 = arith.sitofp %sub3A_1238 : vector<16xi32> to vector<16xf32>
        %lt3A_1240 = arith.constant 253 : i32
        %lt3A_1241 = vector.broadcast %lt3A_1240 : i32 to vector<16xi32>
        %lt3A_1242 = arith.cmpi slt, %sub3A_1238, %lt3A_1241 : vector<16xi32>
        %mul3A_1243 = arith.constant 0.0039682542 : f32
        %mul3A_1244 = vector.broadcast %mul3A_1243 : f32 to vector<16xf32>
        %mul3A_1245 = arith.mulf %convert_element_type3A_1239, %mul3A_1244 : vector<16xf32>
        %sub3A_1246 = arith.constant 2.530000e+02 : f32
        %sub3A_1247 = vector.broadcast %sub3A_1246 : f32 to vector<16xf32>
        %sub3A_1248 = arith.subf %convert_element_type3A_1239, %sub3A_1247 : vector<16xf32>
        %mul3A_1249 = arith.constant -0.0039682542 : f32
        %mul3A_1250 = vector.broadcast %mul3A_1249 : f32 to vector<16xf32>
        %mul3A_1251 = arith.mulf %sub3A_1248, %mul3A_1250 : vector<16xf32>
        %add3A_1252 = arith.constant 1.000000e+00 : f32
        %add3A_1253 = vector.broadcast %add3A_1252 : f32 to vector<16xf32>
        %add3A_1254 = arith.addf %add3A_1253, %mul3A_1251 : vector<16xf32>
        %select_n3A_1255 = arith.select %lt3A_1242, %mul3A_1245, %add3A_1254 : vector<16xi1>, vector<16xf32>
        %mul3A_1256 = arith.mulf %get3A_1233, %select_n3A_1255 : vector<16xf32>
        %select_n3A_1257 = arith.select %and3A_1229, %mul3A_1256, %get3A_1233 : vector<16xi1>, vector<16xf32>
        %swap3A = arith.index_cast %min3A_1231 : i32 to index
        %swap3A_1258 = tpu.vector_load %arg3[%swap3A] {strides = array<i32>} : memref<13824xf32, #tpu.memory_space<vmem>>, vector<16xf32>,
        %swap3A_1259 = vector.shape_cast %swap3A_1258 : vector<16xf32> to vector<16xf32>
        %swap3A_1260 = vector.shape_cast %select_n3A_1257 : vector<16xf32> to vector<16xf32>
        tpu.vector_store %arg3[%swap3A], %swap3A_1260 {strides = array<i32>} : memref<13824xf32, #tpu.memory_space<vmem>>, vector<16xf32>,
      }
      %scan3A_1218 = arith.constant 33 : i32
    } else {
    }
    %sub3A_127 = arith.constant 399770 : i32
    %sub3A_128 = arith.subi %sub3A_127, %select_n3A_10 : i32
    %max3A_129 = arith.constant 0 : i32
    %max3A_130 = arith.maxsi %sub3A_128, %max3A_129 : i32
    %sub3A_131 = arith.constant 402788 : i32
    %sub3A_132 = arith.subi %sub3A_131, %select_n3A_10 : i32
    %min3A_133 = arith.minsi %sub3A_132, %select_n3A_15 : i32
    %jit3A_134 = arith.constant 16 : i32
    %div3A_135 = arith.divsi %max3A_130, %jit3A_134 : i32
    %sign3A_136 = arith.constant 0 : i32
    %sign3A_137 = arith.cmpi sgt, %max3A_130, %sign3A_136 : i32
    %sign3A_138 = arith.extui %sign3A_137 : i1 to i32
    %sign3A_139 = arith.constant 0 : i32
    %sign3A_140 = arith.cmpi slt, %max3A_130, %sign3A_139 : i32
    %sign3A_141 = arith.extui %sign3A_140 : i1 to i32
    %sign3A_142 = arith.subi %sign3A_138, %sign3A_141 : i32
    %sign3A_143 = arith.constant 0 : i32
    %sign3A_144 = arith.cmpi sgt, %jit3A_134, %sign3A_143 : i32
    %sign3A_145 = arith.extui %sign3A_144 : i1 to i32
    %sign3A_146 = arith.constant 0 : i32
    %sign3A_147 = arith.cmpi slt, %jit3A_134, %sign3A_146 : i32
    %sign3A_148 = arith.extui %sign3A_147 : i1 to i32
    %sign3A_149 = arith.subi %sign3A_145, %sign3A_148 : i32
    %ne3A_150 = arith.cmpi ne, %sign3A_142, %sign3A_149 : i32
    %rem3A_151 = arith.remsi %max3A_130, %jit3A_134 : i32
    %ne3A_152 = arith.constant 0 : i32
    %ne3A_153 = arith.cmpi ne, %rem3A_151, %ne3A_152 : i32
    %and3A_154 = arith.andi %ne3A_150, %ne3A_153 : i1
    %sub3A_155 = arith.constant 1 : i32
    %sub3A_156 = arith.subi %div3A_135, %sub3A_155 : i32
    %select_n3A_157 = arith.select %and3A_154, %sub3A_156, %div3A_135 : i32
    %mul3A_158 = arith.constant 16 : i32
    %mul3A_159 = arith.muli %select_n3A_157, %mul3A_158 : i32
    %lt3A_160 = arith.cmpi slt, %max3A_130, %min3A_133 : i32
    %convert_element_type3A_161 = arith.extui %lt3A_160 : i1 to i32
    %cond3A_162 = arith.constant 0 : i32
    %cond3A_163 = arith.cmpi ne, %convert_element_type3A_161, %cond3A_162 : i32
    scf.if %cond3A_163 {
      %scan3A_1213 = arith.constant 0 : i32
      %scan3A_1214 = arith.constant 0 : i32
      %scan3A_1215 = arith.constant 190 : i32
      %scan3A_1216 = arith.addi %scan3A_1214, %scan3A_1215 : i32
      %scan3A_1217 = arith.constant 1 : i32
      scf.for %scan3A_1219 = %scan3A_1214 to %scan3A_1216 step %scan3A_1217  : i32 {
        %mul3A_1220 = arith.constant 16 : i32
        %mul3A_1221 = arith.muli %scan3A_1219, %mul3A_1220 : i32
        %add3A_1222 = arith.addi %mul3A_159, %mul3A_1221 : i32
        %add3A_1223 = vector.broadcast %add3A_1222 : i32 to vector<16xi32>
        %add3A_1224 = arith.addi %add3A_1223, %iota3A : vector<16xi32>
        %ge3A_1225 = vector.broadcast %max3A_130 : i32 to vector<16xi32>
        %ge3A_1226 = arith.cmpi sge, %add3A_1224, %ge3A_1225 : vector<16xi32>
        %lt3A_1227 = vector.broadcast %min3A_133 : i32 to vector<16xi32>
        %lt3A_1228 = arith.cmpi slt, %add3A_1224, %lt3A_1227 : vector<16xi32>
        %and3A_1229 = arith.andi %ge3A_1226, %lt3A_1228 : vector<16xi1>
        %min3A_1230 = arith.constant 13808 : i32
        %min3A_1231 = arith.minsi %add3A_1222, %min3A_1230 : i32
        %get3A = arith.index_cast %min3A_1231 : i32 to index
        %get3A_1232 = tpu.vector_load %arg3[%get3A] {strides = array<i32>} : memref<13824xf32, #tpu.memory_space<vmem>>, vector<16xf32>,
        %get3A_1233 = vector.shape_cast %get3A_1232 : vector<16xf32> to vector<16xf32>
        %add3A_1234 = vector.broadcast %select_n3A_10 : i32 to vector<16xi32>
        %add3A_1235 = arith.addi %add3A_1224, %add3A_1234 : vector<16xi32>
        %sub3A_1236 = arith.constant 399770 : i32
        %sub3A_1237 = vector.broadcast %sub3A_1236 : i32 to vector<16xi32>
        %sub3A_1238 = arith.subi %add3A_1235, %sub3A_1237 : vector<16xi32>
        %convert_element_type3A_1239 = arith.sitofp %sub3A_1238 : vector<16xi32> to vector<16xf32>
        %lt3A_1240 = arith.constant 1509 : i32
        %lt3A_1241 = vector.broadcast %lt3A_1240 : i32 to vector<16xi32>
        %lt3A_1242 = arith.cmpi slt, %sub3A_1238, %lt3A_1241 : vector<16xi32>
        %mul3A_1243 = arith.constant 6.63129962E-4 : f32
        %mul3A_1244 = vector.broadcast %mul3A_1243 : f32 to vector<16xf32>
        %mul3A_1245 = arith.mulf %convert_element_type3A_1239, %mul3A_1244 : vector<16xf32>
        %sub3A_1246 = arith.constant 1.509000e+03 : f32
        %sub3A_1247 = vector.broadcast %sub3A_1246 : f32 to vector<16xf32>
        %sub3A_1248 = arith.subf %convert_element_type3A_1239, %sub3A_1247 : vector<16xf32>
        %mul3A_1249 = arith.constant -6.63129962E-4 : f32
        %mul3A_1250 = vector.broadcast %mul3A_1249 : f32 to vector<16xf32>
        %mul3A_1251 = arith.mulf %sub3A_1248, %mul3A_1250 : vector<16xf32>
        %add3A_1252 = arith.constant 1.000000e+00 : f32
        %add3A_1253 = vector.broadcast %add3A_1252 : f32 to vector<16xf32>
        %add3A_1254 = arith.addf %add3A_1253, %mul3A_1251 : vector<16xf32>
        %select_n3A_1255 = arith.select %lt3A_1242, %mul3A_1245, %add3A_1254 : vector<16xi1>, vector<16xf32>
        %mul3A_1256 = arith.mulf %get3A_1233, %select_n3A_1255 : vector<16xf32>
        %select_n3A_1257 = arith.select %and3A_1229, %mul3A_1256, %get3A_1233 : vector<16xi1>, vector<16xf32>
        %swap3A = arith.index_cast %min3A_1231 : i32 to index
        %swap3A_1258 = tpu.vector_load %arg3[%swap3A] {strides = array<i32>} : memref<13824xf32, #tpu.memory_space<vmem>>, vector<16xf32>,
        %swap3A_1259 = vector.shape_cast %swap3A_1258 : vector<16xf32> to vector<16xf32>
        %swap3A_1260 = vector.shape_cast %select_n3A_1257 : vector<16xf32> to vector<16xf32>
        tpu.vector_store %arg3[%swap3A], %swap3A_1260 {strides = array<i32>} : memref<13824xf32, #tpu.memory_space<vmem>>, vector<16xf32>,
      }
      %scan3A_1218 = arith.constant 190 : i32
    } else {
    }
    %sub3A_164 = arith.constant 425332 : i32
    %sub3A_165 = arith.subi %sub3A_164, %select_n3A_10 : i32
    %max3A_166 = arith.constant 0 : i32
    %max3A_167 = arith.maxsi %sub3A_165, %max3A_166 : i32
    %sub3A_168 = arith.constant 428180 : i32
    %sub3A_169 = arith.subi %sub3A_168, %select_n3A_10 : i32
    %min3A_170 = arith.minsi %sub3A_169, %select_n3A_15 : i32
    %jit3A_171 = arith.constant 16 : i32
    %div3A_172 = arith.divsi %max3A_167, %jit3A_171 : i32
    %sign3A_173 = arith.constant 0 : i32
    %sign3A_174 = arith.cmpi sgt, %max3A_167, %sign3A_173 : i32
    %sign3A_175 = arith.extui %sign3A_174 : i1 to i32
    %sign3A_176 = arith.constant 0 : i32
    %sign3A_177 = arith.cmpi slt, %max3A_167, %sign3A_176 : i32
    %sign3A_178 = arith.extui %sign3A_177 : i1 to i32
    %sign3A_179 = arith.subi %sign3A_175, %sign3A_178 : i32
    %sign3A_180 = arith.constant 0 : i32
    %sign3A_181 = arith.cmpi sgt, %jit3A_171, %sign3A_180 : i32
    %sign3A_182 = arith.extui %sign3A_181 : i1 to i32
    %sign3A_183 = arith.constant 0 : i32
    %sign3A_184 = arith.cmpi slt, %jit3A_171, %sign3A_183 : i32
    %sign3A_185 = arith.extui %sign3A_184 : i1 to i32
    %sign3A_186 = arith.subi %sign3A_182, %sign3A_185 : i32
    %ne3A_187 = arith.cmpi ne, %sign3A_179, %sign3A_186 : i32
    %rem3A_188 = arith.remsi %max3A_167, %jit3A_171 : i32
    %ne3A_189 = arith.constant 0 : i32
    %ne3A_190 = arith.cmpi ne, %rem3A_188, %ne3A_189 : i32
    %and3A_191 = arith.andi %ne3A_187, %ne3A_190 : i1
    %sub3A_192 = arith.constant 1 : i32
    %sub3A_193 = arith.subi %div3A_172, %sub3A_192 : i32
    %select_n3A_194 = arith.select %and3A_191, %sub3A_193, %div3A_172 : i32
    %mul3A_195 = arith.constant 16 : i32
    %mul3A_196 = arith.muli %select_n3A_194, %mul3A_195 : i32
    %lt3A_197 = arith.cmpi slt, %max3A_167, %min3A_170 : i32
    %convert_element_type3A_198 = arith.extui %lt3A_197 : i1 to i32
    %cond3A_199 = arith.constant 0 : i32
    %cond3A_200 = arith.cmpi ne, %convert_element_type3A_198, %cond3A_199 : i32
    scf.if %cond3A_200 {
      %scan3A_1213 = arith.constant 0 : i32
      %scan3A_1214 = arith.constant 0 : i32
      %scan3A_1215 = arith.constant 180 : i32
      %scan3A_1216 = arith.addi %scan3A_1214, %scan3A_1215 : i32
      %scan3A_1217 = arith.constant 1 : i32
      scf.for %scan3A_1219 = %scan3A_1214 to %scan3A_1216 step %scan3A_1217  : i32 {
        %mul3A_1220 = arith.constant 16 : i32
        %mul3A_1221 = arith.muli %scan3A_1219, %mul3A_1220 : i32
        %add3A_1222 = arith.addi %mul3A_196, %mul3A_1221 : i32
        %add3A_1223 = vector.broadcast %add3A_1222 : i32 to vector<16xi32>
        %add3A_1224 = arith.addi %add3A_1223, %iota3A : vector<16xi32>
        %ge3A_1225 = vector.broadcast %max3A_167 : i32 to vector<16xi32>
        %ge3A_1226 = arith.cmpi sge, %add3A_1224, %ge3A_1225 : vector<16xi32>
        %lt3A_1227 = vector.broadcast %min3A_170 : i32 to vector<16xi32>
        %lt3A_1228 = arith.cmpi slt, %add3A_1224, %lt3A_1227 : vector<16xi32>
        %and3A_1229 = arith.andi %ge3A_1226, %lt3A_1228 : vector<16xi1>
        %min3A_1230 = arith.constant 13808 : i32
        %min3A_1231 = arith.minsi %add3A_1222, %min3A_1230 : i32
        %get3A = arith.index_cast %min3A_1231 : i32 to index
        %get3A_1232 = tpu.vector_load %arg3[%get3A] {strides = array<i32>} : memref<13824xf32, #tpu.memory_space<vmem>>, vector<16xf32>,
        %get3A_1233 = vector.shape_cast %get3A_1232 : vector<16xf32> to vector<16xf32>
        %add3A_1234 = vector.broadcast %select_n3A_10 : i32 to vector<16xi32>
        %add3A_1235 = arith.addi %add3A_1224, %add3A_1234 : vector<16xi32>
        %sub3A_1236 = arith.constant 425332 : i32
        %sub3A_1237 = vector.broadcast %sub3A_1236 : i32 to vector<16xi32>
        %sub3A_1238 = arith.subi %add3A_1235, %sub3A_1237 : vector<16xi32>
        %convert_element_type3A_1239 = arith.sitofp %sub3A_1238 : vector<16xi32> to vector<16xf32>
        %lt3A_1240 = arith.constant 1424 : i32
        %lt3A_1241 = vector.broadcast %lt3A_1240 : i32 to vector<16xi32>
        %lt3A_1242 = arith.cmpi slt, %sub3A_1238, %lt3A_1241 : vector<16xi32>
        %mul3A_1243 = arith.constant 7.02740683E-4 : f32
        %mul3A_1244 = vector.broadcast %mul3A_1243 : f32 to vector<16xf32>
        %mul3A_1245 = arith.mulf %convert_element_type3A_1239, %mul3A_1244 : vector<16xf32>
        %sub3A_1246 = arith.constant 1.424000e+03 : f32
        %sub3A_1247 = vector.broadcast %sub3A_1246 : f32 to vector<16xf32>
        %sub3A_1248 = arith.subf %convert_element_type3A_1239, %sub3A_1247 : vector<16xf32>
        %mul3A_1249 = arith.constant -7.02740683E-4 : f32
        %mul3A_1250 = vector.broadcast %mul3A_1249 : f32 to vector<16xf32>
        %mul3A_1251 = arith.mulf %sub3A_1248, %mul3A_1250 : vector<16xf32>
        %add3A_1252 = arith.constant 1.000000e+00 : f32
        %add3A_1253 = vector.broadcast %add3A_1252 : f32 to vector<16xf32>
        %add3A_1254 = arith.addf %add3A_1253, %mul3A_1251 : vector<16xf32>
        %select_n3A_1255 = arith.select %lt3A_1242, %mul3A_1245, %add3A_1254 : vector<16xi1>, vector<16xf32>
        %mul3A_1256 = arith.mulf %get3A_1233, %select_n3A_1255 : vector<16xf32>
        %select_n3A_1257 = arith.select %and3A_1229, %mul3A_1256, %get3A_1233 : vector<16xi1>, vector<16xf32>
        %swap3A = arith.index_cast %min3A_1231 : i32 to index
        %swap3A_1258 = tpu.vector_load %arg3[%swap3A] {strides = array<i32>} : memref<13824xf32, #tpu.memory_space<vmem>>, vector<16xf32>,
        %swap3A_1259 = vector.shape_cast %swap3A_1258 : vector<16xf32> to vector<16xf32>
        %swap3A_1260 = vector.shape_cast %select_n3A_1257 : vector<16xf32> to vector<16xf32>
        tpu.vector_store %arg3[%swap3A], %swap3A_1260 {strides = array<i32>} : memref<13824xf32, #tpu.memory_space<vmem>>, vector<16xf32>,
      }
      %scan3A_1218 = arith.constant 180 : i32
    } else {
    }
    %sub3A_201 = arith.constant 238134 : i32
    %sub3A_202 = arith.subi %sub3A_201, %select_n3A_10 : i32
    %max3A_203 = arith.constant 0 : i32
    %max3A_204 = arith.maxsi %sub3A_202, %max3A_203 : i32
    %sub3A_205 = arith.constant 241084 : i32
    %sub3A_206 = arith.subi %sub3A_205, %select_n3A_10 : i32
    %min3A_207 = arith.minsi %sub3A_206, %select_n3A_15 : i32
    %jit3A_208 = arith.constant 16 : i32
    %div3A_209 = arith.divsi %max3A_204, %jit3A_208 : i32
    %sign3A_210 = arith.constant 0 : i32
    %sign3A_211 = arith.cmpi sgt, %max3A_204, %sign3A_210 : i32
    %sign3A_212 = arith.extui %sign3A_211 : i1 to i32
    %sign3A_213 = arith.constant 0 : i32
    %sign3A_214 = arith.cmpi slt, %max3A_204, %sign3A_213 : i32
    %sign3A_215 = arith.extui %sign3A_214 : i1 to i32
    %sign3A_216 = arith.subi %sign3A_212, %sign3A_215 : i32
    %sign3A_217 = arith.constant 0 : i32
    %sign3A_218 = arith.cmpi sgt, %jit3A_208, %sign3A_217 : i32
    %sign3A_219 = arith.extui %sign3A_218 : i1 to i32
    %sign3A_220 = arith.constant 0 : i32
    %sign3A_221 = arith.cmpi slt, %jit3A_208, %sign3A_220 : i32
    %sign3A_222 = arith.extui %sign3A_221 : i1 to i32
    %sign3A_223 = arith.subi %sign3A_219, %sign3A_222 : i32
    %ne3A_224 = arith.cmpi ne, %sign3A_216, %sign3A_223 : i32
    %rem3A_225 = arith.remsi %max3A_204, %jit3A_208 : i32
    %ne3A_226 = arith.constant 0 : i32
    %ne3A_227 = arith.cmpi ne, %rem3A_225, %ne3A_226 : i32
    %and3A_228 = arith.andi %ne3A_224, %ne3A_227 : i1
    %sub3A_229 = arith.constant 1 : i32
    %sub3A_230 = arith.subi %div3A_209, %sub3A_229 : i32
    %select_n3A_231 = arith.select %and3A_228, %sub3A_230, %div3A_209 : i32
    %mul3A_232 = arith.constant 16 : i32
    %mul3A_233 = arith.muli %select_n3A_231, %mul3A_232 : i32
    %lt3A_234 = arith.cmpi slt, %max3A_204, %min3A_207 : i32
    %convert_element_type3A_235 = arith.extui %lt3A_234 : i1 to i32
    %cond3A_236 = arith.constant 0 : i32
    %cond3A_237 = arith.cmpi ne, %convert_element_type3A_235, %cond3A_236 : i32
    scf.if %cond3A_237 {
      %scan3A_1213 = arith.constant 0 : i32
      %scan3A_1214 = arith.constant 0 : i32
      %scan3A_1215 = arith.constant 186 : i32
      %scan3A_1216 = arith.addi %scan3A_1214, %scan3A_1215 : i32
      %scan3A_1217 = arith.constant 1 : i32
      scf.for %scan3A_1219 = %scan3A_1214 to %scan3A_1216 step %scan3A_1217  : i32 {
        %mul3A_1220 = arith.constant 16 : i32
        %mul3A_1221 = arith.muli %scan3A_1219, %mul3A_1220 : i32
        %add3A_1222 = arith.addi %mul3A_233, %mul3A_1221 : i32
        %add3A_1223 = vector.broadcast %add3A_1222 : i32 to vector<16xi32>
        %add3A_1224 = arith.addi %add3A_1223, %iota3A : vector<16xi32>
        %ge3A_1225 = vector.broadcast %max3A_204 : i32 to vector<16xi32>
        %ge3A_1226 = arith.cmpi sge, %add3A_1224, %ge3A_1225 : vector<16xi32>
        %lt3A_1227 = vector.broadcast %min3A_207 : i32 to vector<16xi32>
        %lt3A_1228 = arith.cmpi slt, %add3A_1224, %lt3A_1227 : vector<16xi32>
        %and3A_1229 = arith.andi %ge3A_1226, %lt3A_1228 : vector<16xi1>
        %min3A_1230 = arith.constant 13808 : i32
        %min3A_1231 = arith.minsi %add3A_1222, %min3A_1230 : i32
        %get3A = arith.index_cast %min3A_1231 : i32 to index
        %get3A_1232 = tpu.vector_load %arg3[%get3A] {strides = array<i32>} : memref<13824xf32, #tpu.memory_space<vmem>>, vector<16xf32>,
        %get3A_1233 = vector.shape_cast %get3A_1232 : vector<16xf32> to vector<16xf32>
        %add3A_1234 = vector.broadcast %select_n3A_10 : i32 to vector<16xi32>
        %add3A_1235 = arith.addi %add3A_1224, %add3A_1234 : vector<16xi32>
        %sub3A_1236 = arith.constant 238134 : i32
        %sub3A_1237 = vector.broadcast %sub3A_1236 : i32 to vector<16xi32>
        %sub3A_1238 = arith.subi %add3A_1235, %sub3A_1237 : vector<16xi32>
        %convert_element_type3A_1239 = arith.sitofp %sub3A_1238 : vector<16xi32> to vector<16xf32>
        %lt3A_1240 = arith.constant 1475 : i32
        %lt3A_1241 = vector.broadcast %lt3A_1240 : i32 to vector<16xi32>
        %lt3A_1242 = arith.cmpi slt, %sub3A_1238, %lt3A_1241 : vector<16xi32>
        %mul3A_1243 = arith.constant 6.78426062E-4 : f32
        %mul3A_1244 = vector.broadcast %mul3A_1243 : f32 to vector<16xf32>
        %mul3A_1245 = arith.mulf %convert_element_type3A_1239, %mul3A_1244 : vector<16xf32>
        %sub3A_1246 = arith.constant 1.475000e+03 : f32
        %sub3A_1247 = vector.broadcast %sub3A_1246 : f32 to vector<16xf32>
        %sub3A_1248 = arith.subf %convert_element_type3A_1239, %sub3A_1247 : vector<16xf32>
        %mul3A_1249 = arith.constant -6.78426062E-4 : f32
        %mul3A_1250 = vector.broadcast %mul3A_1249 : f32 to vector<16xf32>
        %mul3A_1251 = arith.mulf %sub3A_1248, %mul3A_1250 : vector<16xf32>
        %add3A_1252 = arith.constant 1.000000e+00 : f32
        %add3A_1253 = vector.broadcast %add3A_1252 : f32 to vector<16xf32>
        %add3A_1254 = arith.addf %add3A_1253, %mul3A_1251 : vector<16xf32>
        %select_n3A_1255 = arith.select %lt3A_1242, %mul3A_1245, %add3A_1254 : vector<16xi1>, vector<16xf32>
        %mul3A_1256 = arith.mulf %get3A_1233, %select_n3A_1255 : vector<16xf32>
        %select_n3A_1257 = arith.select %and3A_1229, %mul3A_1256, %get3A_1233 : vector<16xi1>, vector<16xf32>
        %swap3A = arith.index_cast %min3A_1231 : i32 to index
        %swap3A_1258 = tpu.vector_load %arg3[%swap3A] {strides = array<i32>} : memref<13824xf32, #tpu.memory_space<vmem>>, vector<16xf32>,
        %swap3A_1259 = vector.shape_cast %swap3A_1258 : vector<16xf32> to vector<16xf32>
        %swap3A_1260 = vector.shape_cast %select_n3A_1257 : vector<16xf32> to vector<16xf32>
        tpu.vector_store %arg3[%swap3A], %swap3A_1260 {strides = array<i32>} : memref<13824xf32, #tpu.memory_space<vmem>>, vector<16xf32>,
      }
      %scan3A_1218 = arith.constant 186 : i32
    } else {
    }
    %sub3A_238 = arith.constant 121158 : i32
    %sub3A_239 = arith.subi %sub3A_238, %select_n3A_10 : i32
    %max3A_240 = arith.constant 0 : i32
    %max3A_241 = arith.maxsi %sub3A_239, %max3A_240 : i32
    %sub3A_242 = arith.constant 125310 : i32
    %sub3A_243 = arith.subi %sub3A_242, %select_n3A_10 : i32
    %min3A_244 = arith.minsi %sub3A_243, %select_n3A_15 : i32
    %jit3A_245 = arith.constant 16 : i32
    %div3A_246 = arith.divsi %max3A_241, %jit3A_245 : i32
    %sign3A_247 = arith.constant 0 : i32
    %sign3A_248 = arith.cmpi sgt, %max3A_241, %sign3A_247 : i32
    %sign3A_249 = arith.extui %sign3A_248 : i1 to i32
    %sign3A_250 = arith.constant 0 : i32
    %sign3A_251 = arith.cmpi slt, %max3A_241, %sign3A_250 : i32
    %sign3A_252 = arith.extui %sign3A_251 : i1 to i32
    %sign3A_253 = arith.subi %sign3A_249, %sign3A_252 : i32
    %sign3A_254 = arith.constant 0 : i32
    %sign3A_255 = arith.cmpi sgt, %jit3A_245, %sign3A_254 : i32
    %sign3A_256 = arith.extui %sign3A_255 : i1 to i32
    %sign3A_257 = arith.constant 0 : i32
    %sign3A_258 = arith.cmpi slt, %jit3A_245, %sign3A_257 : i32
    %sign3A_259 = arith.extui %sign3A_258 : i1 to i32
    %sign3A_260 = arith.subi %sign3A_256, %sign3A_259 : i32
    %ne3A_261 = arith.cmpi ne, %sign3A_253, %sign3A_260 : i32
    %rem3A_262 = arith.remsi %max3A_241, %jit3A_245 : i32
    %ne3A_263 = arith.constant 0 : i32
    %ne3A_264 = arith.cmpi ne, %rem3A_262, %ne3A_263 : i32
    %and3A_265 = arith.andi %ne3A_261, %ne3A_264 : i1
    %sub3A_266 = arith.constant 1 : i32
    %sub3A_267 = arith.subi %div3A_246, %sub3A_266 : i32
    %select_n3A_268 = arith.select %and3A_265, %sub3A_267, %div3A_246 : i32
    %mul3A_269 = arith.constant 16 : i32
    %mul3A_270 = arith.muli %select_n3A_268, %mul3A_269 : i32
    %lt3A_271 = arith.cmpi slt, %max3A_241, %min3A_244 : i32
    %convert_element_type3A_272 = arith.extui %lt3A_271 : i1 to i32
    %cond3A_273 = arith.constant 0 : i32
    %cond3A_274 = arith.cmpi ne, %convert_element_type3A_272, %cond3A_273 : i32
    scf.if %cond3A_274 {
      %scan3A_1213 = arith.constant 0 : i32
      %scan3A_1214 = arith.constant 0 : i32
      %scan3A_1215 = arith.constant 261 : i32
      %scan3A_1216 = arith.addi %scan3A_1214, %scan3A_1215 : i32
      %scan3A_1217 = arith.constant 1 : i32
      scf.for %scan3A_1219 = %scan3A_1214 to %scan3A_1216 step %scan3A_1217  : i32 {
        %mul3A_1220 = arith.constant 16 : i32
        %mul3A_1221 = arith.muli %scan3A_1219, %mul3A_1220 : i32
        %add3A_1222 = arith.addi %mul3A_270, %mul3A_1221 : i32
        %add3A_1223 = vector.broadcast %add3A_1222 : i32 to vector<16xi32>
        %add3A_1224 = arith.addi %add3A_1223, %iota3A : vector<16xi32>
        %ge3A_1225 = vector.broadcast %max3A_241 : i32 to vector<16xi32>
        %ge3A_1226 = arith.cmpi sge, %add3A_1224, %ge3A_1225 : vector<16xi32>
        %lt3A_1227 = vector.broadcast %min3A_244 : i32 to vector<16xi32>
        %lt3A_1228 = arith.cmpi slt, %add3A_1224, %lt3A_1227 : vector<16xi32>
        %and3A_1229 = arith.andi %ge3A_1226, %lt3A_1228 : vector<16xi1>
        %min3A_1230 = arith.constant 13808 : i32
        %min3A_1231 = arith.minsi %add3A_1222, %min3A_1230 : i32
        %get3A = arith.index_cast %min3A_1231 : i32 to index
        %get3A_1232 = tpu.vector_load %arg3[%get3A] {strides = array<i32>} : memref<13824xf32, #tpu.memory_space<vmem>>, vector<16xf32>,
        %get3A_1233 = vector.shape_cast %get3A_1232 : vector<16xf32> to vector<16xf32>
        %add3A_1234 = vector.broadcast %select_n3A_10 : i32 to vector<16xi32>
        %add3A_1235 = arith.addi %add3A_1224, %add3A_1234 : vector<16xi32>
        %sub3A_1236 = arith.constant 121158 : i32
        %sub3A_1237 = vector.broadcast %sub3A_1236 : i32 to vector<16xi32>
        %sub3A_1238 = arith.subi %add3A_1235, %sub3A_1237 : vector<16xi32>
        %convert_element_type3A_1239 = arith.sitofp %sub3A_1238 : vector<16xi32> to vector<16xf32>
        %lt3A_1240 = arith.constant 2076 : i32
        %lt3A_1241 = vector.broadcast %lt3A_1240 : i32 to vector<16xi32>
        %lt3A_1242 = arith.cmpi slt, %sub3A_1238, %lt3A_1241 : vector<16xi32>
        %mul3A_1243 = arith.constant 4.81927709E-4 : f32
        %mul3A_1244 = vector.broadcast %mul3A_1243 : f32 to vector<16xf32>
        %mul3A_1245 = arith.mulf %convert_element_type3A_1239, %mul3A_1244 : vector<16xf32>
        %sub3A_1246 = arith.constant 2.076000e+03 : f32
        %sub3A_1247 = vector.broadcast %sub3A_1246 : f32 to vector<16xf32>
        %sub3A_1248 = arith.subf %convert_element_type3A_1239, %sub3A_1247 : vector<16xf32>
        %mul3A_1249 = arith.constant -4.81927709E-4 : f32
        %mul3A_1250 = vector.broadcast %mul3A_1249 : f32 to vector<16xf32>
        %mul3A_1251 = arith.mulf %sub3A_1248, %mul3A_1250 : vector<16xf32>
        %add3A_1252 = arith.constant 1.000000e+00 : f32
        %add3A_1253 = vector.broadcast %add3A_1252 : f32 to vector<16xf32>
        %add3A_1254 = arith.addf %add3A_1253, %mul3A_1251 : vector<16xf32>
        %select_n3A_1255 = arith.select %lt3A_1242, %mul3A_1245, %add3A_1254 : vector<16xi1>, vector<16xf32>
        %mul3A_1256 = arith.mulf %get3A_1233, %select_n3A_1255 : vector<16xf32>
        %select_n3A_1257 = arith.select %and3A_1229, %mul3A_1256, %get3A_1233 : vector<16xi1>, vector<16xf32>
        %swap3A = arith.index_cast %min3A_1231 : i32 to index
        %swap3A_1258 = tpu.vector_load %arg3[%swap3A] {strides = array<i32>} : memref<13824xf32, #tpu.memory_space<vmem>>, vector<16xf32>,
        %swap3A_1259 = vector.shape_cast %swap3A_1258 : vector<16xf32> to vector<16xf32>
        %swap3A_1260 = vector.shape_cast %select_n3A_1257 : vector<16xf32> to vector<16xf32>
        tpu.vector_store %arg3[%swap3A], %swap3A_1260 {strides = array<i32>} : memref<13824xf32, #tpu.memory_space<vmem>>, vector<16xf32>,
      }
      %scan3A_1218 = arith.constant 261 : i32
    } else {
    }
    %sub3A_275 = arith.constant 1199 : i32
    %sub3A_276 = arith.subi %sub3A_275, %select_n3A_10 : i32
    %max3A_277 = arith.constant 0 : i32
    %max3A_278 = arith.maxsi %sub3A_276, %max3A_277 : i32
    %sub3A_279 = arith.constant 4302 : i32
    %sub3A_280 = arith.subi %sub3A_279, %select_n3A_10 : i32
    %min3A_281 = arith.minsi %sub3A_280, %select_n3A_15 : i32
    %jit3A_282 = arith.constant 16 : i32
    %div3A_283 = arith.divsi %max3A_278, %jit3A_282 : i32
    %sign3A_284 = arith.constant 0 : i32
    %sign3A_285 = arith.cmpi sgt, %max3A_278, %sign3A_284 : i32
    %sign3A_286 = arith.extui %sign3A_285 : i1 to i32
    %sign3A_287 = arith.constant 0 : i32
    %sign3A_288 = arith.cmpi slt, %max3A_278, %sign3A_287 : i32
    %sign3A_289 = arith.extui %sign3A_288 : i1 to i32
    %sign3A_290 = arith.subi %sign3A_286, %sign3A_289 : i32
    %sign3A_291 = arith.constant 0 : i32
    %sign3A_292 = arith.cmpi sgt, %jit3A_282, %sign3A_291 : i32
    %sign3A_293 = arith.extui %sign3A_292 : i1 to i32
    %sign3A_294 = arith.constant 0 : i32
    %sign3A_295 = arith.cmpi slt, %jit3A_282, %sign3A_294 : i32
    %sign3A_296 = arith.extui %sign3A_295 : i1 to i32
    %sign3A_297 = arith.subi %sign3A_293, %sign3A_296 : i32
    %ne3A_298 = arith.cmpi ne, %sign3A_290, %sign3A_297 : i32
    %rem3A_299 = arith.remsi %max3A_278, %jit3A_282 : i32
    %ne3A_300 = arith.constant 0 : i32
    %ne3A_301 = arith.cmpi ne, %rem3A_299, %ne3A_300 : i32
    %and3A_302 = arith.andi %ne3A_298, %ne3A_301 : i1
    %sub3A_303 = arith.constant 1 : i32
    %sub3A_304 = arith.subi %div3A_283, %sub3A_303 : i32
    %select_n3A_305 = arith.select %and3A_302, %sub3A_304, %div3A_283 : i32
    %mul3A_306 = arith.constant 16 : i32
    %mul3A_307 = arith.muli %select_n3A_305, %mul3A_306 : i32
    %lt3A_308 = arith.cmpi slt, %max3A_278, %min3A_281 : i32
    %convert_element_type3A_309 = arith.extui %lt3A_308 : i1 to i32
    %cond3A_310 = arith.constant 0 : i32
    %cond3A_311 = arith.cmpi ne, %convert_element_type3A_309, %cond3A_310 : i32
    scf.if %cond3A_311 {
      %scan3A_1213 = arith.constant 0 : i32
      %scan3A_1214 = arith.constant 0 : i32
      %scan3A_1215 = arith.constant 195 : i32
      %scan3A_1216 = arith.addi %scan3A_1214, %scan3A_1215 : i32
      %scan3A_1217 = arith.constant 1 : i32
      scf.for %scan3A_1219 = %scan3A_1214 to %scan3A_1216 step %scan3A_1217  : i32 {
        %mul3A_1220 = arith.constant 16 : i32
        %mul3A_1221 = arith.muli %scan3A_1219, %mul3A_1220 : i32
        %add3A_1222 = arith.addi %mul3A_307, %mul3A_1221 : i32
        %add3A_1223 = vector.broadcast %add3A_1222 : i32 to vector<16xi32>
        %add3A_1224 = arith.addi %add3A_1223, %iota3A : vector<16xi32>
        %ge3A_1225 = vector.broadcast %max3A_278 : i32 to vector<16xi32>
        %ge3A_1226 = arith.cmpi sge, %add3A_1224, %ge3A_1225 : vector<16xi32>
        %lt3A_1227 = vector.broadcast %min3A_281 : i32 to vector<16xi32>
        %lt3A_1228 = arith.cmpi slt, %add3A_1224, %lt3A_1227 : vector<16xi32>
        %and3A_1229 = arith.andi %ge3A_1226, %lt3A_1228 : vector<16xi1>
        %min3A_1230 = arith.constant 13808 : i32
        %min3A_1231 = arith.minsi %add3A_1222, %min3A_1230 : i32
        %get3A = arith.index_cast %min3A_1231 : i32 to index
        %get3A_1232 = tpu.vector_load %arg3[%get3A] {strides = array<i32>} : memref<13824xf32, #tpu.memory_space<vmem>>, vector<16xf32>,
        %get3A_1233 = vector.shape_cast %get3A_1232 : vector<16xf32> to vector<16xf32>
        %jit3A_1234 = arith.constant 0.000000e+00 : f32
        %broadcast_in_dim3A_1235 = vector.broadcast %jit3A_1234 : f32 to vector<16xf32>
        %select_n3A_1236 = arith.select %and3A_1229, %broadcast_in_dim3A_1235, %get3A_1233 : vector<16xi1>, vector<16xf32>
        %swap3A = arith.index_cast %min3A_1231 : i32 to index
        %swap3A_1237 = tpu.vector_load %arg3[%swap3A] {strides = array<i32>} : memref<13824xf32, #tpu.memory_space<vmem>>, vector<16xf32>,
        %swap3A_1238 = vector.shape_cast %swap3A_1237 : vector<16xf32> to vector<16xf32>
        %swap3A_1239 = vector.shape_cast %select_n3A_1236 : vector<16xf32> to vector<16xf32>
        tpu.vector_store %arg3[%swap3A], %swap3A_1239 {strides = array<i32>} : memref<13824xf32, #tpu.memory_space<vmem>>, vector<16xf32>,
      }
      %scan3A_1218 = arith.constant 195 : i32
    } else {
    }
    %sub3A_312 = arith.constant 242322 : i32
    %sub3A_313 = arith.subi %sub3A_312, %select_n3A_10 : i32
    %max3A_314 = arith.constant 0 : i32
    %max3A_315 = arith.maxsi %sub3A_313, %max3A_314 : i32
    %sub3A_316 = arith.constant 246166 : i32
    %sub3A_317 = arith.subi %sub3A_316, %select_n3A_10 : i32
    %min3A_318 = arith.minsi %sub3A_317, %select_n3A_15 : i32
    %jit3A_319 = arith.constant 16 : i32
    %div3A_320 = arith.divsi %max3A_315, %jit3A_319 : i32
    %sign3A_321 = arith.constant 0 : i32
    %sign3A_322 = arith.cmpi sgt, %max3A_315, %sign3A_321 : i32
    %sign3A_323 = arith.extui %sign3A_322 : i1 to i32
    %sign3A_324 = arith.constant 0 : i32
    %sign3A_325 = arith.cmpi slt, %max3A_315, %sign3A_324 : i32
    %sign3A_326 = arith.extui %sign3A_325 : i1 to i32
    %sign3A_327 = arith.subi %sign3A_323, %sign3A_326 : i32
    %sign3A_328 = arith.constant 0 : i32
    %sign3A_329 = arith.cmpi sgt, %jit3A_319, %sign3A_328 : i32
    %sign3A_330 = arith.extui %sign3A_329 : i1 to i32
    %sign3A_331 = arith.constant 0 : i32
    %sign3A_332 = arith.cmpi slt, %jit3A_319, %sign3A_331 : i32
    %sign3A_333 = arith.extui %sign3A_332 : i1 to i32
    %sign3A_334 = arith.subi %sign3A_330, %sign3A_333 : i32
    %ne3A_335 = arith.cmpi ne, %sign3A_327, %sign3A_334 : i32
    %rem3A_336 = arith.remsi %max3A_315, %jit3A_319 : i32
    %ne3A_337 = arith.constant 0 : i32
    %ne3A_338 = arith.cmpi ne, %rem3A_336, %ne3A_337 : i32
    %and3A_339 = arith.andi %ne3A_335, %ne3A_338 : i1
    %sub3A_340 = arith.constant 1 : i32
    %sub3A_341 = arith.subi %div3A_320, %sub3A_340 : i32
    %select_n3A_342 = arith.select %and3A_339, %sub3A_341, %div3A_320 : i32
    %mul3A_343 = arith.constant 16 : i32
    %mul3A_344 = arith.muli %select_n3A_342, %mul3A_343 : i32
    %lt3A_345 = arith.cmpi slt, %max3A_315, %min3A_318 : i32
    %convert_element_type3A_346 = arith.extui %lt3A_345 : i1 to i32
    %cond3A_347 = arith.constant 0 : i32
    %cond3A_348 = arith.cmpi ne, %convert_element_type3A_346, %cond3A_347 : i32
    scf.if %cond3A_348 {
      %scan3A_1213 = arith.constant 0 : i32
      %scan3A_1214 = arith.constant 0 : i32
      %scan3A_1215 = arith.constant 242 : i32
      %scan3A_1216 = arith.addi %scan3A_1214, %scan3A_1215 : i32
      %scan3A_1217 = arith.constant 1 : i32
      scf.for %scan3A_1219 = %scan3A_1214 to %scan3A_1216 step %scan3A_1217  : i32 {
        %mul3A_1220 = arith.constant 16 : i32
        %mul3A_1221 = arith.muli %scan3A_1219, %mul3A_1220 : i32
        %add3A_1222 = arith.addi %mul3A_344, %mul3A_1221 : i32
        %add3A_1223 = vector.broadcast %add3A_1222 : i32 to vector<16xi32>
        %add3A_1224 = arith.addi %add3A_1223, %iota3A : vector<16xi32>
        %ge3A_1225 = vector.broadcast %max3A_315 : i32 to vector<16xi32>
        %ge3A_1226 = arith.cmpi sge, %add3A_1224, %ge3A_1225 : vector<16xi32>
        %lt3A_1227 = vector.broadcast %min3A_318 : i32 to vector<16xi32>
        %lt3A_1228 = arith.cmpi slt, %add3A_1224, %lt3A_1227 : vector<16xi32>
        %and3A_1229 = arith.andi %ge3A_1226, %lt3A_1228 : vector<16xi1>
        %min3A_1230 = arith.constant 13808 : i32
        %min3A_1231 = arith.minsi %add3A_1222, %min3A_1230 : i32
        %get3A = arith.index_cast %min3A_1231 : i32 to index
        %get3A_1232 = tpu.vector_load %arg3[%get3A] {strides = array<i32>} : memref<13824xf32, #tpu.memory_space<vmem>>, vector<16xf32>,
        %get3A_1233 = vector.shape_cast %get3A_1232 : vector<16xf32> to vector<16xf32>
        %jit3A_1234 = arith.constant 0.000000e+00 : f32
        %broadcast_in_dim3A_1235 = vector.broadcast %jit3A_1234 : f32 to vector<16xf32>
        %select_n3A_1236 = arith.select %and3A_1229, %broadcast_in_dim3A_1235, %get3A_1233 : vector<16xi1>, vector<16xf32>
        %swap3A = arith.index_cast %min3A_1231 : i32 to index
        %swap3A_1237 = tpu.vector_load %arg3[%swap3A] {strides = array<i32>} : memref<13824xf32, #tpu.memory_space<vmem>>, vector<16xf32>,
        %swap3A_1238 = vector.shape_cast %swap3A_1237 : vector<16xf32> to vector<16xf32>
        %swap3A_1239 = vector.shape_cast %select_n3A_1236 : vector<16xf32> to vector<16xf32>
        tpu.vector_store %arg3[%swap3A], %swap3A_1239 {strides = array<i32>} : memref<13824xf32, #tpu.memory_space<vmem>>, vector<16xf32>,
      }
      %scan3A_1218 = arith.constant 242 : i32
    } else {
    }
    %sub3A_349 = arith.constant 319241 : i32
    %sub3A_350 = arith.subi %sub3A_349, %select_n3A_10 : i32
    %max3A_351 = arith.constant 0 : i32
    %max3A_352 = arith.maxsi %sub3A_350, %max3A_351 : i32
    %sub3A_353 = arith.constant 322717 : i32
    %sub3A_354 = arith.subi %sub3A_353, %select_n3A_10 : i32
    %min3A_355 = arith.minsi %sub3A_354, %select_n3A_15 : i32
    %jit3A_356 = arith.constant 16 : i32
    %div3A_357 = arith.divsi %max3A_352, %jit3A_356 : i32
    %sign3A_358 = arith.constant 0 : i32
    %sign3A_359 = arith.cmpi sgt, %max3A_352, %sign3A_358 : i32
    %sign3A_360 = arith.extui %sign3A_359 : i1 to i32
    %sign3A_361 = arith.constant 0 : i32
    %sign3A_362 = arith.cmpi slt, %max3A_352, %sign3A_361 : i32
    %sign3A_363 = arith.extui %sign3A_362 : i1 to i32
    %sign3A_364 = arith.subi %sign3A_360, %sign3A_363 : i32
    %sign3A_365 = arith.constant 0 : i32
    %sign3A_366 = arith.cmpi sgt, %jit3A_356, %sign3A_365 : i32
    %sign3A_367 = arith.extui %sign3A_366 : i1 to i32
    %sign3A_368 = arith.constant 0 : i32
    %sign3A_369 = arith.cmpi slt, %jit3A_356, %sign3A_368 : i32
    %sign3A_370 = arith.extui %sign3A_369 : i1 to i32
    %sign3A_371 = arith.subi %sign3A_367, %sign3A_370 : i32
    %ne3A_372 = arith.cmpi ne, %sign3A_364, %sign3A_371 : i32
    %rem3A_373 = arith.remsi %max3A_352, %jit3A_356 : i32
    %ne3A_374 = arith.constant 0 : i32
    %ne3A_375 = arith.cmpi ne, %rem3A_373, %ne3A_374 : i32
    %and3A_376 = arith.andi %ne3A_372, %ne3A_375 : i1
    %sub3A_377 = arith.constant 1 : i32
    %sub3A_378 = arith.subi %div3A_357, %sub3A_377 : i32
    %select_n3A_379 = arith.select %and3A_376, %sub3A_378, %div3A_357 : i32
    %mul3A_380 = arith.constant 16 : i32
    %mul3A_381 = arith.muli %select_n3A_379, %mul3A_380 : i32
    %lt3A_382 = arith.cmpi slt, %max3A_352, %min3A_355 : i32
    %convert_element_type3A_383 = arith.extui %lt3A_382 : i1 to i32
    %cond3A_384 = arith.constant 0 : i32
    %cond3A_385 = arith.cmpi ne, %convert_element_type3A_383, %cond3A_384 : i32
    scf.if %cond3A_385 {
      %scan3A_1213 = arith.constant 0 : i32
      %scan3A_1214 = arith.constant 0 : i32
      %scan3A_1215 = arith.constant 219 : i32
      %scan3A_1216 = arith.addi %scan3A_1214, %scan3A_1215 : i32
      %scan3A_1217 = arith.constant 1 : i32
      scf.for %scan3A_1219 = %scan3A_1214 to %scan3A_1216 step %scan3A_1217  : i32 {
        %mul3A_1220 = arith.constant 16 : i32
        %mul3A_1221 = arith.muli %scan3A_1219, %mul3A_1220 : i32
        %add3A_1222 = arith.addi %mul3A_381, %mul3A_1221 : i32
        %add3A_1223 = vector.broadcast %add3A_1222 : i32 to vector<16xi32>
        %add3A_1224 = arith.addi %add3A_1223, %iota3A : vector<16xi32>
        %ge3A_1225 = vector.broadcast %max3A_352 : i32 to vector<16xi32>
        %ge3A_1226 = arith.cmpi sge, %add3A_1224, %ge3A_1225 : vector<16xi32>
        %lt3A_1227 = vector.broadcast %min3A_355 : i32 to vector<16xi32>
        %lt3A_1228 = arith.cmpi slt, %add3A_1224, %lt3A_1227 : vector<16xi32>
        %and3A_1229 = arith.andi %ge3A_1226, %lt3A_1228 : vector<16xi1>
        %min3A_1230 = arith.constant 13808 : i32
        %min3A_1231 = arith.minsi %add3A_1222, %min3A_1230 : i32
        %get3A = arith.index_cast %min3A_1231 : i32 to index
        %get3A_1232 = tpu.vector_load %arg3[%get3A] {strides = array<i32>} : memref<13824xf32, #tpu.memory_space<vmem>>, vector<16xf32>,
        %get3A_1233 = vector.shape_cast %get3A_1232 : vector<16xf32> to vector<16xf32>
        %add3A_1234 = vector.broadcast %select_n3A_10 : i32 to vector<16xi32>
        %add3A_1235 = arith.addi %add3A_1224, %add3A_1234 : vector<16xi32>
        %sub3A_1236 = arith.constant 319241 : i32
        %sub3A_1237 = vector.broadcast %sub3A_1236 : i32 to vector<16xi32>
        %sub3A_1238 = arith.subi %add3A_1235, %sub3A_1237 : vector<16xi32>
        %convert_element_type3A_1239 = arith.sitofp %sub3A_1238 : vector<16xi32> to vector<16xf32>
        %lt3A_1240 = arith.constant 1738 : i32
        %lt3A_1241 = vector.broadcast %lt3A_1240 : i32 to vector<16xi32>
        %lt3A_1242 = arith.cmpi slt, %sub3A_1238, %lt3A_1241 : vector<16xi32>
        %mul3A_1243 = arith.constant 5.75705257E-4 : f32
        %mul3A_1244 = vector.broadcast %mul3A_1243 : f32 to vector<16xf32>
        %mul3A_1245 = arith.mulf %convert_element_type3A_1239, %mul3A_1244 : vector<16xf32>
        %sub3A_1246 = arith.constant 1.738000e+03 : f32
        %sub3A_1247 = vector.broadcast %sub3A_1246 : f32 to vector<16xf32>
        %sub3A_1248 = arith.subf %convert_element_type3A_1239, %sub3A_1247 : vector<16xf32>
        %mul3A_1249 = arith.constant -5.75705257E-4 : f32
        %mul3A_1250 = vector.broadcast %mul3A_1249 : f32 to vector<16xf32>
        %mul3A_1251 = arith.mulf %sub3A_1248, %mul3A_1250 : vector<16xf32>
        %add3A_1252 = arith.constant 1.000000e+00 : f32
        %add3A_1253 = vector.broadcast %add3A_1252 : f32 to vector<16xf32>
        %add3A_1254 = arith.addf %add3A_1253, %mul3A_1251 : vector<16xf32>
        %select_n3A_1255 = arith.select %lt3A_1242, %mul3A_1245, %add3A_1254 : vector<16xi1>, vector<16xf32>
        %mul3A_1256 = arith.mulf %get3A_1233, %select_n3A_1255 : vector<16xf32>
        %select_n3A_1257 = arith.select %and3A_1229, %mul3A_1256, %get3A_1233 : vector<16xi1>, vector<16xf32>
        %swap3A = arith.index_cast %min3A_1231 : i32 to index
        %swap3A_1258 = tpu.vector_load %arg3[%swap3A] {strides = array<i32>} : memref<13824xf32, #tpu.memory_space<vmem>>, vector<16xf32>,
        %swap3A_1259 = vector.shape_cast %swap3A_1258 : vector<16xf32> to vector<16xf32>
        %swap3A_1260 = vector.shape_cast %select_n3A_1257 : vector<16xf32> to vector<16xf32>
        tpu.vector_store %arg3[%swap3A], %swap3A_1260 {strides = array<i32>} : memref<13824xf32, #tpu.memory_space<vmem>>, vector<16xf32>,
      }
      %scan3A_1218 = arith.constant 219 : i32
    } else {
    }
    %sub3A_386 = arith.constant 39273 : i32
    %sub3A_387 = arith.subi %sub3A_386, %select_n3A_10 : i32
    %max3A_388 = arith.constant 0 : i32
    %max3A_389 = arith.maxsi %sub3A_387, %max3A_388 : i32
    %sub3A_390 = arith.constant 40411 : i32
    %sub3A_391 = arith.subi %sub3A_390, %select_n3A_10 : i32
    %min3A_392 = arith.minsi %sub3A_391, %select_n3A_15 : i32
    %jit3A_393 = arith.constant 16 : i32
    %div3A_394 = arith.divsi %max3A_389, %jit3A_393 : i32
    %sign3A_395 = arith.constant 0 : i32
    %sign3A_396 = arith.cmpi sgt, %max3A_389, %sign3A_395 : i32
    %sign3A_397 = arith.extui %sign3A_396 : i1 to i32
    %sign3A_398 = arith.constant 0 : i32
    %sign3A_399 = arith.cmpi slt, %max3A_389, %sign3A_398 : i32
    %sign3A_400 = arith.extui %sign3A_399 : i1 to i32
    %sign3A_401 = arith.subi %sign3A_397, %sign3A_400 : i32
    %sign3A_402 = arith.constant 0 : i32
    %sign3A_403 = arith.cmpi sgt, %jit3A_393, %sign3A_402 : i32
    %sign3A_404 = arith.extui %sign3A_403 : i1 to i32
    %sign3A_405 = arith.constant 0 : i32
    %sign3A_406 = arith.cmpi slt, %jit3A_393, %sign3A_405 : i32
    %sign3A_407 = arith.extui %sign3A_406 : i1 to i32
    %sign3A_408 = arith.subi %sign3A_404, %sign3A_407 : i32
    %ne3A_409 = arith.cmpi ne, %sign3A_401, %sign3A_408 : i32
    %rem3A_410 = arith.remsi %max3A_389, %jit3A_393 : i32
    %ne3A_411 = arith.constant 0 : i32
    %ne3A_412 = arith.cmpi ne, %rem3A_410, %ne3A_411 : i32
    %and3A_413 = arith.andi %ne3A_409, %ne3A_412 : i1
    %sub3A_414 = arith.constant 1 : i32
    %sub3A_415 = arith.subi %div3A_394, %sub3A_414 : i32
    %select_n3A_416 = arith.select %and3A_413, %sub3A_415, %div3A_394 : i32
    %mul3A_417 = arith.constant 16 : i32
    %mul3A_418 = arith.muli %select_n3A_416, %mul3A_417 : i32
    %lt3A_419 = arith.cmpi slt, %max3A_389, %min3A_392 : i32
    %convert_element_type3A_420 = arith.extui %lt3A_419 : i1 to i32
    %cond3A_421 = arith.constant 0 : i32
    %cond3A_422 = arith.cmpi ne, %convert_element_type3A_420, %cond3A_421 : i32
    scf.if %cond3A_422 {
      %scan3A_1213 = arith.constant 0 : i32
      %scan3A_1214 = arith.constant 0 : i32
      %scan3A_1215 = arith.constant 73 : i32
      %scan3A_1216 = arith.addi %scan3A_1214, %scan3A_1215 : i32
      %scan3A_1217 = arith.constant 1 : i32
      scf.for %scan3A_1219 = %scan3A_1214 to %scan3A_1216 step %scan3A_1217  : i32 {
        %mul3A_1220 = arith.constant 16 : i32
        %mul3A_1221 = arith.muli %scan3A_1219, %mul3A_1220 : i32
        %add3A_1222 = arith.addi %mul3A_418, %mul3A_1221 : i32
        %add3A_1223 = vector.broadcast %add3A_1222 : i32 to vector<16xi32>
        %add3A_1224 = arith.addi %add3A_1223, %iota3A : vector<16xi32>
        %ge3A_1225 = vector.broadcast %max3A_389 : i32 to vector<16xi32>
        %ge3A_1226 = arith.cmpi sge, %add3A_1224, %ge3A_1225 : vector<16xi32>
        %lt3A_1227 = vector.broadcast %min3A_392 : i32 to vector<16xi32>
        %lt3A_1228 = arith.cmpi slt, %add3A_1224, %lt3A_1227 : vector<16xi32>
        %and3A_1229 = arith.andi %ge3A_1226, %lt3A_1228 : vector<16xi1>
        %min3A_1230 = arith.constant 13808 : i32
        %min3A_1231 = arith.minsi %add3A_1222, %min3A_1230 : i32
        %get3A = arith.index_cast %min3A_1231 : i32 to index
        %get3A_1232 = tpu.vector_load %arg3[%get3A] {strides = array<i32>} : memref<13824xf32, #tpu.memory_space<vmem>>, vector<16xf32>,
        %get3A_1233 = vector.shape_cast %get3A_1232 : vector<16xf32> to vector<16xf32>
        %add3A_1234 = vector.broadcast %select_n3A_10 : i32 to vector<16xi32>
        %add3A_1235 = arith.addi %add3A_1224, %add3A_1234 : vector<16xi32>
        %sub3A_1236 = arith.constant 39273 : i32
        %sub3A_1237 = vector.broadcast %sub3A_1236 : i32 to vector<16xi32>
        %sub3A_1238 = arith.subi %add3A_1235, %sub3A_1237 : vector<16xi32>
        %convert_element_type3A_1239 = arith.sitofp %sub3A_1238 : vector<16xi32> to vector<16xf32>
        %lt3A_1240 = arith.constant 569 : i32
        %lt3A_1241 = vector.broadcast %lt3A_1240 : i32 to vector<16xi32>
        %lt3A_1242 = arith.cmpi slt, %sub3A_1238, %lt3A_1241 : vector<16xi32>
        %mul3A_1243 = arith.constant 0.00176056335 : f32
        %mul3A_1244 = vector.broadcast %mul3A_1243 : f32 to vector<16xf32>
        %mul3A_1245 = arith.mulf %convert_element_type3A_1239, %mul3A_1244 : vector<16xf32>
        %sub3A_1246 = arith.constant 5.690000e+02 : f32
        %sub3A_1247 = vector.broadcast %sub3A_1246 : f32 to vector<16xf32>
        %sub3A_1248 = arith.subf %convert_element_type3A_1239, %sub3A_1247 : vector<16xf32>
        %mul3A_1249 = arith.constant -0.00176056335 : f32
        %mul3A_1250 = vector.broadcast %mul3A_1249 : f32 to vector<16xf32>
        %mul3A_1251 = arith.mulf %sub3A_1248, %mul3A_1250 : vector<16xf32>
        %add3A_1252 = arith.constant 1.000000e+00 : f32
        %add3A_1253 = vector.broadcast %add3A_1252 : f32 to vector<16xf32>
        %add3A_1254 = arith.addf %add3A_1253, %mul3A_1251 : vector<16xf32>
        %select_n3A_1255 = arith.select %lt3A_1242, %mul3A_1245, %add3A_1254 : vector<16xi1>, vector<16xf32>
        %mul3A_1256 = arith.mulf %get3A_1233, %select_n3A_1255 : vector<16xf32>
        %select_n3A_1257 = arith.select %and3A_1229, %mul3A_1256, %get3A_1233 : vector<16xi1>, vector<16xf32>
        %swap3A = arith.index_cast %min3A_1231 : i32 to index
        %swap3A_1258 = tpu.vector_load %arg3[%swap3A] {strides = array<i32>} : memref<13824xf32, #tpu.memory_space<vmem>>, vector<16xf32>,
        %swap3A_1259 = vector.shape_cast %swap3A_1258 : vector<16xf32> to vector<16xf32>
        %swap3A_1260 = vector.shape_cast %select_n3A_1257 : vector<16xf32> to vector<16xf32>
        tpu.vector_store %arg3[%swap3A], %swap3A_1260 {strides = array<i32>} : memref<13824xf32, #tpu.memory_space<vmem>>, vector<16xf32>,
      }
      %scan3A_1218 = arith.constant 73 : i32
    } else {
    }
    %sub3A_423 = arith.constant 238498 : i32
    %sub3A_424 = arith.subi %sub3A_423, %select_n3A_10 : i32
    %max3A_425 = arith.constant 0 : i32
    %max3A_426 = arith.maxsi %sub3A_424, %max3A_425 : i32
    %sub3A_427 = arith.constant 239026 : i32
    %sub3A_428 = arith.subi %sub3A_427, %select_n3A_10 : i32
    %min3A_429 = arith.minsi %sub3A_428, %select_n3A_15 : i32
    %jit3A_430 = arith.constant 16 : i32
    %div3A_431 = arith.divsi %max3A_426, %jit3A_430 : i32
    %sign3A_432 = arith.constant 0 : i32
    %sign3A_433 = arith.cmpi sgt, %max3A_426, %sign3A_432 : i32
    %sign3A_434 = arith.extui %sign3A_433 : i1 to i32
    %sign3A_435 = arith.constant 0 : i32
    %sign3A_436 = arith.cmpi slt, %max3A_426, %sign3A_435 : i32
    %sign3A_437 = arith.extui %sign3A_436 : i1 to i32
    %sign3A_438 = arith.subi %sign3A_434, %sign3A_437 : i32
    %sign3A_439 = arith.constant 0 : i32
    %sign3A_440 = arith.cmpi sgt, %jit3A_430, %sign3A_439 : i32
    %sign3A_441 = arith.extui %sign3A_440 : i1 to i32
    %sign3A_442 = arith.constant 0 : i32
    %sign3A_443 = arith.cmpi slt, %jit3A_430, %sign3A_442 : i32
    %sign3A_444 = arith.extui %sign3A_443 : i1 to i32
    %sign3A_445 = arith.subi %sign3A_441, %sign3A_444 : i32
    %ne3A_446 = arith.cmpi ne, %sign3A_438, %sign3A_445 : i32
    %rem3A_447 = arith.remsi %max3A_426, %jit3A_430 : i32
    %ne3A_448 = arith.constant 0 : i32
    %ne3A_449 = arith.cmpi ne, %rem3A_447, %ne3A_448 : i32
    %and3A_450 = arith.andi %ne3A_446, %ne3A_449 : i1
    %sub3A_451 = arith.constant 1 : i32
    %sub3A_452 = arith.subi %div3A_431, %sub3A_451 : i32
    %select_n3A_453 = arith.select %and3A_450, %sub3A_452, %div3A_431 : i32
    %mul3A_454 = arith.constant 16 : i32
    %mul3A_455 = arith.muli %select_n3A_453, %mul3A_454 : i32
    %lt3A_456 = arith.cmpi slt, %max3A_426, %min3A_429 : i32
    %convert_element_type3A_457 = arith.extui %lt3A_456 : i1 to i32
    %cond3A_458 = arith.constant 0 : i32
    %cond3A_459 = arith.cmpi ne, %convert_element_type3A_457, %cond3A_458 : i32
    scf.if %cond3A_459 {
      %scan3A_1213 = arith.constant 0 : i32
      %scan3A_1214 = arith.constant 0 : i32
      %scan3A_1215 = arith.constant 35 : i32
      %scan3A_1216 = arith.addi %scan3A_1214, %scan3A_1215 : i32
      %scan3A_1217 = arith.constant 1 : i32
      scf.for %scan3A_1219 = %scan3A_1214 to %scan3A_1216 step %scan3A_1217  : i32 {
        %mul3A_1220 = arith.constant 16 : i32
        %mul3A_1221 = arith.muli %scan3A_1219, %mul3A_1220 : i32
        %add3A_1222 = arith.addi %mul3A_455, %mul3A_1221 : i32
        %add3A_1223 = vector.broadcast %add3A_1222 : i32 to vector<16xi32>
        %add3A_1224 = arith.addi %add3A_1223, %iota3A : vector<16xi32>
        %ge3A_1225 = vector.broadcast %max3A_426 : i32 to vector<16xi32>
        %ge3A_1226 = arith.cmpi sge, %add3A_1224, %ge3A_1225 : vector<16xi32>
        %lt3A_1227 = vector.broadcast %min3A_429 : i32 to vector<16xi32>
        %lt3A_1228 = arith.cmpi slt, %add3A_1224, %lt3A_1227 : vector<16xi32>
        %and3A_1229 = arith.andi %ge3A_1226, %lt3A_1228 : vector<16xi1>
        %min3A_1230 = arith.constant 13808 : i32
        %min3A_1231 = arith.minsi %add3A_1222, %min3A_1230 : i32
        %get3A = arith.index_cast %min3A_1231 : i32 to index
        %get3A_1232 = tpu.vector_load %arg3[%get3A] {strides = array<i32>} : memref<13824xf32, #tpu.memory_space<vmem>>, vector<16xf32>,
        %get3A_1233 = vector.shape_cast %get3A_1232 : vector<16xf32> to vector<16xf32>
        %jit3A_1234 = arith.constant 0.000000e+00 : f32
        %broadcast_in_dim3A_1235 = vector.broadcast %jit3A_1234 : f32 to vector<16xf32>
        %select_n3A_1236 = arith.select %and3A_1229, %broadcast_in_dim3A_1235, %get3A_1233 : vector<16xi1>, vector<16xf32>
        %swap3A = arith.index_cast %min3A_1231 : i32 to index
        %swap3A_1237 = tpu.vector_load %arg3[%swap3A] {strides = array<i32>} : memref<13824xf32, #tpu.memory_space<vmem>>, vector<16xf32>,
        %swap3A_1238 = vector.shape_cast %swap3A_1237 : vector<16xf32> to vector<16xf32>
        %swap3A_1239 = vector.shape_cast %select_n3A_1236 : vector<16xf32> to vector<16xf32>
        tpu.vector_store %arg3[%swap3A], %swap3A_1239 {strides = array<i32>} : memref<13824xf32, #tpu.memory_space<vmem>>, vector<16xf32>,
      }
      %scan3A_1218 = arith.constant 35 : i32
    } else {
    }
    %sub3A_460 = arith.constant 211363 : i32
    %sub3A_461 = arith.subi %sub3A_460, %select_n3A_10 : i32
    %max3A_462 = arith.constant 0 : i32
    %max3A_463 = arith.maxsi %sub3A_461, %max3A_462 : i32
    %sub3A_464 = arith.constant 212993 : i32
    %sub3A_465 = arith.subi %sub3A_464, %select_n3A_10 : i32
    %min3A_466 = arith.minsi %sub3A_465, %select_n3A_15 : i32
    %jit3A_467 = arith.constant 16 : i32
    %div3A_468 = arith.divsi %max3A_463, %jit3A_467 : i32
    %sign3A_469 = arith.constant 0 : i32
    %sign3A_470 = arith.cmpi sgt, %max3A_463, %sign3A_469 : i32
    %sign3A_471 = arith.extui %sign3A_470 : i1 to i32
    %sign3A_472 = arith.constant 0 : i32
    %sign3A_473 = arith.cmpi slt, %max3A_463, %sign3A_472 : i32
    %sign3A_474 = arith.extui %sign3A_473 : i1 to i32
    %sign3A_475 = arith.subi %sign3A_471, %sign3A_474 : i32
    %sign3A_476 = arith.constant 0 : i32
    %sign3A_477 = arith.cmpi sgt, %jit3A_467, %sign3A_476 : i32
    %sign3A_478 = arith.extui %sign3A_477 : i1 to i32
    %sign3A_479 = arith.constant 0 : i32
    %sign3A_480 = arith.cmpi slt, %jit3A_467, %sign3A_479 : i32
    %sign3A_481 = arith.extui %sign3A_480 : i1 to i32
    %sign3A_482 = arith.subi %sign3A_478, %sign3A_481 : i32
    %ne3A_483 = arith.cmpi ne, %sign3A_475, %sign3A_482 : i32
    %rem3A_484 = arith.remsi %max3A_463, %jit3A_467 : i32
    %ne3A_485 = arith.constant 0 : i32
    %ne3A_486 = arith.cmpi ne, %rem3A_484, %ne3A_485 : i32
    %and3A_487 = arith.andi %ne3A_483, %ne3A_486 : i1
    %sub3A_488 = arith.constant 1 : i32
    %sub3A_489 = arith.subi %div3A_468, %sub3A_488 : i32
    %select_n3A_490 = arith.select %and3A_487, %sub3A_489, %div3A_468 : i32
    %mul3A_491 = arith.constant 16 : i32
    %mul3A_492 = arith.muli %select_n3A_490, %mul3A_491 : i32
    %lt3A_493 = arith.cmpi slt, %max3A_463, %min3A_466 : i32
    %convert_element_type3A_494 = arith.extui %lt3A_493 : i1 to i32
    %cond3A_495 = arith.constant 0 : i32
    %cond3A_496 = arith.cmpi ne, %convert_element_type3A_494, %cond3A_495 : i32
    scf.if %cond3A_496 {
      %scan3A_1213 = arith.constant 0 : i32
      %scan3A_1214 = arith.constant 0 : i32
      %scan3A_1215 = arith.constant 103 : i32
      %scan3A_1216 = arith.addi %scan3A_1214, %scan3A_1215 : i32
      %scan3A_1217 = arith.constant 1 : i32
      scf.for %scan3A_1219 = %scan3A_1214 to %scan3A_1216 step %scan3A_1217  : i32 {
        %mul3A_1220 = arith.constant 16 : i32
        %mul3A_1221 = arith.muli %scan3A_1219, %mul3A_1220 : i32
        %add3A_1222 = arith.addi %mul3A_492, %mul3A_1221 : i32
        %add3A_1223 = vector.broadcast %add3A_1222 : i32 to vector<16xi32>
        %add3A_1224 = arith.addi %add3A_1223, %iota3A : vector<16xi32>
        %ge3A_1225 = vector.broadcast %max3A_463 : i32 to vector<16xi32>
        %ge3A_1226 = arith.cmpi sge, %add3A_1224, %ge3A_1225 : vector<16xi32>
        %lt3A_1227 = vector.broadcast %min3A_466 : i32 to vector<16xi32>
        %lt3A_1228 = arith.cmpi slt, %add3A_1224, %lt3A_1227 : vector<16xi32>
        %and3A_1229 = arith.andi %ge3A_1226, %lt3A_1228 : vector<16xi1>
        %min3A_1230 = arith.constant 13808 : i32
        %min3A_1231 = arith.minsi %add3A_1222, %min3A_1230 : i32
        %get3A = arith.index_cast %min3A_1231 : i32 to index
        %get3A_1232 = tpu.vector_load %arg3[%get3A] {strides = array<i32>} : memref<13824xf32, #tpu.memory_space<vmem>>, vector<16xf32>,
        %get3A_1233 = vector.shape_cast %get3A_1232 : vector<16xf32> to vector<16xf32>
        %jit3A_1234 = arith.constant 0.000000e+00 : f32
        %broadcast_in_dim3A_1235 = vector.broadcast %jit3A_1234 : f32 to vector<16xf32>
        %select_n3A_1236 = arith.select %and3A_1229, %broadcast_in_dim3A_1235, %get3A_1233 : vector<16xi1>, vector<16xf32>
        %swap3A = arith.index_cast %min3A_1231 : i32 to index
        %swap3A_1237 = tpu.vector_load %arg3[%swap3A] {strides = array<i32>} : memref<13824xf32, #tpu.memory_space<vmem>>, vector<16xf32>,
        %swap3A_1238 = vector.shape_cast %swap3A_1237 : vector<16xf32> to vector<16xf32>
        %swap3A_1239 = vector.shape_cast %select_n3A_1236 : vector<16xf32> to vector<16xf32>
        tpu.vector_store %arg3[%swap3A], %swap3A_1239 {strides = array<i32>} : memref<13824xf32, #tpu.memory_space<vmem>>, vector<16xf32>,
      }
      %scan3A_1218 = arith.constant 103 : i32
    } else {
    }
    %sub3A_497 = arith.constant 12431 : i32
    %sub3A_498 = arith.subi %sub3A_497, %select_n3A_10 : i32
    %max3A_499 = arith.constant 0 : i32
    %max3A_500 = arith.maxsi %sub3A_498, %max3A_499 : i32
    %sub3A_501 = arith.constant 14472 : i32
    %sub3A_502 = arith.subi %sub3A_501, %select_n3A_10 : i32
    %min3A_503 = arith.minsi %sub3A_502, %select_n3A_15 : i32
    %jit3A_504 = arith.constant 16 : i32
    %div3A_505 = arith.divsi %max3A_500, %jit3A_504 : i32
    %sign3A_506 = arith.constant 0 : i32
    %sign3A_507 = arith.cmpi sgt, %max3A_500, %sign3A_506 : i32
    %sign3A_508 = arith.extui %sign3A_507 : i1 to i32
    %sign3A_509 = arith.constant 0 : i32
    %sign3A_510 = arith.cmpi slt, %max3A_500, %sign3A_509 : i32
    %sign3A_511 = arith.extui %sign3A_510 : i1 to i32
    %sign3A_512 = arith.subi %sign3A_508, %sign3A_511 : i32
    %sign3A_513 = arith.constant 0 : i32
    %sign3A_514 = arith.cmpi sgt, %jit3A_504, %sign3A_513 : i32
    %sign3A_515 = arith.extui %sign3A_514 : i1 to i32
    %sign3A_516 = arith.constant 0 : i32
    %sign3A_517 = arith.cmpi slt, %jit3A_504, %sign3A_516 : i32
    %sign3A_518 = arith.extui %sign3A_517 : i1 to i32
    %sign3A_519 = arith.subi %sign3A_515, %sign3A_518 : i32
    %ne3A_520 = arith.cmpi ne, %sign3A_512, %sign3A_519 : i32
    %rem3A_521 = arith.remsi %max3A_500, %jit3A_504 : i32
    %ne3A_522 = arith.constant 0 : i32
    %ne3A_523 = arith.cmpi ne, %rem3A_521, %ne3A_522 : i32
    %and3A_524 = arith.andi %ne3A_520, %ne3A_523 : i1
    %sub3A_525 = arith.constant 1 : i32
    %sub3A_526 = arith.subi %div3A_505, %sub3A_525 : i32
    %select_n3A_527 = arith.select %and3A_524, %sub3A_526, %div3A_505 : i32
    %mul3A_528 = arith.constant 16 : i32
    %mul3A_529 = arith.muli %select_n3A_527, %mul3A_528 : i32
    %lt3A_530 = arith.cmpi slt, %max3A_500, %min3A_503 : i32
    %convert_element_type3A_531 = arith.extui %lt3A_530 : i1 to i32
    %cond3A_532 = arith.constant 0 : i32
    %cond3A_533 = arith.cmpi ne, %convert_element_type3A_531, %cond3A_532 : i32
    scf.if %cond3A_533 {
      %scan3A_1213 = arith.constant 0 : i32
      %scan3A_1214 = arith.constant 0 : i32
      %scan3A_1215 = arith.constant 129 : i32
      %scan3A_1216 = arith.addi %scan3A_1214, %scan3A_1215 : i32
      %scan3A_1217 = arith.constant 1 : i32
      scf.for %scan3A_1219 = %scan3A_1214 to %scan3A_1216 step %scan3A_1217  : i32 {
        %mul3A_1220 = arith.constant 16 : i32
        %mul3A_1221 = arith.muli %scan3A_1219, %mul3A_1220 : i32
        %add3A_1222 = arith.addi %mul3A_529, %mul3A_1221 : i32
        %add3A_1223 = vector.broadcast %add3A_1222 : i32 to vector<16xi32>
        %add3A_1224 = arith.addi %add3A_1223, %iota3A : vector<16xi32>
        %ge3A_1225 = vector.broadcast %max3A_500 : i32 to vector<16xi32>
        %ge3A_1226 = arith.cmpi sge, %add3A_1224, %ge3A_1225 : vector<16xi32>
        %lt3A_1227 = vector.broadcast %min3A_503 : i32 to vector<16xi32>
        %lt3A_1228 = arith.cmpi slt, %add3A_1224, %lt3A_1227 : vector<16xi32>
        %and3A_1229 = arith.andi %ge3A_1226, %lt3A_1228 : vector<16xi1>
        %min3A_1230 = arith.constant 13808 : i32
        %min3A_1231 = arith.minsi %add3A_1222, %min3A_1230 : i32
        %get3A = arith.index_cast %min3A_1231 : i32 to index
        %get3A_1232 = tpu.vector_load %arg3[%get3A] {strides = array<i32>} : memref<13824xf32, #tpu.memory_space<vmem>>, vector<16xf32>,
        %get3A_1233 = vector.shape_cast %get3A_1232 : vector<16xf32> to vector<16xf32>
        %jit3A_1234 = arith.constant 0.000000e+00 : f32
        %broadcast_in_dim3A_1235 = vector.broadcast %jit3A_1234 : f32 to vector<16xf32>
        %select_n3A_1236 = arith.select %and3A_1229, %broadcast_in_dim3A_1235, %get3A_1233 : vector<16xi1>, vector<16xf32>
        %swap3A = arith.index_cast %min3A_1231 : i32 to index
        %swap3A_1237 = tpu.vector_load %arg3[%swap3A] {strides = array<i32>} : memref<13824xf32, #tpu.memory_space<vmem>>, vector<16xf32>,
        %swap3A_1238 = vector.shape_cast %swap3A_1237 : vector<16xf32> to vector<16xf32>
        %swap3A_1239 = vector.shape_cast %select_n3A_1236 : vector<16xf32> to vector<16xf32>
        tpu.vector_store %arg3[%swap3A], %swap3A_1239 {strides = array<i32>} : memref<13824xf32, #tpu.memory_space<vmem>>, vector<16xf32>,
      }
      %scan3A_1218 = arith.constant 129 : i32
    } else {
    }
    %sub3A_534 = arith.constant 3645 : i32
    %sub3A_535 = arith.subi %sub3A_534, %select_n3A_10 : i32
    %max3A_536 = arith.constant 0 : i32
    %max3A_537 = arith.maxsi %sub3A_535, %max3A_536 : i32
    %sub3A_538 = arith.constant 4579 : i32
    %sub3A_539 = arith.subi %sub3A_538, %select_n3A_10 : i32
    %min3A_540 = arith.minsi %sub3A_539, %select_n3A_15 : i32
    %jit3A_541 = arith.constant 16 : i32
    %div3A_542 = arith.divsi %max3A_537, %jit3A_541 : i32
    %sign3A_543 = arith.constant 0 : i32
    %sign3A_544 = arith.cmpi sgt, %max3A_537, %sign3A_543 : i32
    %sign3A_545 = arith.extui %sign3A_544 : i1 to i32
    %sign3A_546 = arith.constant 0 : i32
    %sign3A_547 = arith.cmpi slt, %max3A_537, %sign3A_546 : i32
    %sign3A_548 = arith.extui %sign3A_547 : i1 to i32
    %sign3A_549 = arith.subi %sign3A_545, %sign3A_548 : i32
    %sign3A_550 = arith.constant 0 : i32
    %sign3A_551 = arith.cmpi sgt, %jit3A_541, %sign3A_550 : i32
    %sign3A_552 = arith.extui %sign3A_551 : i1 to i32
    %sign3A_553 = arith.constant 0 : i32
    %sign3A_554 = arith.cmpi slt, %jit3A_541, %sign3A_553 : i32
    %sign3A_555 = arith.extui %sign3A_554 : i1 to i32
    %sign3A_556 = arith.subi %sign3A_552, %sign3A_555 : i32
    %ne3A_557 = arith.cmpi ne, %sign3A_549, %sign3A_556 : i32
    %rem3A_558 = arith.remsi %max3A_537, %jit3A_541 : i32
    %ne3A_559 = arith.constant 0 : i32
    %ne3A_560 = arith.cmpi ne, %rem3A_558, %ne3A_559 : i32
    %and3A_561 = arith.andi %ne3A_557, %ne3A_560 : i1
    %sub3A_562 = arith.constant 1 : i32
    %sub3A_563 = arith.subi %div3A_542, %sub3A_562 : i32
    %select_n3A_564 = arith.select %and3A_561, %sub3A_563, %div3A_542 : i32
    %mul3A_565 = arith.constant 16 : i32
    %mul3A_566 = arith.muli %select_n3A_564, %mul3A_565 : i32
    %lt3A_567 = arith.cmpi slt, %max3A_537, %min3A_540 : i32
    %convert_element_type3A_568 = arith.extui %lt3A_567 : i1 to i32
    %cond3A_569 = arith.constant 0 : i32
    %cond3A_570 = arith.cmpi ne, %convert_element_type3A_568, %cond3A_569 : i32
    scf.if %cond3A_570 {
      %scan3A_1213 = arith.constant 0 : i32
      %scan3A_1214 = arith.constant 0 : i32
      %scan3A_1215 = arith.constant 60 : i32
      %scan3A_1216 = arith.addi %scan3A_1214, %scan3A_1215 : i32
      %scan3A_1217 = arith.constant 1 : i32
      scf.for %scan3A_1219 = %scan3A_1214 to %scan3A_1216 step %scan3A_1217  : i32 {
        %mul3A_1220 = arith.constant 16 : i32
        %mul3A_1221 = arith.muli %scan3A_1219, %mul3A_1220 : i32
        %add3A_1222 = arith.addi %mul3A_566, %mul3A_1221 : i32
        %add3A_1223 = vector.broadcast %add3A_1222 : i32 to vector<16xi32>
        %add3A_1224 = arith.addi %add3A_1223, %iota3A : vector<16xi32>
        %ge3A_1225 = vector.broadcast %max3A_537 : i32 to vector<16xi32>
        %ge3A_1226 = arith.cmpi sge, %add3A_1224, %ge3A_1225 : vector<16xi32>
        %lt3A_1227 = vector.broadcast %min3A_540 : i32 to vector<16xi32>
        %lt3A_1228 = arith.cmpi slt, %add3A_1224, %lt3A_1227 : vector<16xi32>
        %and3A_1229 = arith.andi %ge3A_1226, %lt3A_1228 : vector<16xi1>
        %min3A_1230 = arith.constant 13808 : i32
        %min3A_1231 = arith.minsi %add3A_1222, %min3A_1230 : i32
        %get3A = arith.index_cast %min3A_1231 : i32 to index
        %get3A_1232 = tpu.vector_load %arg3[%get3A] {strides = array<i32>} : memref<13824xf32, #tpu.memory_space<vmem>>, vector<16xf32>,
        %get3A_1233 = vector.shape_cast %get3A_1232 : vector<16xf32> to vector<16xf32>
        %add3A_1234 = vector.broadcast %select_n3A_10 : i32 to vector<16xi32>
        %add3A_1235 = arith.addi %add3A_1224, %add3A_1234 : vector<16xi32>
        %sub3A_1236 = arith.constant 3645 : i32
        %sub3A_1237 = vector.broadcast %sub3A_1236 : i32 to vector<16xi32>
        %sub3A_1238 = arith.subi %add3A_1235, %sub3A_1237 : vector<16xi32>
        %convert_element_type3A_1239 = arith.sitofp %sub3A_1238 : vector<16xi32> to vector<16xf32>
        %lt3A_1240 = arith.constant 467 : i32
        %lt3A_1241 = vector.broadcast %lt3A_1240 : i32 to vector<16xi32>
        %lt3A_1242 = arith.cmpi slt, %sub3A_1238, %lt3A_1241 : vector<16xi32>
        %mul3A_1243 = arith.constant 0.00214592274 : f32
        %mul3A_1244 = vector.broadcast %mul3A_1243 : f32 to vector<16xf32>
        %mul3A_1245 = arith.mulf %convert_element_type3A_1239, %mul3A_1244 : vector<16xf32>
        %sub3A_1246 = arith.constant 4.670000e+02 : f32
        %sub3A_1247 = vector.broadcast %sub3A_1246 : f32 to vector<16xf32>
        %sub3A_1248 = arith.subf %convert_element_type3A_1239, %sub3A_1247 : vector<16xf32>
        %mul3A_1249 = arith.constant -0.00214592274 : f32
        %mul3A_1250 = vector.broadcast %mul3A_1249 : f32 to vector<16xf32>
        %mul3A_1251 = arith.mulf %sub3A_1248, %mul3A_1250 : vector<16xf32>
        %add3A_1252 = arith.constant 1.000000e+00 : f32
        %add3A_1253 = vector.broadcast %add3A_1252 : f32 to vector<16xf32>
        %add3A_1254 = arith.addf %add3A_1253, %mul3A_1251 : vector<16xf32>
        %select_n3A_1255 = arith.select %lt3A_1242, %mul3A_1245, %add3A_1254 : vector<16xi1>, vector<16xf32>
        %mul3A_1256 = arith.mulf %get3A_1233, %select_n3A_1255 : vector<16xf32>
        %select_n3A_1257 = arith.select %and3A_1229, %mul3A_1256, %get3A_1233 : vector<16xi1>, vector<16xf32>
        %swap3A = arith.index_cast %min3A_1231 : i32 to index
        %swap3A_1258 = tpu.vector_load %arg3[%swap3A] {strides = array<i32>} : memref<13824xf32, #tpu.memory_space<vmem>>, vector<16xf32>,
        %swap3A_1259 = vector.shape_cast %swap3A_1258 : vector<16xf32> to vector<16xf32>
        %swap3A_1260 = vector.shape_cast %select_n3A_1257 : vector<16xf32> to vector<16xf32>
        tpu.vector_store %arg3[%swap3A], %swap3A_1260 {strides = array<i32>} : memref<13824xf32, #tpu.memory_space<vmem>>, vector<16xf32>,
      }
      %scan3A_1218 = arith.constant 60 : i32
    } else {
    }
    %sub3A_571 = arith.constant 283775 : i32
    %sub3A_572 = arith.subi %sub3A_571, %select_n3A_10 : i32
    %max3A_573 = arith.constant 0 : i32
    %max3A_574 = arith.maxsi %sub3A_572, %max3A_573 : i32
    %sub3A_575 = arith.constant 286302 : i32
    %sub3A_576 = arith.subi %sub3A_575, %select_n3A_10 : i32
    %min3A_577 = arith.minsi %sub3A_576, %select_n3A_15 : i32
    %jit3A_578 = arith.constant 16 : i32
    %div3A_579 = arith.divsi %max3A_574, %jit3A_578 : i32
    %sign3A_580 = arith.constant 0 : i32
    %sign3A_581 = arith.cmpi sgt, %max3A_574, %sign3A_580 : i32
    %sign3A_582 = arith.extui %sign3A_581 : i1 to i32
    %sign3A_583 = arith.constant 0 : i32
    %sign3A_584 = arith.cmpi slt, %max3A_574, %sign3A_583 : i32
    %sign3A_585 = arith.extui %sign3A_584 : i1 to i32
    %sign3A_586 = arith.subi %sign3A_582, %sign3A_585 : i32
    %sign3A_587 = arith.constant 0 : i32
    %sign3A_588 = arith.cmpi sgt, %jit3A_578, %sign3A_587 : i32
    %sign3A_589 = arith.extui %sign3A_588 : i1 to i32
    %sign3A_590 = arith.constant 0 : i32
    %sign3A_591 = arith.cmpi slt, %jit3A_578, %sign3A_590 : i32
    %sign3A_592 = arith.extui %sign3A_591 : i1 to i32
    %sign3A_593 = arith.subi %sign3A_589, %sign3A_592 : i32
    %ne3A_594 = arith.cmpi ne, %sign3A_586, %sign3A_593 : i32
    %rem3A_595 = arith.remsi %max3A_574, %jit3A_578 : i32
    %ne3A_596 = arith.constant 0 : i32
    %ne3A_597 = arith.cmpi ne, %rem3A_595, %ne3A_596 : i32
    %and3A_598 = arith.andi %ne3A_594, %ne3A_597 : i1
    %sub3A_599 = arith.constant 1 : i32
    %sub3A_600 = arith.subi %div3A_579, %sub3A_599 : i32
    %select_n3A_601 = arith.select %and3A_598, %sub3A_600, %div3A_579 : i32
    %mul3A_602 = arith.constant 16 : i32
    %mul3A_603 = arith.muli %select_n3A_601, %mul3A_602 : i32
    %lt3A_604 = arith.cmpi slt, %max3A_574, %min3A_577 : i32
    %convert_element_type3A_605 = arith.extui %lt3A_604 : i1 to i32
    %cond3A_606 = arith.constant 0 : i32
    %cond3A_607 = arith.cmpi ne, %convert_element_type3A_605, %cond3A_606 : i32
    scf.if %cond3A_607 {
      %scan3A_1213 = arith.constant 0 : i32
      %scan3A_1214 = arith.constant 0 : i32
      %scan3A_1215 = arith.constant 159 : i32
      %scan3A_1216 = arith.addi %scan3A_1214, %scan3A_1215 : i32
      %scan3A_1217 = arith.constant 1 : i32
      scf.for %scan3A_1219 = %scan3A_1214 to %scan3A_1216 step %scan3A_1217  : i32 {
        %mul3A_1220 = arith.constant 16 : i32
        %mul3A_1221 = arith.muli %scan3A_1219, %mul3A_1220 : i32
        %add3A_1222 = arith.addi %mul3A_603, %mul3A_1221 : i32
        %add3A_1223 = vector.broadcast %add3A_1222 : i32 to vector<16xi32>
        %add3A_1224 = arith.addi %add3A_1223, %iota3A : vector<16xi32>
        %ge3A_1225 = vector.broadcast %max3A_574 : i32 to vector<16xi32>
        %ge3A_1226 = arith.cmpi sge, %add3A_1224, %ge3A_1225 : vector<16xi32>
        %lt3A_1227 = vector.broadcast %min3A_577 : i32 to vector<16xi32>
        %lt3A_1228 = arith.cmpi slt, %add3A_1224, %lt3A_1227 : vector<16xi32>
        %and3A_1229 = arith.andi %ge3A_1226, %lt3A_1228 : vector<16xi1>
        %min3A_1230 = arith.constant 13808 : i32
        %min3A_1231 = arith.minsi %add3A_1222, %min3A_1230 : i32
        %get3A = arith.index_cast %min3A_1231 : i32 to index
        %get3A_1232 = tpu.vector_load %arg3[%get3A] {strides = array<i32>} : memref<13824xf32, #tpu.memory_space<vmem>>, vector<16xf32>,
        %get3A_1233 = vector.shape_cast %get3A_1232 : vector<16xf32> to vector<16xf32>
        %jit3A_1234 = arith.constant 0.000000e+00 : f32
        %broadcast_in_dim3A_1235 = vector.broadcast %jit3A_1234 : f32 to vector<16xf32>
        %select_n3A_1236 = arith.select %and3A_1229, %broadcast_in_dim3A_1235, %get3A_1233 : vector<16xi1>, vector<16xf32>
        %swap3A = arith.index_cast %min3A_1231 : i32 to index
        %swap3A_1237 = tpu.vector_load %arg3[%swap3A] {strides = array<i32>} : memref<13824xf32, #tpu.memory_space<vmem>>, vector<16xf32>,
        %swap3A_1238 = vector.shape_cast %swap3A_1237 : vector<16xf32> to vector<16xf32>
        %swap3A_1239 = vector.shape_cast %select_n3A_1236 : vector<16xf32> to vector<16xf32>
        tpu.vector_store %arg3[%swap3A], %swap3A_1239 {strides = array<i32>} : memref<13824xf32, #tpu.memory_space<vmem>>, vector<16xf32>,
      }
      %scan3A_1218 = arith.constant 159 : i32
    } else {
    }
    %sub3A_608 = arith.constant 334745 : i32
    %sub3A_609 = arith.subi %sub3A_608, %select_n3A_10 : i32
    %max3A_610 = arith.constant 0 : i32
    %max3A_611 = arith.maxsi %sub3A_609, %max3A_610 : i32
    %sub3A_612 = arith.constant 337628 : i32
    %sub3A_613 = arith.subi %sub3A_612, %select_n3A_10 : i32
    %min3A_614 = arith.minsi %sub3A_613, %select_n3A_15 : i32
    %jit3A_615 = arith.constant 16 : i32
    %div3A_616 = arith.divsi %max3A_611, %jit3A_615 : i32
    %sign3A_617 = arith.constant 0 : i32
    %sign3A_618 = arith.cmpi sgt, %max3A_611, %sign3A_617 : i32
    %sign3A_619 = arith.extui %sign3A_618 : i1 to i32
    %sign3A_620 = arith.constant 0 : i32
    %sign3A_621 = arith.cmpi slt, %max3A_611, %sign3A_620 : i32
    %sign3A_622 = arith.extui %sign3A_621 : i1 to i32
    %sign3A_623 = arith.subi %sign3A_619, %sign3A_622 : i32
    %sign3A_624 = arith.constant 0 : i32
    %sign3A_625 = arith.cmpi sgt, %jit3A_615, %sign3A_624 : i32
    %sign3A_626 = arith.extui %sign3A_625 : i1 to i32
    %sign3A_627 = arith.constant 0 : i32
    %sign3A_628 = arith.cmpi slt, %jit3A_615, %sign3A_627 : i32
    %sign3A_629 = arith.extui %sign3A_628 : i1 to i32
    %sign3A_630 = arith.subi %sign3A_626, %sign3A_629 : i32
    %ne3A_631 = arith.cmpi ne, %sign3A_623, %sign3A_630 : i32
    %rem3A_632 = arith.remsi %max3A_611, %jit3A_615 : i32
    %ne3A_633 = arith.constant 0 : i32
    %ne3A_634 = arith.cmpi ne, %rem3A_632, %ne3A_633 : i32
    %and3A_635 = arith.andi %ne3A_631, %ne3A_634 : i1
    %sub3A_636 = arith.constant 1 : i32
    %sub3A_637 = arith.subi %div3A_616, %sub3A_636 : i32
    %select_n3A_638 = arith.select %and3A_635, %sub3A_637, %div3A_616 : i32
    %mul3A_639 = arith.constant 16 : i32
    %mul3A_640 = arith.muli %select_n3A_638, %mul3A_639 : i32
    %lt3A_641 = arith.cmpi slt, %max3A_611, %min3A_614 : i32
    %convert_element_type3A_642 = arith.extui %lt3A_641 : i1 to i32
    %cond3A_643 = arith.constant 0 : i32
    %cond3A_644 = arith.cmpi ne, %convert_element_type3A_642, %cond3A_643 : i32
    scf.if %cond3A_644 {
      %scan3A_1213 = arith.constant 0 : i32
      %scan3A_1214 = arith.constant 0 : i32
      %scan3A_1215 = arith.constant 182 : i32
      %scan3A_1216 = arith.addi %scan3A_1214, %scan3A_1215 : i32
      %scan3A_1217 = arith.constant 1 : i32
      scf.for %scan3A_1219 = %scan3A_1214 to %scan3A_1216 step %scan3A_1217  : i32 {
        %mul3A_1220 = arith.constant 16 : i32
        %mul3A_1221 = arith.muli %scan3A_1219, %mul3A_1220 : i32
        %add3A_1222 = arith.addi %mul3A_640, %mul3A_1221 : i32
        %add3A_1223 = vector.broadcast %add3A_1222 : i32 to vector<16xi32>
        %add3A_1224 = arith.addi %add3A_1223, %iota3A : vector<16xi32>
        %ge3A_1225 = vector.broadcast %max3A_611 : i32 to vector<16xi32>
        %ge3A_1226 = arith.cmpi sge, %add3A_1224, %ge3A_1225 : vector<16xi32>
        %lt3A_1227 = vector.broadcast %min3A_614 : i32 to vector<16xi32>
        %lt3A_1228 = arith.cmpi slt, %add3A_1224, %lt3A_1227 : vector<16xi32>
        %and3A_1229 = arith.andi %ge3A_1226, %lt3A_1228 : vector<16xi1>
        %min3A_1230 = arith.constant 13808 : i32
        %min3A_1231 = arith.minsi %add3A_1222, %min3A_1230 : i32
        %get3A = arith.index_cast %min3A_1231 : i32 to index
        %get3A_1232 = tpu.vector_load %arg3[%get3A] {strides = array<i32>} : memref<13824xf32, #tpu.memory_space<vmem>>, vector<16xf32>,
        %get3A_1233 = vector.shape_cast %get3A_1232 : vector<16xf32> to vector<16xf32>
        %jit3A_1234 = arith.constant 0.000000e+00 : f32
        %broadcast_in_dim3A_1235 = vector.broadcast %jit3A_1234 : f32 to vector<16xf32>
        %select_n3A_1236 = arith.select %and3A_1229, %broadcast_in_dim3A_1235, %get3A_1233 : vector<16xi1>, vector<16xf32>
        %swap3A = arith.index_cast %min3A_1231 : i32 to index
        %swap3A_1237 = tpu.vector_load %arg3[%swap3A] {strides = array<i32>} : memref<13824xf32, #tpu.memory_space<vmem>>, vector<16xf32>,
        %swap3A_1238 = vector.shape_cast %swap3A_1237 : vector<16xf32> to vector<16xf32>
        %swap3A_1239 = vector.shape_cast %select_n3A_1236 : vector<16xf32> to vector<16xf32>
        tpu.vector_store %arg3[%swap3A], %swap3A_1239 {strides = array<i32>} : memref<13824xf32, #tpu.memory_space<vmem>>, vector<16xf32>,
      }
      %scan3A_1218 = arith.constant 182 : i32
    } else {
    }
    %sub3A_645 = arith.constant 437505 : i32
    %sub3A_646 = arith.subi %sub3A_645, %select_n3A_10 : i32
    %max3A_647 = arith.constant 0 : i32
    %max3A_648 = arith.maxsi %sub3A_646, %max3A_647 : i32
    %sub3A_649 = arith.constant 439775 : i32
    %sub3A_650 = arith.subi %sub3A_649, %select_n3A_10 : i32
    %min3A_651 = arith.minsi %sub3A_650, %select_n3A_15 : i32
    %jit3A_652 = arith.constant 16 : i32
    %div3A_653 = arith.divsi %max3A_648, %jit3A_652 : i32
    %sign3A_654 = arith.constant 0 : i32
    %sign3A_655 = arith.cmpi sgt, %max3A_648, %sign3A_654 : i32
    %sign3A_656 = arith.extui %sign3A_655 : i1 to i32
    %sign3A_657 = arith.constant 0 : i32
    %sign3A_658 = arith.cmpi slt, %max3A_648, %sign3A_657 : i32
    %sign3A_659 = arith.extui %sign3A_658 : i1 to i32
    %sign3A_660 = arith.subi %sign3A_656, %sign3A_659 : i32
    %sign3A_661 = arith.constant 0 : i32
    %sign3A_662 = arith.cmpi sgt, %jit3A_652, %sign3A_661 : i32
    %sign3A_663 = arith.extui %sign3A_662 : i1 to i32
    %sign3A_664 = arith.constant 0 : i32
    %sign3A_665 = arith.cmpi slt, %jit3A_652, %sign3A_664 : i32
    %sign3A_666 = arith.extui %sign3A_665 : i1 to i32
    %sign3A_667 = arith.subi %sign3A_663, %sign3A_666 : i32
    %ne3A_668 = arith.cmpi ne, %sign3A_660, %sign3A_667 : i32
    %rem3A_669 = arith.remsi %max3A_648, %jit3A_652 : i32
    %ne3A_670 = arith.constant 0 : i32
    %ne3A_671 = arith.cmpi ne, %rem3A_669, %ne3A_670 : i32
    %and3A_672 = arith.andi %ne3A_668, %ne3A_671 : i1
    %sub3A_673 = arith.constant 1 : i32
    %sub3A_674 = arith.subi %div3A_653, %sub3A_673 : i32
    %select_n3A_675 = arith.select %and3A_672, %sub3A_674, %div3A_653 : i32
    %mul3A_676 = arith.constant 16 : i32
    %mul3A_677 = arith.muli %select_n3A_675, %mul3A_676 : i32
    %lt3A_678 = arith.cmpi slt, %max3A_648, %min3A_651 : i32
    %convert_element_type3A_679 = arith.extui %lt3A_678 : i1 to i32
    %cond3A_680 = arith.constant 0 : i32
    %cond3A_681 = arith.cmpi ne, %convert_element_type3A_679, %cond3A_680 : i32
    scf.if %cond3A_681 {
      %scan3A_1213 = arith.constant 0 : i32
      %scan3A_1214 = arith.constant 0 : i32
      %scan3A_1215 = arith.constant 143 : i32
      %scan3A_1216 = arith.addi %scan3A_1214, %scan3A_1215 : i32
      %scan3A_1217 = arith.constant 1 : i32
      scf.for %scan3A_1219 = %scan3A_1214 to %scan3A_1216 step %scan3A_1217  : i32 {
        %mul3A_1220 = arith.constant 16 : i32
        %mul3A_1221 = arith.muli %scan3A_1219, %mul3A_1220 : i32
        %add3A_1222 = arith.addi %mul3A_677, %mul3A_1221 : i32
        %add3A_1223 = vector.broadcast %add3A_1222 : i32 to vector<16xi32>
        %add3A_1224 = arith.addi %add3A_1223, %iota3A : vector<16xi32>
        %ge3A_1225 = vector.broadcast %max3A_648 : i32 to vector<16xi32>
        %ge3A_1226 = arith.cmpi sge, %add3A_1224, %ge3A_1225 : vector<16xi32>
        %lt3A_1227 = vector.broadcast %min3A_651 : i32 to vector<16xi32>
        %lt3A_1228 = arith.cmpi slt, %add3A_1224, %lt3A_1227 : vector<16xi32>
        %and3A_1229 = arith.andi %ge3A_1226, %lt3A_1228 : vector<16xi1>
        %min3A_1230 = arith.constant 13808 : i32
        %min3A_1231 = arith.minsi %add3A_1222, %min3A_1230 : i32
        %get3A = arith.index_cast %min3A_1231 : i32 to index
        %get3A_1232 = tpu.vector_load %arg3[%get3A] {strides = array<i32>} : memref<13824xf32, #tpu.memory_space<vmem>>, vector<16xf32>,
        %get3A_1233 = vector.shape_cast %get3A_1232 : vector<16xf32> to vector<16xf32>
        %add3A_1234 = vector.broadcast %select_n3A_10 : i32 to vector<16xi32>
        %add3A_1235 = arith.addi %add3A_1224, %add3A_1234 : vector<16xi32>
        %sub3A_1236 = arith.constant 437505 : i32
        %sub3A_1237 = vector.broadcast %sub3A_1236 : i32 to vector<16xi32>
        %sub3A_1238 = arith.subi %add3A_1235, %sub3A_1237 : vector<16xi32>
        %convert_element_type3A_1239 = arith.sitofp %sub3A_1238 : vector<16xi32> to vector<16xf32>
        %lt3A_1240 = arith.constant 1135 : i32
        %lt3A_1241 = vector.broadcast %lt3A_1240 : i32 to vector<16xi32>
        %lt3A_1242 = arith.cmpi slt, %sub3A_1238, %lt3A_1241 : vector<16xi32>
        %mul3A_1243 = arith.constant 8.81834188E-4 : f32
        %mul3A_1244 = vector.broadcast %mul3A_1243 : f32 to vector<16xf32>
        %mul3A_1245 = arith.mulf %convert_element_type3A_1239, %mul3A_1244 : vector<16xf32>
        %sub3A_1246 = arith.constant 1.135000e+03 : f32
        %sub3A_1247 = vector.broadcast %sub3A_1246 : f32 to vector<16xf32>
        %sub3A_1248 = arith.subf %convert_element_type3A_1239, %sub3A_1247 : vector<16xf32>
        %mul3A_1249 = arith.constant -8.81834188E-4 : f32
        %mul3A_1250 = vector.broadcast %mul3A_1249 : f32 to vector<16xf32>
        %mul3A_1251 = arith.mulf %sub3A_1248, %mul3A_1250 : vector<16xf32>
        %add3A_1252 = arith.constant 1.000000e+00 : f32
        %add3A_1253 = vector.broadcast %add3A_1252 : f32 to vector<16xf32>
        %add3A_1254 = arith.addf %add3A_1253, %mul3A_1251 : vector<16xf32>
        %select_n3A_1255 = arith.select %lt3A_1242, %mul3A_1245, %add3A_1254 : vector<16xi1>, vector<16xf32>
        %mul3A_1256 = arith.mulf %get3A_1233, %select_n3A_1255 : vector<16xf32>
        %select_n3A_1257 = arith.select %and3A_1229, %mul3A_1256, %get3A_1233 : vector<16xi1>, vector<16xf32>
        %swap3A = arith.index_cast %min3A_1231 : i32 to index
        %swap3A_1258 = tpu.vector_load %arg3[%swap3A] {strides = array<i32>} : memref<13824xf32, #tpu.memory_space<vmem>>, vector<16xf32>,
        %swap3A_1259 = vector.shape_cast %swap3A_1258 : vector<16xf32> to vector<16xf32>
        %swap3A_1260 = vector.shape_cast %select_n3A_1257 : vector<16xf32> to vector<16xf32>
        tpu.vector_store %arg3[%swap3A], %swap3A_1260 {strides = array<i32>} : memref<13824xf32, #tpu.memory_space<vmem>>, vector<16xf32>,
      }
      %scan3A_1218 = arith.constant 143 : i32
    } else {
    }
    %sub3A_682 = arith.constant 165725 : i32
    %sub3A_683 = arith.subi %sub3A_682, %select_n3A_10 : i32
    %max3A_684 = arith.constant 0 : i32
    %max3A_685 = arith.maxsi %sub3A_683, %max3A_684 : i32
    %sub3A_686 = arith.constant 170058 : i32
    %sub3A_687 = arith.subi %sub3A_686, %select_n3A_10 : i32
    %min3A_688 = arith.minsi %sub3A_687, %select_n3A_15 : i32
    %jit3A_689 = arith.constant 16 : i32
    %div3A_690 = arith.divsi %max3A_685, %jit3A_689 : i32
    %sign3A_691 = arith.constant 0 : i32
    %sign3A_692 = arith.cmpi sgt, %max3A_685, %sign3A_691 : i32
    %sign3A_693 = arith.extui %sign3A_692 : i1 to i32
    %sign3A_694 = arith.constant 0 : i32
    %sign3A_695 = arith.cmpi slt, %max3A_685, %sign3A_694 : i32
    %sign3A_696 = arith.extui %sign3A_695 : i1 to i32
    %sign3A_697 = arith.subi %sign3A_693, %sign3A_696 : i32
    %sign3A_698 = arith.constant 0 : i32
    %sign3A_699 = arith.cmpi sgt, %jit3A_689, %sign3A_698 : i32
    %sign3A_700 = arith.extui %sign3A_699 : i1 to i32
    %sign3A_701 = arith.constant 0 : i32
    %sign3A_702 = arith.cmpi slt, %jit3A_689, %sign3A_701 : i32
    %sign3A_703 = arith.extui %sign3A_702 : i1 to i32
    %sign3A_704 = arith.subi %sign3A_700, %sign3A_703 : i32
    %ne3A_705 = arith.cmpi ne, %sign3A_697, %sign3A_704 : i32
    %rem3A_706 = arith.remsi %max3A_685, %jit3A_689 : i32
    %ne3A_707 = arith.constant 0 : i32
    %ne3A_708 = arith.cmpi ne, %rem3A_706, %ne3A_707 : i32
    %and3A_709 = arith.andi %ne3A_705, %ne3A_708 : i1
    %sub3A_710 = arith.constant 1 : i32
    %sub3A_711 = arith.subi %div3A_690, %sub3A_710 : i32
    %select_n3A_712 = arith.select %and3A_709, %sub3A_711, %div3A_690 : i32
    %mul3A_713 = arith.constant 16 : i32
    %mul3A_714 = arith.muli %select_n3A_712, %mul3A_713 : i32
    %lt3A_715 = arith.cmpi slt, %max3A_685, %min3A_688 : i32
    %convert_element_type3A_716 = arith.extui %lt3A_715 : i1 to i32
    %cond3A_717 = arith.constant 0 : i32
    %cond3A_718 = arith.cmpi ne, %convert_element_type3A_716, %cond3A_717 : i32
    scf.if %cond3A_718 {
      %scan3A_1213 = arith.constant 0 : i32
      %scan3A_1214 = arith.constant 0 : i32
      %scan3A_1215 = arith.constant 272 : i32
      %scan3A_1216 = arith.addi %scan3A_1214, %scan3A_1215 : i32
      %scan3A_1217 = arith.constant 1 : i32
      scf.for %scan3A_1219 = %scan3A_1214 to %scan3A_1216 step %scan3A_1217  : i32 {
        %mul3A_1220 = arith.constant 16 : i32
        %mul3A_1221 = arith.muli %scan3A_1219, %mul3A_1220 : i32
        %add3A_1222 = arith.addi %mul3A_714, %mul3A_1221 : i32
        %add3A_1223 = vector.broadcast %add3A_1222 : i32 to vector<16xi32>
        %add3A_1224 = arith.addi %add3A_1223, %iota3A : vector<16xi32>
        %ge3A_1225 = vector.broadcast %max3A_685 : i32 to vector<16xi32>
        %ge3A_1226 = arith.cmpi sge, %add3A_1224, %ge3A_1225 : vector<16xi32>
        %lt3A_1227 = vector.broadcast %min3A_688 : i32 to vector<16xi32>
        %lt3A_1228 = arith.cmpi slt, %add3A_1224, %lt3A_1227 : vector<16xi32>
        %and3A_1229 = arith.andi %ge3A_1226, %lt3A_1228 : vector<16xi1>
        %min3A_1230 = arith.constant 13808 : i32
        %min3A_1231 = arith.minsi %add3A_1222, %min3A_1230 : i32
        %get3A = arith.index_cast %min3A_1231 : i32 to index
        %get3A_1232 = tpu.vector_load %arg3[%get3A] {strides = array<i32>} : memref<13824xf32, #tpu.memory_space<vmem>>, vector<16xf32>,
        %get3A_1233 = vector.shape_cast %get3A_1232 : vector<16xf32> to vector<16xf32>
        %add3A_1234 = vector.broadcast %select_n3A_10 : i32 to vector<16xi32>
        %add3A_1235 = arith.addi %add3A_1224, %add3A_1234 : vector<16xi32>
        %sub3A_1236 = arith.constant 165725 : i32
        %sub3A_1237 = vector.broadcast %sub3A_1236 : i32 to vector<16xi32>
        %sub3A_1238 = arith.subi %add3A_1235, %sub3A_1237 : vector<16xi32>
        %convert_element_type3A_1239 = arith.sitofp %sub3A_1238 : vector<16xi32> to vector<16xf32>
        %lt3A_1240 = arith.constant 2166 : i32
        %lt3A_1241 = vector.broadcast %lt3A_1240 : i32 to vector<16xi32>
        %lt3A_1242 = arith.cmpi slt, %sub3A_1238, %lt3A_1241 : vector<16xi32>
        %mul3A_1243 = arith.constant 4.61893767E-4 : f32
        %mul3A_1244 = vector.broadcast %mul3A_1243 : f32 to vector<16xf32>
        %mul3A_1245 = arith.mulf %convert_element_type3A_1239, %mul3A_1244 : vector<16xf32>
        %sub3A_1246 = arith.constant 2.166000e+03 : f32
        %sub3A_1247 = vector.broadcast %sub3A_1246 : f32 to vector<16xf32>
        %sub3A_1248 = arith.subf %convert_element_type3A_1239, %sub3A_1247 : vector<16xf32>
        %mul3A_1249 = arith.constant -4.61680524E-4 : f32
        %mul3A_1250 = vector.broadcast %mul3A_1249 : f32 to vector<16xf32>
        %mul3A_1251 = arith.mulf %sub3A_1248, %mul3A_1250 : vector<16xf32>
        %add3A_1252 = arith.constant 1.000000e+00 : f32
        %add3A_1253 = vector.broadcast %add3A_1252 : f32 to vector<16xf32>
        %add3A_1254 = arith.addf %add3A_1253, %mul3A_1251 : vector<16xf32>
        %select_n3A_1255 = arith.select %lt3A_1242, %mul3A_1245, %add3A_1254 : vector<16xi1>, vector<16xf32>
        %mul3A_1256 = arith.mulf %get3A_1233, %select_n3A_1255 : vector<16xf32>
        %select_n3A_1257 = arith.select %and3A_1229, %mul3A_1256, %get3A_1233 : vector<16xi1>, vector<16xf32>
        %swap3A = arith.index_cast %min3A_1231 : i32 to index
        %swap3A_1258 = tpu.vector_load %arg3[%swap3A] {strides = array<i32>} : memref<13824xf32, #tpu.memory_space<vmem>>, vector<16xf32>,
        %swap3A_1259 = vector.shape_cast %swap3A_1258 : vector<16xf32> to vector<16xf32>
        %swap3A_1260 = vector.shape_cast %select_n3A_1257 : vector<16xf32> to vector<16xf32>
        tpu.vector_store %arg3[%swap3A], %swap3A_1260 {strides = array<i32>} : memref<13824xf32, #tpu.memory_space<vmem>>, vector<16xf32>,
      }
      %scan3A_1218 = arith.constant 272 : i32
    } else {
    }
    %sub3A_719 = arith.constant 284113 : i32
    %sub3A_720 = arith.subi %sub3A_719, %select_n3A_10 : i32
    %max3A_721 = arith.constant 0 : i32
    %max3A_722 = arith.maxsi %sub3A_720, %max3A_721 : i32
    %sub3A_723 = arith.constant 288324 : i32
    %sub3A_724 = arith.subi %sub3A_723, %select_n3A_10 : i32
    %min3A_725 = arith.minsi %sub3A_724, %select_n3A_15 : i32
    %jit3A_726 = arith.constant 16 : i32
    %div3A_727 = arith.divsi %max3A_722, %jit3A_726 : i32
    %sign3A_728 = arith.constant 0 : i32
    %sign3A_729 = arith.cmpi sgt, %max3A_722, %sign3A_728 : i32
    %sign3A_730 = arith.extui %sign3A_729 : i1 to i32
    %sign3A_731 = arith.constant 0 : i32
    %sign3A_732 = arith.cmpi slt, %max3A_722, %sign3A_731 : i32
    %sign3A_733 = arith.extui %sign3A_732 : i1 to i32
    %sign3A_734 = arith.subi %sign3A_730, %sign3A_733 : i32
    %sign3A_735 = arith.constant 0 : i32
    %sign3A_736 = arith.cmpi sgt, %jit3A_726, %sign3A_735 : i32
    %sign3A_737 = arith.extui %sign3A_736 : i1 to i32
    %sign3A_738 = arith.constant 0 : i32
    %sign3A_739 = arith.cmpi slt, %jit3A_726, %sign3A_738 : i32
    %sign3A_740 = arith.extui %sign3A_739 : i1 to i32
    %sign3A_741 = arith.subi %sign3A_737, %sign3A_740 : i32
    %ne3A_742 = arith.cmpi ne, %sign3A_734, %sign3A_741 : i32
    %rem3A_743 = arith.remsi %max3A_722, %jit3A_726 : i32
    %ne3A_744 = arith.constant 0 : i32
    %ne3A_745 = arith.cmpi ne, %rem3A_743, %ne3A_744 : i32
    %and3A_746 = arith.andi %ne3A_742, %ne3A_745 : i1
    %sub3A_747 = arith.constant 1 : i32
    %sub3A_748 = arith.subi %div3A_727, %sub3A_747 : i32
    %select_n3A_749 = arith.select %and3A_746, %sub3A_748, %div3A_727 : i32
    %mul3A_750 = arith.constant 16 : i32
    %mul3A_751 = arith.muli %select_n3A_749, %mul3A_750 : i32
    %lt3A_752 = arith.cmpi slt, %max3A_722, %min3A_725 : i32
    %convert_element_type3A_753 = arith.extui %lt3A_752 : i1 to i32
    %cond3A_754 = arith.constant 0 : i32
    %cond3A_755 = arith.cmpi ne, %convert_element_type3A_753, %cond3A_754 : i32
    scf.if %cond3A_755 {
      %scan3A_1213 = arith.constant 0 : i32
      %scan3A_1214 = arith.constant 0 : i32
      %scan3A_1215 = arith.constant 265 : i32
      %scan3A_1216 = arith.addi %scan3A_1214, %scan3A_1215 : i32
      %scan3A_1217 = arith.constant 1 : i32
      scf.for %scan3A_1219 = %scan3A_1214 to %scan3A_1216 step %scan3A_1217  : i32 {
        %mul3A_1220 = arith.constant 16 : i32
        %mul3A_1221 = arith.muli %scan3A_1219, %mul3A_1220 : i32
        %add3A_1222 = arith.addi %mul3A_751, %mul3A_1221 : i32
        %add3A_1223 = vector.broadcast %add3A_1222 : i32 to vector<16xi32>
        %add3A_1224 = arith.addi %add3A_1223, %iota3A : vector<16xi32>
        %ge3A_1225 = vector.broadcast %max3A_722 : i32 to vector<16xi32>
        %ge3A_1226 = arith.cmpi sge, %add3A_1224, %ge3A_1225 : vector<16xi32>
        %lt3A_1227 = vector.broadcast %min3A_725 : i32 to vector<16xi32>
        %lt3A_1228 = arith.cmpi slt, %add3A_1224, %lt3A_1227 : vector<16xi32>
        %and3A_1229 = arith.andi %ge3A_1226, %lt3A_1228 : vector<16xi1>
        %min3A_1230 = arith.constant 13808 : i32
        %min3A_1231 = arith.minsi %add3A_1222, %min3A_1230 : i32
        %get3A = arith.index_cast %min3A_1231 : i32 to index
        %get3A_1232 = tpu.vector_load %arg3[%get3A] {strides = array<i32>} : memref<13824xf32, #tpu.memory_space<vmem>>, vector<16xf32>,
        %get3A_1233 = vector.shape_cast %get3A_1232 : vector<16xf32> to vector<16xf32>
        %add3A_1234 = vector.broadcast %select_n3A_10 : i32 to vector<16xi32>
        %add3A_1235 = arith.addi %add3A_1224, %add3A_1234 : vector<16xi32>
        %sub3A_1236 = arith.constant 284113 : i32
        %sub3A_1237 = vector.broadcast %sub3A_1236 : i32 to vector<16xi32>
        %sub3A_1238 = arith.subi %add3A_1235, %sub3A_1237 : vector<16xi32>
        %convert_element_type3A_1239 = arith.sitofp %sub3A_1238 : vector<16xi32> to vector<16xf32>
        %lt3A_1240 = arith.constant 2105 : i32
        %lt3A_1241 = vector.broadcast %lt3A_1240 : i32 to vector<16xi32>
        %lt3A_1242 = arith.cmpi slt, %sub3A_1238, %lt3A_1241 : vector<16xi32>
        %mul3A_1243 = arith.constant 4.75285167E-4 : f32
        %mul3A_1244 = vector.broadcast %mul3A_1243 : f32 to vector<16xf32>
        %mul3A_1245 = arith.mulf %convert_element_type3A_1239, %mul3A_1244 : vector<16xf32>
        %sub3A_1246 = arith.constant 2.105000e+03 : f32
        %sub3A_1247 = vector.broadcast %sub3A_1246 : f32 to vector<16xf32>
        %sub3A_1248 = arith.subf %convert_element_type3A_1239, %sub3A_1247 : vector<16xf32>
        %mul3A_1249 = arith.constant -4.7505938E-4 : f32
        %mul3A_1250 = vector.broadcast %mul3A_1249 : f32 to vector<16xf32>
        %mul3A_1251 = arith.mulf %sub3A_1248, %mul3A_1250 : vector<16xf32>
        %add3A_1252 = arith.constant 1.000000e+00 : f32
        %add3A_1253 = vector.broadcast %add3A_1252 : f32 to vector<16xf32>
        %add3A_1254 = arith.addf %add3A_1253, %mul3A_1251 : vector<16xf32>
        %select_n3A_1255 = arith.select %lt3A_1242, %mul3A_1245, %add3A_1254 : vector<16xi1>, vector<16xf32>
        %mul3A_1256 = arith.mulf %get3A_1233, %select_n3A_1255 : vector<16xf32>
        %select_n3A_1257 = arith.select %and3A_1229, %mul3A_1256, %get3A_1233 : vector<16xi1>, vector<16xf32>
        %swap3A = arith.index_cast %min3A_1231 : i32 to index
        %swap3A_1258 = tpu.vector_load %arg3[%swap3A] {strides = array<i32>} : memref<13824xf32, #tpu.memory_space<vmem>>, vector<16xf32>,
        %swap3A_1259 = vector.shape_cast %swap3A_1258 : vector<16xf32> to vector<16xf32>
        %swap3A_1260 = vector.shape_cast %select_n3A_1257 : vector<16xf32> to vector<16xf32>
        tpu.vector_store %arg3[%swap3A], %swap3A_1260 {strides = array<i32>} : memref<13824xf32, #tpu.memory_space<vmem>>, vector<16xf32>,
      }
      %scan3A_1218 = arith.constant 265 : i32
    } else {
    }
    %sub3A_756 = arith.constant 308230 : i32
    %sub3A_757 = arith.subi %sub3A_756, %select_n3A_10 : i32
    %max3A_758 = arith.constant 0 : i32
    %max3A_759 = arith.maxsi %sub3A_757, %max3A_758 : i32
    %sub3A_760 = arith.constant 311403 : i32
    %sub3A_761 = arith.subi %sub3A_760, %select_n3A_10 : i32
    %min3A_762 = arith.minsi %sub3A_761, %select_n3A_15 : i32
    %jit3A_763 = arith.constant 16 : i32
    %div3A_764 = arith.divsi %max3A_759, %jit3A_763 : i32
    %sign3A_765 = arith.constant 0 : i32
    %sign3A_766 = arith.cmpi sgt, %max3A_759, %sign3A_765 : i32
    %sign3A_767 = arith.extui %sign3A_766 : i1 to i32
    %sign3A_768 = arith.constant 0 : i32
    %sign3A_769 = arith.cmpi slt, %max3A_759, %sign3A_768 : i32
    %sign3A_770 = arith.extui %sign3A_769 : i1 to i32
    %sign3A_771 = arith.subi %sign3A_767, %sign3A_770 : i32
    %sign3A_772 = arith.constant 0 : i32
    %sign3A_773 = arith.cmpi sgt, %jit3A_763, %sign3A_772 : i32
    %sign3A_774 = arith.extui %sign3A_773 : i1 to i32
    %sign3A_775 = arith.constant 0 : i32
    %sign3A_776 = arith.cmpi slt, %jit3A_763, %sign3A_775 : i32
    %sign3A_777 = arith.extui %sign3A_776 : i1 to i32
    %sign3A_778 = arith.subi %sign3A_774, %sign3A_777 : i32
    %ne3A_779 = arith.cmpi ne, %sign3A_771, %sign3A_778 : i32
    %rem3A_780 = arith.remsi %max3A_759, %jit3A_763 : i32
    %ne3A_781 = arith.constant 0 : i32
    %ne3A_782 = arith.cmpi ne, %rem3A_780, %ne3A_781 : i32
    %and3A_783 = arith.andi %ne3A_779, %ne3A_782 : i1
    %sub3A_784 = arith.constant 1 : i32
    %sub3A_785 = arith.subi %div3A_764, %sub3A_784 : i32
    %select_n3A_786 = arith.select %and3A_783, %sub3A_785, %div3A_764 : i32
    %mul3A_787 = arith.constant 16 : i32
    %mul3A_788 = arith.muli %select_n3A_786, %mul3A_787 : i32
    %lt3A_789 = arith.cmpi slt, %max3A_759, %min3A_762 : i32
    %convert_element_type3A_790 = arith.extui %lt3A_789 : i1 to i32
    %cond3A_791 = arith.constant 0 : i32
    %cond3A_792 = arith.cmpi ne, %convert_element_type3A_790, %cond3A_791 : i32
    scf.if %cond3A_792 {
      %scan3A_1213 = arith.constant 0 : i32
      %scan3A_1214 = arith.constant 0 : i32
      %scan3A_1215 = arith.constant 200 : i32
      %scan3A_1216 = arith.addi %scan3A_1214, %scan3A_1215 : i32
      %scan3A_1217 = arith.constant 1 : i32
      scf.for %scan3A_1219 = %scan3A_1214 to %scan3A_1216 step %scan3A_1217  : i32 {
        %mul3A_1220 = arith.constant 16 : i32
        %mul3A_1221 = arith.muli %scan3A_1219, %mul3A_1220 : i32
        %add3A_1222 = arith.addi %mul3A_788, %mul3A_1221 : i32
        %add3A_1223 = vector.broadcast %add3A_1222 : i32 to vector<16xi32>
        %add3A_1224 = arith.addi %add3A_1223, %iota3A : vector<16xi32>
        %ge3A_1225 = vector.broadcast %max3A_759 : i32 to vector<16xi32>
        %ge3A_1226 = arith.cmpi sge, %add3A_1224, %ge3A_1225 : vector<16xi32>
        %lt3A_1227 = vector.broadcast %min3A_762 : i32 to vector<16xi32>
        %lt3A_1228 = arith.cmpi slt, %add3A_1224, %lt3A_1227 : vector<16xi32>
        %and3A_1229 = arith.andi %ge3A_1226, %lt3A_1228 : vector<16xi1>
        %min3A_1230 = arith.constant 13808 : i32
        %min3A_1231 = arith.minsi %add3A_1222, %min3A_1230 : i32
        %get3A = arith.index_cast %min3A_1231 : i32 to index
        %get3A_1232 = tpu.vector_load %arg3[%get3A] {strides = array<i32>} : memref<13824xf32, #tpu.memory_space<vmem>>, vector<16xf32>,
        %get3A_1233 = vector.shape_cast %get3A_1232 : vector<16xf32> to vector<16xf32>
        %jit3A_1234 = arith.constant 0.000000e+00 : f32
        %broadcast_in_dim3A_1235 = vector.broadcast %jit3A_1234 : f32 to vector<16xf32>
        %select_n3A_1236 = arith.select %and3A_1229, %broadcast_in_dim3A_1235, %get3A_1233 : vector<16xi1>, vector<16xf32>
        %swap3A = arith.index_cast %min3A_1231 : i32 to index
        %swap3A_1237 = tpu.vector_load %arg3[%swap3A] {strides = array<i32>} : memref<13824xf32, #tpu.memory_space<vmem>>, vector<16xf32>,
        %swap3A_1238 = vector.shape_cast %swap3A_1237 : vector<16xf32> to vector<16xf32>
        %swap3A_1239 = vector.shape_cast %select_n3A_1236 : vector<16xf32> to vector<16xf32>
        tpu.vector_store %arg3[%swap3A], %swap3A_1239 {strides = array<i32>} : memref<13824xf32, #tpu.memory_space<vmem>>, vector<16xf32>,
      }
      %scan3A_1218 = arith.constant 200 : i32
    } else {
    }
    %sub3A_793 = arith.constant 59048 : i32
    %sub3A_794 = arith.subi %sub3A_793, %select_n3A_10 : i32
    %max3A_795 = arith.constant 0 : i32
    %max3A_796 = arith.maxsi %sub3A_794, %max3A_795 : i32
    %sub3A_797 = arith.constant 62962 : i32
    %sub3A_798 = arith.subi %sub3A_797, %select_n3A_10 : i32
    %min3A_799 = arith.minsi %sub3A_798, %select_n3A_15 : i32
    %jit3A_800 = arith.constant 16 : i32
    %div3A_801 = arith.divsi %max3A_796, %jit3A_800 : i32
    %sign3A_802 = arith.constant 0 : i32
    %sign3A_803 = arith.cmpi sgt, %max3A_796, %sign3A_802 : i32
    %sign3A_804 = arith.extui %sign3A_803 : i1 to i32
    %sign3A_805 = arith.constant 0 : i32
    %sign3A_806 = arith.cmpi slt, %max3A_796, %sign3A_805 : i32
    %sign3A_807 = arith.extui %sign3A_806 : i1 to i32
    %sign3A_808 = arith.subi %sign3A_804, %sign3A_807 : i32
    %sign3A_809 = arith.constant 0 : i32
    %sign3A_810 = arith.cmpi sgt, %jit3A_800, %sign3A_809 : i32
    %sign3A_811 = arith.extui %sign3A_810 : i1 to i32
    %sign3A_812 = arith.constant 0 : i32
    %sign3A_813 = arith.cmpi slt, %jit3A_800, %sign3A_812 : i32
    %sign3A_814 = arith.extui %sign3A_813 : i1 to i32
    %sign3A_815 = arith.subi %sign3A_811, %sign3A_814 : i32
    %ne3A_816 = arith.cmpi ne, %sign3A_808, %sign3A_815 : i32
    %rem3A_817 = arith.remsi %max3A_796, %jit3A_800 : i32
    %ne3A_818 = arith.constant 0 : i32
    %ne3A_819 = arith.cmpi ne, %rem3A_817, %ne3A_818 : i32
    %and3A_820 = arith.andi %ne3A_816, %ne3A_819 : i1
    %sub3A_821 = arith.constant 1 : i32
    %sub3A_822 = arith.subi %div3A_801, %sub3A_821 : i32
    %select_n3A_823 = arith.select %and3A_820, %sub3A_822, %div3A_801 : i32
    %mul3A_824 = arith.constant 16 : i32
    %mul3A_825 = arith.muli %select_n3A_823, %mul3A_824 : i32
    %lt3A_826 = arith.cmpi slt, %max3A_796, %min3A_799 : i32
    %convert_element_type3A_827 = arith.extui %lt3A_826 : i1 to i32
    %cond3A_828 = arith.constant 0 : i32
    %cond3A_829 = arith.cmpi ne, %convert_element_type3A_827, %cond3A_828 : i32
    scf.if %cond3A_829 {
      %scan3A_1213 = arith.constant 0 : i32
      %scan3A_1214 = arith.constant 0 : i32
      %scan3A_1215 = arith.constant 246 : i32
      %scan3A_1216 = arith.addi %scan3A_1214, %scan3A_1215 : i32
      %scan3A_1217 = arith.constant 1 : i32
      scf.for %scan3A_1219 = %scan3A_1214 to %scan3A_1216 step %scan3A_1217  : i32 {
        %mul3A_1220 = arith.constant 16 : i32
        %mul3A_1221 = arith.muli %scan3A_1219, %mul3A_1220 : i32
        %add3A_1222 = arith.addi %mul3A_825, %mul3A_1221 : i32
        %add3A_1223 = vector.broadcast %add3A_1222 : i32 to vector<16xi32>
        %add3A_1224 = arith.addi %add3A_1223, %iota3A : vector<16xi32>
        %ge3A_1225 = vector.broadcast %max3A_796 : i32 to vector<16xi32>
        %ge3A_1226 = arith.cmpi sge, %add3A_1224, %ge3A_1225 : vector<16xi32>
        %lt3A_1227 = vector.broadcast %min3A_799 : i32 to vector<16xi32>
        %lt3A_1228 = arith.cmpi slt, %add3A_1224, %lt3A_1227 : vector<16xi32>
        %and3A_1229 = arith.andi %ge3A_1226, %lt3A_1228 : vector<16xi1>
        %min3A_1230 = arith.constant 13808 : i32
        %min3A_1231 = arith.minsi %add3A_1222, %min3A_1230 : i32
        %get3A = arith.index_cast %min3A_1231 : i32 to index
        %get3A_1232 = tpu.vector_load %arg3[%get3A] {strides = array<i32>} : memref<13824xf32, #tpu.memory_space<vmem>>, vector<16xf32>,
        %get3A_1233 = vector.shape_cast %get3A_1232 : vector<16xf32> to vector<16xf32>
        %add3A_1234 = vector.broadcast %select_n3A_10 : i32 to vector<16xi32>
        %add3A_1235 = arith.addi %add3A_1224, %add3A_1234 : vector<16xi32>
        %sub3A_1236 = arith.constant 59048 : i32
        %sub3A_1237 = vector.broadcast %sub3A_1236 : i32 to vector<16xi32>
        %sub3A_1238 = arith.subi %add3A_1235, %sub3A_1237 : vector<16xi32>
        %convert_element_type3A_1239 = arith.sitofp %sub3A_1238 : vector<16xi32> to vector<16xf32>
        %lt3A_1240 = arith.constant 1957 : i32
        %lt3A_1241 = vector.broadcast %lt3A_1240 : i32 to vector<16xi32>
        %lt3A_1242 = arith.cmpi slt, %sub3A_1238, %lt3A_1241 : vector<16xi32>
        %mul3A_1243 = arith.constant 5.11247432E-4 : f32
        %mul3A_1244 = vector.broadcast %mul3A_1243 : f32 to vector<16xf32>
        %mul3A_1245 = arith.mulf %convert_element_type3A_1239, %mul3A_1244 : vector<16xf32>
        %sub3A_1246 = arith.constant 1.957000e+03 : f32
        %sub3A_1247 = vector.broadcast %sub3A_1246 : f32 to vector<16xf32>
        %sub3A_1248 = arith.subf %convert_element_type3A_1239, %sub3A_1247 : vector<16xf32>
        %mul3A_1249 = arith.constant -5.11247432E-4 : f32
        %mul3A_1250 = vector.broadcast %mul3A_1249 : f32 to vector<16xf32>
        %mul3A_1251 = arith.mulf %sub3A_1248, %mul3A_1250 : vector<16xf32>
        %add3A_1252 = arith.constant 1.000000e+00 : f32
        %add3A_1253 = vector.broadcast %add3A_1252 : f32 to vector<16xf32>
        %add3A_1254 = arith.addf %add3A_1253, %mul3A_1251 : vector<16xf32>
        %select_n3A_1255 = arith.select %lt3A_1242, %mul3A_1245, %add3A_1254 : vector<16xi1>, vector<16xf32>
        %mul3A_1256 = arith.mulf %get3A_1233, %select_n3A_1255 : vector<16xf32>
        %select_n3A_1257 = arith.select %and3A_1229, %mul3A_1256, %get3A_1233 : vector<16xi1>, vector<16xf32>
        %swap3A = arith.index_cast %min3A_1231 : i32 to index
        %swap3A_1258 = tpu.vector_load %arg3[%swap3A] {strides = array<i32>} : memref<13824xf32, #tpu.memory_space<vmem>>, vector<16xf32>,
        %swap3A_1259 = vector.shape_cast %swap3A_1258 : vector<16xf32> to vector<16xf32>
        %swap3A_1260 = vector.shape_cast %select_n3A_1257 : vector<16xf32> to vector<16xf32>
        tpu.vector_store %arg3[%swap3A], %swap3A_1260 {strides = array<i32>} : memref<13824xf32, #tpu.memory_space<vmem>>, vector<16xf32>,
      }
      %scan3A_1218 = arith.constant 246 : i32
    } else {
    }
    %sub3A_830 = arith.constant 370063 : i32
    %sub3A_831 = arith.subi %sub3A_830, %select_n3A_10 : i32
    %max3A_832 = arith.constant 0 : i32
    %max3A_833 = arith.maxsi %sub3A_831, %max3A_832 : i32
    %sub3A_834 = arith.constant 373367 : i32
    %sub3A_835 = arith.subi %sub3A_834, %select_n3A_10 : i32
    %min3A_836 = arith.minsi %sub3A_835, %select_n3A_15 : i32
    %jit3A_837 = arith.constant 16 : i32
    %div3A_838 = arith.divsi %max3A_833, %jit3A_837 : i32
    %sign3A_839 = arith.constant 0 : i32
    %sign3A_840 = arith.cmpi sgt, %max3A_833, %sign3A_839 : i32
    %sign3A_841 = arith.extui %sign3A_840 : i1 to i32
    %sign3A_842 = arith.constant 0 : i32
    %sign3A_843 = arith.cmpi slt, %max3A_833, %sign3A_842 : i32
    %sign3A_844 = arith.extui %sign3A_843 : i1 to i32
    %sign3A_845 = arith.subi %sign3A_841, %sign3A_844 : i32
    %sign3A_846 = arith.constant 0 : i32
    %sign3A_847 = arith.cmpi sgt, %jit3A_837, %sign3A_846 : i32
    %sign3A_848 = arith.extui %sign3A_847 : i1 to i32
    %sign3A_849 = arith.constant 0 : i32
    %sign3A_850 = arith.cmpi slt, %jit3A_837, %sign3A_849 : i32
    %sign3A_851 = arith.extui %sign3A_850 : i1 to i32
    %sign3A_852 = arith.subi %sign3A_848, %sign3A_851 : i32
    %ne3A_853 = arith.cmpi ne, %sign3A_845, %sign3A_852 : i32
    %rem3A_854 = arith.remsi %max3A_833, %jit3A_837 : i32
    %ne3A_855 = arith.constant 0 : i32
    %ne3A_856 = arith.cmpi ne, %rem3A_854, %ne3A_855 : i32
    %and3A_857 = arith.andi %ne3A_853, %ne3A_856 : i1
    %sub3A_858 = arith.constant 1 : i32
    %sub3A_859 = arith.subi %div3A_838, %sub3A_858 : i32
    %select_n3A_860 = arith.select %and3A_857, %sub3A_859, %div3A_838 : i32
    %mul3A_861 = arith.constant 16 : i32
    %mul3A_862 = arith.muli %select_n3A_860, %mul3A_861 : i32
    %lt3A_863 = arith.cmpi slt, %max3A_833, %min3A_836 : i32
    %convert_element_type3A_864 = arith.extui %lt3A_863 : i1 to i32
    %cond3A_865 = arith.constant 0 : i32
    %cond3A_866 = arith.cmpi ne, %convert_element_type3A_864, %cond3A_865 : i32
    scf.if %cond3A_866 {
      %scan3A_1213 = arith.constant 0 : i32
      %scan3A_1214 = arith.constant 0 : i32
      %scan3A_1215 = arith.constant 208 : i32
      %scan3A_1216 = arith.addi %scan3A_1214, %scan3A_1215 : i32
      %scan3A_1217 = arith.constant 1 : i32
      scf.for %scan3A_1219 = %scan3A_1214 to %scan3A_1216 step %scan3A_1217  : i32 {
        %mul3A_1220 = arith.constant 16 : i32
        %mul3A_1221 = arith.muli %scan3A_1219, %mul3A_1220 : i32
        %add3A_1222 = arith.addi %mul3A_862, %mul3A_1221 : i32
        %add3A_1223 = vector.broadcast %add3A_1222 : i32 to vector<16xi32>
        %add3A_1224 = arith.addi %add3A_1223, %iota3A : vector<16xi32>
        %ge3A_1225 = vector.broadcast %max3A_833 : i32 to vector<16xi32>
        %ge3A_1226 = arith.cmpi sge, %add3A_1224, %ge3A_1225 : vector<16xi32>
        %lt3A_1227 = vector.broadcast %min3A_836 : i32 to vector<16xi32>
        %lt3A_1228 = arith.cmpi slt, %add3A_1224, %lt3A_1227 : vector<16xi32>
        %and3A_1229 = arith.andi %ge3A_1226, %lt3A_1228 : vector<16xi1>
        %min3A_1230 = arith.constant 13808 : i32
        %min3A_1231 = arith.minsi %add3A_1222, %min3A_1230 : i32
        %get3A = arith.index_cast %min3A_1231 : i32 to index
        %get3A_1232 = tpu.vector_load %arg3[%get3A] {strides = array<i32>} : memref<13824xf32, #tpu.memory_space<vmem>>, vector<16xf32>,
        %get3A_1233 = vector.shape_cast %get3A_1232 : vector<16xf32> to vector<16xf32>
        %add3A_1234 = vector.broadcast %select_n3A_10 : i32 to vector<16xi32>
        %add3A_1235 = arith.addi %add3A_1224, %add3A_1234 : vector<16xi32>
        %sub3A_1236 = arith.constant 370063 : i32
        %sub3A_1237 = vector.broadcast %sub3A_1236 : i32 to vector<16xi32>
        %sub3A_1238 = arith.subi %add3A_1235, %sub3A_1237 : vector<16xi32>
        %convert_element_type3A_1239 = arith.sitofp %sub3A_1238 : vector<16xi32> to vector<16xf32>
        %lt3A_1240 = arith.constant 1652 : i32
        %lt3A_1241 = vector.broadcast %lt3A_1240 : i32 to vector<16xi32>
        %lt3A_1242 = arith.cmpi slt, %sub3A_1238, %lt3A_1241 : vector<16xi32>
        %mul3A_1243 = arith.constant 6.05693494E-4 : f32
        %mul3A_1244 = vector.broadcast %mul3A_1243 : f32 to vector<16xf32>
        %mul3A_1245 = arith.mulf %convert_element_type3A_1239, %mul3A_1244 : vector<16xf32>
        %sub3A_1246 = arith.constant 1.652000e+03 : f32
        %sub3A_1247 = vector.broadcast %sub3A_1246 : f32 to vector<16xf32>
        %sub3A_1248 = arith.subf %convert_element_type3A_1239, %sub3A_1247 : vector<16xf32>
        %mul3A_1249 = arith.constant -6.05693494E-4 : f32
        %mul3A_1250 = vector.broadcast %mul3A_1249 : f32 to vector<16xf32>
        %mul3A_1251 = arith.mulf %sub3A_1248, %mul3A_1250 : vector<16xf32>
        %add3A_1252 = arith.constant 1.000000e+00 : f32
        %add3A_1253 = vector.broadcast %add3A_1252 : f32 to vector<16xf32>
        %add3A_1254 = arith.addf %add3A_1253, %mul3A_1251 : vector<16xf32>
        %select_n3A_1255 = arith.select %lt3A_1242, %mul3A_1245, %add3A_1254 : vector<16xi1>, vector<16xf32>
        %mul3A_1256 = arith.mulf %get3A_1233, %select_n3A_1255 : vector<16xf32>
        %select_n3A_1257 = arith.select %and3A_1229, %mul3A_1256, %get3A_1233 : vector<16xi1>, vector<16xf32>
        %swap3A = arith.index_cast %min3A_1231 : i32 to index
        %swap3A_1258 = tpu.vector_load %arg3[%swap3A] {strides = array<i32>} : memref<13824xf32, #tpu.memory_space<vmem>>, vector<16xf32>,
        %swap3A_1259 = vector.shape_cast %swap3A_1258 : vector<16xf32> to vector<16xf32>
        %swap3A_1260 = vector.shape_cast %select_n3A_1257 : vector<16xf32> to vector<16xf32>
        tpu.vector_store %arg3[%swap3A], %swap3A_1260 {strides = array<i32>} : memref<13824xf32, #tpu.memory_space<vmem>>, vector<16xf32>,
      }
      %scan3A_1218 = arith.constant 208 : i32
    } else {
    }
    %sub3A_867 = arith.constant 136217 : i32
    %sub3A_868 = arith.subi %sub3A_867, %select_n3A_10 : i32
    %max3A_869 = arith.constant 0 : i32
    %max3A_870 = arith.maxsi %sub3A_868, %max3A_869 : i32
    %sub3A_871 = arith.constant 138148 : i32
    %sub3A_872 = arith.subi %sub3A_871, %select_n3A_10 : i32
    %min3A_873 = arith.minsi %sub3A_872, %select_n3A_15 : i32
    %jit3A_874 = arith.constant 16 : i32
    %div3A_875 = arith.divsi %max3A_870, %jit3A_874 : i32
    %sign3A_876 = arith.constant 0 : i32
    %sign3A_877 = arith.cmpi sgt, %max3A_870, %sign3A_876 : i32
    %sign3A_878 = arith.extui %sign3A_877 : i1 to i32
    %sign3A_879 = arith.constant 0 : i32
    %sign3A_880 = arith.cmpi slt, %max3A_870, %sign3A_879 : i32
    %sign3A_881 = arith.extui %sign3A_880 : i1 to i32
    %sign3A_882 = arith.subi %sign3A_878, %sign3A_881 : i32
    %sign3A_883 = arith.constant 0 : i32
    %sign3A_884 = arith.cmpi sgt, %jit3A_874, %sign3A_883 : i32
    %sign3A_885 = arith.extui %sign3A_884 : i1 to i32
    %sign3A_886 = arith.constant 0 : i32
    %sign3A_887 = arith.cmpi slt, %jit3A_874, %sign3A_886 : i32
    %sign3A_888 = arith.extui %sign3A_887 : i1 to i32
    %sign3A_889 = arith.subi %sign3A_885, %sign3A_888 : i32
    %ne3A_890 = arith.cmpi ne, %sign3A_882, %sign3A_889 : i32
    %rem3A_891 = arith.remsi %max3A_870, %jit3A_874 : i32
    %ne3A_892 = arith.constant 0 : i32
    %ne3A_893 = arith.cmpi ne, %rem3A_891, %ne3A_892 : i32
    %and3A_894 = arith.andi %ne3A_890, %ne3A_893 : i1
    %sub3A_895 = arith.constant 1 : i32
    %sub3A_896 = arith.subi %div3A_875, %sub3A_895 : i32
    %select_n3A_897 = arith.select %and3A_894, %sub3A_896, %div3A_875 : i32
    %mul3A_898 = arith.constant 16 : i32
    %mul3A_899 = arith.muli %select_n3A_897, %mul3A_898 : i32
    %lt3A_900 = arith.cmpi slt, %max3A_870, %min3A_873 : i32
    %convert_element_type3A_901 = arith.extui %lt3A_900 : i1 to i32
    %cond3A_902 = arith.constant 0 : i32
    %cond3A_903 = arith.cmpi ne, %convert_element_type3A_901, %cond3A_902 : i32
    scf.if %cond3A_903 {
      %scan3A_1213 = arith.constant 0 : i32
      %scan3A_1214 = arith.constant 0 : i32
      %scan3A_1215 = arith.constant 122 : i32
      %scan3A_1216 = arith.addi %scan3A_1214, %scan3A_1215 : i32
      %scan3A_1217 = arith.constant 1 : i32
      scf.for %scan3A_1219 = %scan3A_1214 to %scan3A_1216 step %scan3A_1217  : i32 {
        %mul3A_1220 = arith.constant 16 : i32
        %mul3A_1221 = arith.muli %scan3A_1219, %mul3A_1220 : i32
        %add3A_1222 = arith.addi %mul3A_899, %mul3A_1221 : i32
        %add3A_1223 = vector.broadcast %add3A_1222 : i32 to vector<16xi32>
        %add3A_1224 = arith.addi %add3A_1223, %iota3A : vector<16xi32>
        %ge3A_1225 = vector.broadcast %max3A_870 : i32 to vector<16xi32>
        %ge3A_1226 = arith.cmpi sge, %add3A_1224, %ge3A_1225 : vector<16xi32>
        %lt3A_1227 = vector.broadcast %min3A_873 : i32 to vector<16xi32>
        %lt3A_1228 = arith.cmpi slt, %add3A_1224, %lt3A_1227 : vector<16xi32>
        %and3A_1229 = arith.andi %ge3A_1226, %lt3A_1228 : vector<16xi1>
        %min3A_1230 = arith.constant 13808 : i32
        %min3A_1231 = arith.minsi %add3A_1222, %min3A_1230 : i32
        %get3A = arith.index_cast %min3A_1231 : i32 to index
        %get3A_1232 = tpu.vector_load %arg3[%get3A] {strides = array<i32>} : memref<13824xf32, #tpu.memory_space<vmem>>, vector<16xf32>,
        %get3A_1233 = vector.shape_cast %get3A_1232 : vector<16xf32> to vector<16xf32>
        %jit3A_1234 = arith.constant 0.000000e+00 : f32
        %broadcast_in_dim3A_1235 = vector.broadcast %jit3A_1234 : f32 to vector<16xf32>
        %select_n3A_1236 = arith.select %and3A_1229, %broadcast_in_dim3A_1235, %get3A_1233 : vector<16xi1>, vector<16xf32>
        %swap3A = arith.index_cast %min3A_1231 : i32 to index
        %swap3A_1237 = tpu.vector_load %arg3[%swap3A] {strides = array<i32>} : memref<13824xf32, #tpu.memory_space<vmem>>, vector<16xf32>,
        %swap3A_1238 = vector.shape_cast %swap3A_1237 : vector<16xf32> to vector<16xf32>
        %swap3A_1239 = vector.shape_cast %select_n3A_1236 : vector<16xf32> to vector<16xf32>
        tpu.vector_store %arg3[%swap3A], %swap3A_1239 {strides = array<i32>} : memref<13824xf32, #tpu.memory_space<vmem>>, vector<16xf32>,
      }
      %scan3A_1218 = arith.constant 122 : i32
    } else {
    }
    %sub3A_904 = arith.constant 315297 : i32
    %sub3A_905 = arith.subi %sub3A_904, %select_n3A_10 : i32
    %max3A_906 = arith.constant 0 : i32
    %max3A_907 = arith.maxsi %sub3A_905, %max3A_906 : i32
    %sub3A_908 = arith.constant 317666 : i32
    %sub3A_909 = arith.subi %sub3A_908, %select_n3A_10 : i32
    %min3A_910 = arith.minsi %sub3A_909, %select_n3A_15 : i32
    %jit3A_911 = arith.constant 16 : i32
    %div3A_912 = arith.divsi %max3A_907, %jit3A_911 : i32
    %sign3A_913 = arith.constant 0 : i32
    %sign3A_914 = arith.cmpi sgt, %max3A_907, %sign3A_913 : i32
    %sign3A_915 = arith.extui %sign3A_914 : i1 to i32
    %sign3A_916 = arith.constant 0 : i32
    %sign3A_917 = arith.cmpi slt, %max3A_907, %sign3A_916 : i32
    %sign3A_918 = arith.extui %sign3A_917 : i1 to i32
    %sign3A_919 = arith.subi %sign3A_915, %sign3A_918 : i32
    %sign3A_920 = arith.constant 0 : i32
    %sign3A_921 = arith.cmpi sgt, %jit3A_911, %sign3A_920 : i32
    %sign3A_922 = arith.extui %sign3A_921 : i1 to i32
    %sign3A_923 = arith.constant 0 : i32
    %sign3A_924 = arith.cmpi slt, %jit3A_911, %sign3A_923 : i32
    %sign3A_925 = arith.extui %sign3A_924 : i1 to i32
    %sign3A_926 = arith.subi %sign3A_922, %sign3A_925 : i32
    %ne3A_927 = arith.cmpi ne, %sign3A_919, %sign3A_926 : i32
    %rem3A_928 = arith.remsi %max3A_907, %jit3A_911 : i32
    %ne3A_929 = arith.constant 0 : i32
    %ne3A_930 = arith.cmpi ne, %rem3A_928, %ne3A_929 : i32
    %and3A_931 = arith.andi %ne3A_927, %ne3A_930 : i1
    %sub3A_932 = arith.constant 1 : i32
    %sub3A_933 = arith.subi %div3A_912, %sub3A_932 : i32
    %select_n3A_934 = arith.select %and3A_931, %sub3A_933, %div3A_912 : i32
    %mul3A_935 = arith.constant 16 : i32
    %mul3A_936 = arith.muli %select_n3A_934, %mul3A_935 : i32
    %lt3A_937 = arith.cmpi slt, %max3A_907, %min3A_910 : i32
    %convert_element_type3A_938 = arith.extui %lt3A_937 : i1 to i32
    %cond3A_939 = arith.constant 0 : i32
    %cond3A_940 = arith.cmpi ne, %convert_element_type3A_938, %cond3A_939 : i32
    scf.if %cond3A_940 {
      %scan3A_1213 = arith.constant 0 : i32
      %scan3A_1214 = arith.constant 0 : i32
      %scan3A_1215 = arith.constant 150 : i32
      %scan3A_1216 = arith.addi %scan3A_1214, %scan3A_1215 : i32
      %scan3A_1217 = arith.constant 1 : i32
      scf.for %scan3A_1219 = %scan3A_1214 to %scan3A_1216 step %scan3A_1217  : i32 {
        %mul3A_1220 = arith.constant 16 : i32
        %mul3A_1221 = arith.muli %scan3A_1219, %mul3A_1220 : i32
        %add3A_1222 = arith.addi %mul3A_936, %mul3A_1221 : i32
        %add3A_1223 = vector.broadcast %add3A_1222 : i32 to vector<16xi32>
        %add3A_1224 = arith.addi %add3A_1223, %iota3A : vector<16xi32>
        %ge3A_1225 = vector.broadcast %max3A_907 : i32 to vector<16xi32>
        %ge3A_1226 = arith.cmpi sge, %add3A_1224, %ge3A_1225 : vector<16xi32>
        %lt3A_1227 = vector.broadcast %min3A_910 : i32 to vector<16xi32>
        %lt3A_1228 = arith.cmpi slt, %add3A_1224, %lt3A_1227 : vector<16xi32>
        %and3A_1229 = arith.andi %ge3A_1226, %lt3A_1228 : vector<16xi1>
        %min3A_1230 = arith.constant 13808 : i32
        %min3A_1231 = arith.minsi %add3A_1222, %min3A_1230 : i32
        %get3A = arith.index_cast %min3A_1231 : i32 to index
        %get3A_1232 = tpu.vector_load %arg3[%get3A] {strides = array<i32>} : memref<13824xf32, #tpu.memory_space<vmem>>, vector<16xf32>,
        %get3A_1233 = vector.shape_cast %get3A_1232 : vector<16xf32> to vector<16xf32>
        %add3A_1234 = vector.broadcast %select_n3A_10 : i32 to vector<16xi32>
        %add3A_1235 = arith.addi %add3A_1224, %add3A_1234 : vector<16xi32>
        %sub3A_1236 = arith.constant 315297 : i32
        %sub3A_1237 = vector.broadcast %sub3A_1236 : i32 to vector<16xi32>
        %sub3A_1238 = arith.subi %add3A_1235, %sub3A_1237 : vector<16xi32>
        %convert_element_type3A_1239 = arith.sitofp %sub3A_1238 : vector<16xi32> to vector<16xf32>
        %lt3A_1240 = arith.constant 1184 : i32
        %lt3A_1241 = vector.broadcast %lt3A_1240 : i32 to vector<16xi32>
        %lt3A_1242 = arith.cmpi slt, %sub3A_1238, %lt3A_1241 : vector<16xi32>
        %mul3A_1243 = arith.constant 8.45308532E-4 : f32
        %mul3A_1244 = vector.broadcast %mul3A_1243 : f32 to vector<16xf32>
        %mul3A_1245 = arith.mulf %convert_element_type3A_1239, %mul3A_1244 : vector<16xf32>
        %sub3A_1246 = arith.constant 1.184000e+03 : f32
        %sub3A_1247 = vector.broadcast %sub3A_1246 : f32 to vector<16xf32>
        %sub3A_1248 = arith.subf %convert_element_type3A_1239, %sub3A_1247 : vector<16xf32>
        %mul3A_1249 = arith.constant -8.44594615E-4 : f32
        %mul3A_1250 = vector.broadcast %mul3A_1249 : f32 to vector<16xf32>
        %mul3A_1251 = arith.mulf %sub3A_1248, %mul3A_1250 : vector<16xf32>
        %add3A_1252 = arith.constant 1.000000e+00 : f32
        %add3A_1253 = vector.broadcast %add3A_1252 : f32 to vector<16xf32>
        %add3A_1254 = arith.addf %add3A_1253, %mul3A_1251 : vector<16xf32>
        %select_n3A_1255 = arith.select %lt3A_1242, %mul3A_1245, %add3A_1254 : vector<16xi1>, vector<16xf32>
        %mul3A_1256 = arith.mulf %get3A_1233, %select_n3A_1255 : vector<16xf32>
        %select_n3A_1257 = arith.select %and3A_1229, %mul3A_1256, %get3A_1233 : vector<16xi1>, vector<16xf32>
        %swap3A = arith.index_cast %min3A_1231 : i32 to index
        %swap3A_1258 = tpu.vector_load %arg3[%swap3A] {strides = array<i32>} : memref<13824xf32, #tpu.memory_space<vmem>>, vector<16xf32>,
        %swap3A_1259 = vector.shape_cast %swap3A_1258 : vector<16xf32> to vector<16xf32>
        %swap3A_1260 = vector.shape_cast %select_n3A_1257 : vector<16xf32> to vector<16xf32>
        tpu.vector_store %arg3[%swap3A], %swap3A_1260 {strides = array<i32>} : memref<13824xf32, #tpu.memory_space<vmem>>, vector<16xf32>,
      }
      %scan3A_1218 = arith.constant 150 : i32
    } else {
    }
    %sub3A_941 = arith.constant 411231 : i32
    %sub3A_942 = arith.subi %sub3A_941, %select_n3A_10 : i32
    %max3A_943 = arith.constant 0 : i32
    %max3A_944 = arith.maxsi %sub3A_942, %max3A_943 : i32
    %sub3A_945 = arith.constant 411961 : i32
    %sub3A_946 = arith.subi %sub3A_945, %select_n3A_10 : i32
    %min3A_947 = arith.minsi %sub3A_946, %select_n3A_15 : i32
    %jit3A_948 = arith.constant 16 : i32
    %div3A_949 = arith.divsi %max3A_944, %jit3A_948 : i32
    %sign3A_950 = arith.constant 0 : i32
    %sign3A_951 = arith.cmpi sgt, %max3A_944, %sign3A_950 : i32
    %sign3A_952 = arith.extui %sign3A_951 : i1 to i32
    %sign3A_953 = arith.constant 0 : i32
    %sign3A_954 = arith.cmpi slt, %max3A_944, %sign3A_953 : i32
    %sign3A_955 = arith.extui %sign3A_954 : i1 to i32
    %sign3A_956 = arith.subi %sign3A_952, %sign3A_955 : i32
    %sign3A_957 = arith.constant 0 : i32
    %sign3A_958 = arith.cmpi sgt, %jit3A_948, %sign3A_957 : i32
    %sign3A_959 = arith.extui %sign3A_958 : i1 to i32
    %sign3A_960 = arith.constant 0 : i32
    %sign3A_961 = arith.cmpi slt, %jit3A_948, %sign3A_960 : i32
    %sign3A_962 = arith.extui %sign3A_961 : i1 to i32
    %sign3A_963 = arith.subi %sign3A_959, %sign3A_962 : i32
    %ne3A_964 = arith.cmpi ne, %sign3A_956, %sign3A_963 : i32
    %rem3A_965 = arith.remsi %max3A_944, %jit3A_948 : i32
    %ne3A_966 = arith.constant 0 : i32
    %ne3A_967 = arith.cmpi ne, %rem3A_965, %ne3A_966 : i32
    %and3A_968 = arith.andi %ne3A_964, %ne3A_967 : i1
    %sub3A_969 = arith.constant 1 : i32
    %sub3A_970 = arith.subi %div3A_949, %sub3A_969 : i32
    %select_n3A_971 = arith.select %and3A_968, %sub3A_970, %div3A_949 : i32
    %mul3A_972 = arith.constant 16 : i32
    %mul3A_973 = arith.muli %select_n3A_971, %mul3A_972 : i32
    %lt3A_974 = arith.cmpi slt, %max3A_944, %min3A_947 : i32
    %convert_element_type3A_975 = arith.extui %lt3A_974 : i1 to i32
    %cond3A_976 = arith.constant 0 : i32
    %cond3A_977 = arith.cmpi ne, %convert_element_type3A_975, %cond3A_976 : i32
    scf.if %cond3A_977 {
      %scan3A_1213 = arith.constant 0 : i32
      %scan3A_1214 = arith.constant 0 : i32
      %scan3A_1215 = arith.constant 47 : i32
      %scan3A_1216 = arith.addi %scan3A_1214, %scan3A_1215 : i32
      %scan3A_1217 = arith.constant 1 : i32
      scf.for %scan3A_1219 = %scan3A_1214 to %scan3A_1216 step %scan3A_1217  : i32 {
        %mul3A_1220 = arith.constant 16 : i32
        %mul3A_1221 = arith.muli %scan3A_1219, %mul3A_1220 : i32
        %add3A_1222 = arith.addi %mul3A_973, %mul3A_1221 : i32
        %add3A_1223 = vector.broadcast %add3A_1222 : i32 to vector<16xi32>
        %add3A_1224 = arith.addi %add3A_1223, %iota3A : vector<16xi32>
        %ge3A_1225 = vector.broadcast %max3A_944 : i32 to vector<16xi32>
        %ge3A_1226 = arith.cmpi sge, %add3A_1224, %ge3A_1225 : vector<16xi32>
        %lt3A_1227 = vector.broadcast %min3A_947 : i32 to vector<16xi32>
        %lt3A_1228 = arith.cmpi slt, %add3A_1224, %lt3A_1227 : vector<16xi32>
        %and3A_1229 = arith.andi %ge3A_1226, %lt3A_1228 : vector<16xi1>
        %min3A_1230 = arith.constant 13808 : i32
        %min3A_1231 = arith.minsi %add3A_1222, %min3A_1230 : i32
        %get3A = arith.index_cast %min3A_1231 : i32 to index
        %get3A_1232 = tpu.vector_load %arg3[%get3A] {strides = array<i32>} : memref<13824xf32, #tpu.memory_space<vmem>>, vector<16xf32>,
        %get3A_1233 = vector.shape_cast %get3A_1232 : vector<16xf32> to vector<16xf32>
        %add3A_1234 = vector.broadcast %select_n3A_10 : i32 to vector<16xi32>
        %add3A_1235 = arith.addi %add3A_1224, %add3A_1234 : vector<16xi32>
        %sub3A_1236 = arith.constant 411231 : i32
        %sub3A_1237 = vector.broadcast %sub3A_1236 : i32 to vector<16xi32>
        %sub3A_1238 = arith.subi %add3A_1235, %sub3A_1237 : vector<16xi32>
        %convert_element_type3A_1239 = arith.sitofp %sub3A_1238 : vector<16xi32> to vector<16xf32>
        %lt3A_1240 = arith.constant 365 : i32
        %lt3A_1241 = vector.broadcast %lt3A_1240 : i32 to vector<16xi32>
        %lt3A_1242 = arith.cmpi slt, %sub3A_1238, %lt3A_1241 : vector<16xi32>
        %mul3A_1243 = arith.constant 0.00274725282 : f32
        %mul3A_1244 = vector.broadcast %mul3A_1243 : f32 to vector<16xf32>
        %mul3A_1245 = arith.mulf %convert_element_type3A_1239, %mul3A_1244 : vector<16xf32>
        %sub3A_1246 = arith.constant 3.650000e+02 : f32
        %sub3A_1247 = vector.broadcast %sub3A_1246 : f32 to vector<16xf32>
        %sub3A_1248 = arith.subf %convert_element_type3A_1239, %sub3A_1247 : vector<16xf32>
        %mul3A_1249 = arith.constant -0.00274725282 : f32
        %mul3A_1250 = vector.broadcast %mul3A_1249 : f32 to vector<16xf32>
        %mul3A_1251 = arith.mulf %sub3A_1248, %mul3A_1250 : vector<16xf32>
        %add3A_1252 = arith.constant 1.000000e+00 : f32
        %add3A_1253 = vector.broadcast %add3A_1252 : f32 to vector<16xf32>
        %add3A_1254 = arith.addf %add3A_1253, %mul3A_1251 : vector<16xf32>
        %select_n3A_1255 = arith.select %lt3A_1242, %mul3A_1245, %add3A_1254 : vector<16xi1>, vector<16xf32>
        %mul3A_1256 = arith.mulf %get3A_1233, %select_n3A_1255 : vector<16xf32>
        %select_n3A_1257 = arith.select %and3A_1229, %mul3A_1256, %get3A_1233 : vector<16xi1>, vector<16xf32>
        %swap3A = arith.index_cast %min3A_1231 : i32 to index
        %swap3A_1258 = tpu.vector_load %arg3[%swap3A] {strides = array<i32>} : memref<13824xf32, #tpu.memory_space<vmem>>, vector<16xf32>,
        %swap3A_1259 = vector.shape_cast %swap3A_1258 : vector<16xf32> to vector<16xf32>
        %swap3A_1260 = vector.shape_cast %select_n3A_1257 : vector<16xf32> to vector<16xf32>
        tpu.vector_store %arg3[%swap3A], %swap3A_1260 {strides = array<i32>} : memref<13824xf32, #tpu.memory_space<vmem>>, vector<16xf32>,
      }
      %scan3A_1218 = arith.constant 47 : i32
    } else {
    }
    %sub3A_978 = arith.constant 295426 : i32
    %sub3A_979 = arith.subi %sub3A_978, %select_n3A_10 : i32
    %max3A_980 = arith.constant 0 : i32
    %max3A_981 = arith.maxsi %sub3A_979, %max3A_980 : i32
    %sub3A_982 = arith.constant 297287 : i32
    %sub3A_983 = arith.subi %sub3A_982, %select_n3A_10 : i32
    %min3A_984 = arith.minsi %sub3A_983, %select_n3A_15 : i32
    %jit3A_985 = arith.constant 16 : i32
    %div3A_986 = arith.divsi %max3A_981, %jit3A_985 : i32
    %sign3A_987 = arith.constant 0 : i32
    %sign3A_988 = arith.cmpi sgt, %max3A_981, %sign3A_987 : i32
    %sign3A_989 = arith.extui %sign3A_988 : i1 to i32
    %sign3A_990 = arith.constant 0 : i32
    %sign3A_991 = arith.cmpi slt, %max3A_981, %sign3A_990 : i32
    %sign3A_992 = arith.extui %sign3A_991 : i1 to i32
    %sign3A_993 = arith.subi %sign3A_989, %sign3A_992 : i32
    %sign3A_994 = arith.constant 0 : i32
    %sign3A_995 = arith.cmpi sgt, %jit3A_985, %sign3A_994 : i32
    %sign3A_996 = arith.extui %sign3A_995 : i1 to i32
    %sign3A_997 = arith.constant 0 : i32
    %sign3A_998 = arith.cmpi slt, %jit3A_985, %sign3A_997 : i32
    %sign3A_999 = arith.extui %sign3A_998 : i1 to i32
    %sign3A_1000 = arith.subi %sign3A_996, %sign3A_999 : i32
    %ne3A_1001 = arith.cmpi ne, %sign3A_993, %sign3A_1000 : i32
    %rem3A_1002 = arith.remsi %max3A_981, %jit3A_985 : i32
    %ne3A_1003 = arith.constant 0 : i32
    %ne3A_1004 = arith.cmpi ne, %rem3A_1002, %ne3A_1003 : i32
    %and3A_1005 = arith.andi %ne3A_1001, %ne3A_1004 : i1
    %sub3A_1006 = arith.constant 1 : i32
    %sub3A_1007 = arith.subi %div3A_986, %sub3A_1006 : i32
    %select_n3A_1008 = arith.select %and3A_1005, %sub3A_1007, %div3A_986 : i32
    %mul3A_1009 = arith.constant 16 : i32
    %mul3A_1010 = arith.muli %select_n3A_1008, %mul3A_1009 : i32
    %lt3A_1011 = arith.cmpi slt, %max3A_981, %min3A_984 : i32
    %convert_element_type3A_1012 = arith.extui %lt3A_1011 : i1 to i32
    %cond3A_1013 = arith.constant 0 : i32
    %cond3A_1014 = arith.cmpi ne, %convert_element_type3A_1012, %cond3A_1013 : i32
    scf.if %cond3A_1014 {
      %scan3A_1213 = arith.constant 0 : i32
      %scan3A_1214 = arith.constant 0 : i32
      %scan3A_1215 = arith.constant 118 : i32
      %scan3A_1216 = arith.addi %scan3A_1214, %scan3A_1215 : i32
      %scan3A_1217 = arith.constant 1 : i32
      scf.for %scan3A_1219 = %scan3A_1214 to %scan3A_1216 step %scan3A_1217  : i32 {
        %mul3A_1220 = arith.constant 16 : i32
        %mul3A_1221 = arith.muli %scan3A_1219, %mul3A_1220 : i32
        %add3A_1222 = arith.addi %mul3A_1010, %mul3A_1221 : i32
        %add3A_1223 = vector.broadcast %add3A_1222 : i32 to vector<16xi32>
        %add3A_1224 = arith.addi %add3A_1223, %iota3A : vector<16xi32>
        %ge3A_1225 = vector.broadcast %max3A_981 : i32 to vector<16xi32>
        %ge3A_1226 = arith.cmpi sge, %add3A_1224, %ge3A_1225 : vector<16xi32>
        %lt3A_1227 = vector.broadcast %min3A_984 : i32 to vector<16xi32>
        %lt3A_1228 = arith.cmpi slt, %add3A_1224, %lt3A_1227 : vector<16xi32>
        %and3A_1229 = arith.andi %ge3A_1226, %lt3A_1228 : vector<16xi1>
        %min3A_1230 = arith.constant 13808 : i32
        %min3A_1231 = arith.minsi %add3A_1222, %min3A_1230 : i32
        %get3A = arith.index_cast %min3A_1231 : i32 to index
        %get3A_1232 = tpu.vector_load %arg3[%get3A] {strides = array<i32>} : memref<13824xf32, #tpu.memory_space<vmem>>, vector<16xf32>,
        %get3A_1233 = vector.shape_cast %get3A_1232 : vector<16xf32> to vector<16xf32>
        %add3A_1234 = vector.broadcast %select_n3A_10 : i32 to vector<16xi32>
        %add3A_1235 = arith.addi %add3A_1224, %add3A_1234 : vector<16xi32>
        %sub3A_1236 = arith.constant 295426 : i32
        %sub3A_1237 = vector.broadcast %sub3A_1236 : i32 to vector<16xi32>
        %sub3A_1238 = arith.subi %add3A_1235, %sub3A_1237 : vector<16xi32>
        %convert_element_type3A_1239 = arith.sitofp %sub3A_1238 : vector<16xi32> to vector<16xf32>
        %lt3A_1240 = arith.constant 930 : i32
        %lt3A_1241 = vector.broadcast %lt3A_1240 : i32 to vector<16xi32>
        %lt3A_1242 = arith.cmpi slt, %sub3A_1238, %lt3A_1241 : vector<16xi32>
        %mul3A_1243 = arith.constant 0.00107642624 : f32
        %mul3A_1244 = vector.broadcast %mul3A_1243 : f32 to vector<16xf32>
        %mul3A_1245 = arith.mulf %convert_element_type3A_1239, %mul3A_1244 : vector<16xf32>
        %sub3A_1246 = arith.constant 9.300000e+02 : f32
        %sub3A_1247 = vector.broadcast %sub3A_1246 : f32 to vector<16xf32>
        %sub3A_1248 = arith.subf %convert_element_type3A_1239, %sub3A_1247 : vector<16xf32>
        %mul3A_1249 = arith.constant -0.00107526884 : f32
        %mul3A_1250 = vector.broadcast %mul3A_1249 : f32 to vector<16xf32>
        %mul3A_1251 = arith.mulf %sub3A_1248, %mul3A_1250 : vector<16xf32>
        %add3A_1252 = arith.constant 1.000000e+00 : f32
        %add3A_1253 = vector.broadcast %add3A_1252 : f32 to vector<16xf32>
        %add3A_1254 = arith.addf %add3A_1253, %mul3A_1251 : vector<16xf32>
        %select_n3A_1255 = arith.select %lt3A_1242, %mul3A_1245, %add3A_1254 : vector<16xi1>, vector<16xf32>
        %mul3A_1256 = arith.mulf %get3A_1233, %select_n3A_1255 : vector<16xf32>
        %select_n3A_1257 = arith.select %and3A_1229, %mul3A_1256, %get3A_1233 : vector<16xi1>, vector<16xf32>
        %swap3A = arith.index_cast %min3A_1231 : i32 to index
        %swap3A_1258 = tpu.vector_load %arg3[%swap3A] {strides = array<i32>} : memref<13824xf32, #tpu.memory_space<vmem>>, vector<16xf32>,
        %swap3A_1259 = vector.shape_cast %swap3A_1258 : vector<16xf32> to vector<16xf32>
        %swap3A_1260 = vector.shape_cast %select_n3A_1257 : vector<16xf32> to vector<16xf32>
        tpu.vector_store %arg3[%swap3A], %swap3A_1260 {strides = array<i32>} : memref<13824xf32, #tpu.memory_space<vmem>>, vector<16xf32>,
      }
      %scan3A_1218 = arith.constant 118 : i32
    } else {
    }
    %sub3A_1015 = arith.constant 141477 : i32
    %sub3A_1016 = arith.subi %sub3A_1015, %select_n3A_10 : i32
    %max3A_1017 = arith.constant 0 : i32
    %max3A_1018 = arith.maxsi %sub3A_1016, %max3A_1017 : i32
    %sub3A_1019 = arith.constant 142928 : i32
    %sub3A_1020 = arith.subi %sub3A_1019, %select_n3A_10 : i32
    %min3A_1021 = arith.minsi %sub3A_1020, %select_n3A_15 : i32
    %jit3A_1022 = arith.constant 16 : i32
    %div3A_1023 = arith.divsi %max3A_1018, %jit3A_1022 : i32
    %sign3A_1024 = arith.constant 0 : i32
    %sign3A_1025 = arith.cmpi sgt, %max3A_1018, %sign3A_1024 : i32
    %sign3A_1026 = arith.extui %sign3A_1025 : i1 to i32
    %sign3A_1027 = arith.constant 0 : i32
    %sign3A_1028 = arith.cmpi slt, %max3A_1018, %sign3A_1027 : i32
    %sign3A_1029 = arith.extui %sign3A_1028 : i1 to i32
    %sign3A_1030 = arith.subi %sign3A_1026, %sign3A_1029 : i32
    %sign3A_1031 = arith.constant 0 : i32
    %sign3A_1032 = arith.cmpi sgt, %jit3A_1022, %sign3A_1031 : i32
    %sign3A_1033 = arith.extui %sign3A_1032 : i1 to i32
    %sign3A_1034 = arith.constant 0 : i32
    %sign3A_1035 = arith.cmpi slt, %jit3A_1022, %sign3A_1034 : i32
    %sign3A_1036 = arith.extui %sign3A_1035 : i1 to i32
    %sign3A_1037 = arith.subi %sign3A_1033, %sign3A_1036 : i32
    %ne3A_1038 = arith.cmpi ne, %sign3A_1030, %sign3A_1037 : i32
    %rem3A_1039 = arith.remsi %max3A_1018, %jit3A_1022 : i32
    %ne3A_1040 = arith.constant 0 : i32
    %ne3A_1041 = arith.cmpi ne, %rem3A_1039, %ne3A_1040 : i32
    %and3A_1042 = arith.andi %ne3A_1038, %ne3A_1041 : i1
    %sub3A_1043 = arith.constant 1 : i32
    %sub3A_1044 = arith.subi %div3A_1023, %sub3A_1043 : i32
    %select_n3A_1045 = arith.select %and3A_1042, %sub3A_1044, %div3A_1023 : i32
    %mul3A_1046 = arith.constant 16 : i32
    %mul3A_1047 = arith.muli %select_n3A_1045, %mul3A_1046 : i32
    %lt3A_1048 = arith.cmpi slt, %max3A_1018, %min3A_1021 : i32
    %convert_element_type3A_1049 = arith.extui %lt3A_1048 : i1 to i32
    %cond3A_1050 = arith.constant 0 : i32
    %cond3A_1051 = arith.cmpi ne, %convert_element_type3A_1049, %cond3A_1050 : i32
    scf.if %cond3A_1051 {
      %scan3A_1213 = arith.constant 0 : i32
      %scan3A_1214 = arith.constant 0 : i32
      %scan3A_1215 = arith.constant 92 : i32
      %scan3A_1216 = arith.addi %scan3A_1214, %scan3A_1215 : i32
      %scan3A_1217 = arith.constant 1 : i32
      scf.for %scan3A_1219 = %scan3A_1214 to %scan3A_1216 step %scan3A_1217  : i32 {
        %mul3A_1220 = arith.constant 16 : i32
        %mul3A_1221 = arith.muli %scan3A_1219, %mul3A_1220 : i32
        %add3A_1222 = arith.addi %mul3A_1047, %mul3A_1221 : i32
        %add3A_1223 = vector.broadcast %add3A_1222 : i32 to vector<16xi32>
        %add3A_1224 = arith.addi %add3A_1223, %iota3A : vector<16xi32>
        %ge3A_1225 = vector.broadcast %max3A_1018 : i32 to vector<16xi32>
        %ge3A_1226 = arith.cmpi sge, %add3A_1224, %ge3A_1225 : vector<16xi32>
        %lt3A_1227 = vector.broadcast %min3A_1021 : i32 to vector<16xi32>
        %lt3A_1228 = arith.cmpi slt, %add3A_1224, %lt3A_1227 : vector<16xi32>
        %and3A_1229 = arith.andi %ge3A_1226, %lt3A_1228 : vector<16xi1>
        %min3A_1230 = arith.constant 13808 : i32
        %min3A_1231 = arith.minsi %add3A_1222, %min3A_1230 : i32
        %get3A = arith.index_cast %min3A_1231 : i32 to index
        %get3A_1232 = tpu.vector_load %arg3[%get3A] {strides = array<i32>} : memref<13824xf32, #tpu.memory_space<vmem>>, vector<16xf32>,
        %get3A_1233 = vector.shape_cast %get3A_1232 : vector<16xf32> to vector<16xf32>
        %add3A_1234 = vector.broadcast %select_n3A_10 : i32 to vector<16xi32>
        %add3A_1235 = arith.addi %add3A_1224, %add3A_1234 : vector<16xi32>
        %sub3A_1236 = arith.constant 141477 : i32
        %sub3A_1237 = vector.broadcast %sub3A_1236 : i32 to vector<16xi32>
        %sub3A_1238 = arith.subi %add3A_1235, %sub3A_1237 : vector<16xi32>
        %convert_element_type3A_1239 = arith.sitofp %sub3A_1238 : vector<16xi32> to vector<16xf32>
        %lt3A_1240 = arith.constant 725 : i32
        %lt3A_1241 = vector.broadcast %lt3A_1240 : i32 to vector<16xi32>
        %lt3A_1242 = arith.cmpi slt, %sub3A_1238, %lt3A_1241 : vector<16xi32>
        %mul3A_1243 = arith.constant 0.00138121552 : f32
        %mul3A_1244 = vector.broadcast %mul3A_1243 : f32 to vector<16xf32>
        %mul3A_1245 = arith.mulf %convert_element_type3A_1239, %mul3A_1244 : vector<16xf32>
        %sub3A_1246 = arith.constant 7.250000e+02 : f32
        %sub3A_1247 = vector.broadcast %sub3A_1246 : f32 to vector<16xf32>
        %sub3A_1248 = arith.subf %convert_element_type3A_1239, %sub3A_1247 : vector<16xf32>
        %mul3A_1249 = arith.constant -0.00137931039 : f32
        %mul3A_1250 = vector.broadcast %mul3A_1249 : f32 to vector<16xf32>
        %mul3A_1251 = arith.mulf %sub3A_1248, %mul3A_1250 : vector<16xf32>
        %add3A_1252 = arith.constant 1.000000e+00 : f32
        %add3A_1253 = vector.broadcast %add3A_1252 : f32 to vector<16xf32>
        %add3A_1254 = arith.addf %add3A_1253, %mul3A_1251 : vector<16xf32>
        %select_n3A_1255 = arith.select %lt3A_1242, %mul3A_1245, %add3A_1254 : vector<16xi1>, vector<16xf32>
        %mul3A_1256 = arith.mulf %get3A_1233, %select_n3A_1255 : vector<16xf32>
        %select_n3A_1257 = arith.select %and3A_1229, %mul3A_1256, %get3A_1233 : vector<16xi1>, vector<16xf32>
        %swap3A = arith.index_cast %min3A_1231 : i32 to index
        %swap3A_1258 = tpu.vector_load %arg3[%swap3A] {strides = array<i32>} : memref<13824xf32, #tpu.memory_space<vmem>>, vector<16xf32>,
        %swap3A_1259 = vector.shape_cast %swap3A_1258 : vector<16xf32> to vector<16xf32>
        %swap3A_1260 = vector.shape_cast %select_n3A_1257 : vector<16xf32> to vector<16xf32>
        tpu.vector_store %arg3[%swap3A], %swap3A_1260 {strides = array<i32>} : memref<13824xf32, #tpu.memory_space<vmem>>, vector<16xf32>,
      }
      %scan3A_1218 = arith.constant 92 : i32
    } else {
    }
    %sub3A_1052 = arith.constant 221036 : i32
    %sub3A_1053 = arith.subi %sub3A_1052, %select_n3A_10 : i32
    %max3A_1054 = arith.constant 0 : i32
    %max3A_1055 = arith.maxsi %sub3A_1053, %max3A_1054 : i32
    %sub3A_1056 = arith.constant 223835 : i32
    %sub3A_1057 = arith.subi %sub3A_1056, %select_n3A_10 : i32
    %min3A_1058 = arith.minsi %sub3A_1057, %select_n3A_15 : i32
    %jit3A_1059 = arith.constant 16 : i32
    %div3A_1060 = arith.divsi %max3A_1055, %jit3A_1059 : i32
    %sign3A_1061 = arith.constant 0 : i32
    %sign3A_1062 = arith.cmpi sgt, %max3A_1055, %sign3A_1061 : i32
    %sign3A_1063 = arith.extui %sign3A_1062 : i1 to i32
    %sign3A_1064 = arith.constant 0 : i32
    %sign3A_1065 = arith.cmpi slt, %max3A_1055, %sign3A_1064 : i32
    %sign3A_1066 = arith.extui %sign3A_1065 : i1 to i32
    %sign3A_1067 = arith.subi %sign3A_1063, %sign3A_1066 : i32
    %sign3A_1068 = arith.constant 0 : i32
    %sign3A_1069 = arith.cmpi sgt, %jit3A_1059, %sign3A_1068 : i32
    %sign3A_1070 = arith.extui %sign3A_1069 : i1 to i32
    %sign3A_1071 = arith.constant 0 : i32
    %sign3A_1072 = arith.cmpi slt, %jit3A_1059, %sign3A_1071 : i32
    %sign3A_1073 = arith.extui %sign3A_1072 : i1 to i32
    %sign3A_1074 = arith.subi %sign3A_1070, %sign3A_1073 : i32
    %ne3A_1075 = arith.cmpi ne, %sign3A_1067, %sign3A_1074 : i32
    %rem3A_1076 = arith.remsi %max3A_1055, %jit3A_1059 : i32
    %ne3A_1077 = arith.constant 0 : i32
    %ne3A_1078 = arith.cmpi ne, %rem3A_1076, %ne3A_1077 : i32
    %and3A_1079 = arith.andi %ne3A_1075, %ne3A_1078 : i1
    %sub3A_1080 = arith.constant 1 : i32
    %sub3A_1081 = arith.subi %div3A_1060, %sub3A_1080 : i32
    %select_n3A_1082 = arith.select %and3A_1079, %sub3A_1081, %div3A_1060 : i32
    %mul3A_1083 = arith.constant 16 : i32
    %mul3A_1084 = arith.muli %select_n3A_1082, %mul3A_1083 : i32
    %lt3A_1085 = arith.cmpi slt, %max3A_1055, %min3A_1058 : i32
    %convert_element_type3A_1086 = arith.extui %lt3A_1085 : i1 to i32
    %cond3A_1087 = arith.constant 0 : i32
    %cond3A_1088 = arith.cmpi ne, %convert_element_type3A_1086, %cond3A_1087 : i32
    scf.if %cond3A_1088 {
      %scan3A_1213 = arith.constant 0 : i32
      %scan3A_1214 = arith.constant 0 : i32
      %scan3A_1215 = arith.constant 176 : i32
      %scan3A_1216 = arith.addi %scan3A_1214, %scan3A_1215 : i32
      %scan3A_1217 = arith.constant 1 : i32
      scf.for %scan3A_1219 = %scan3A_1214 to %scan3A_1216 step %scan3A_1217  : i32 {
        %mul3A_1220 = arith.constant 16 : i32
        %mul3A_1221 = arith.muli %scan3A_1219, %mul3A_1220 : i32
        %add3A_1222 = arith.addi %mul3A_1084, %mul3A_1221 : i32
        %add3A_1223 = vector.broadcast %add3A_1222 : i32 to vector<16xi32>
        %add3A_1224 = arith.addi %add3A_1223, %iota3A : vector<16xi32>
        %ge3A_1225 = vector.broadcast %max3A_1055 : i32 to vector<16xi32>
        %ge3A_1226 = arith.cmpi sge, %add3A_1224, %ge3A_1225 : vector<16xi32>
        %lt3A_1227 = vector.broadcast %min3A_1058 : i32 to vector<16xi32>
        %lt3A_1228 = arith.cmpi slt, %add3A_1224, %lt3A_1227 : vector<16xi32>
        %and3A_1229 = arith.andi %ge3A_1226, %lt3A_1228 : vector<16xi1>
        %min3A_1230 = arith.constant 13808 : i32
        %min3A_1231 = arith.minsi %add3A_1222, %min3A_1230 : i32
        %get3A = arith.index_cast %min3A_1231 : i32 to index
        %get3A_1232 = tpu.vector_load %arg3[%get3A] {strides = array<i32>} : memref<13824xf32, #tpu.memory_space<vmem>>, vector<16xf32>,
        %get3A_1233 = vector.shape_cast %get3A_1232 : vector<16xf32> to vector<16xf32>
        %jit3A_1234 = arith.constant 0.000000e+00 : f32
        %broadcast_in_dim3A_1235 = vector.broadcast %jit3A_1234 : f32 to vector<16xf32>
        %select_n3A_1236 = arith.select %and3A_1229, %broadcast_in_dim3A_1235, %get3A_1233 : vector<16xi1>, vector<16xf32>
        %swap3A = arith.index_cast %min3A_1231 : i32 to index
        %swap3A_1237 = tpu.vector_load %arg3[%swap3A] {strides = array<i32>} : memref<13824xf32, #tpu.memory_space<vmem>>, vector<16xf32>,
        %swap3A_1238 = vector.shape_cast %swap3A_1237 : vector<16xf32> to vector<16xf32>
        %swap3A_1239 = vector.shape_cast %select_n3A_1236 : vector<16xf32> to vector<16xf32>
        tpu.vector_store %arg3[%swap3A], %swap3A_1239 {strides = array<i32>} : memref<13824xf32, #tpu.memory_space<vmem>>, vector<16xf32>,
      }
      %scan3A_1218 = arith.constant 176 : i32
    } else {
    }
    %sub3A_1089 = arith.constant 171348 : i32
    %sub3A_1090 = arith.subi %sub3A_1089, %select_n3A_10 : i32
    %max3A_1091 = arith.constant 0 : i32
    %max3A_1092 = arith.maxsi %sub3A_1090, %max3A_1091 : i32
    %sub3A_1093 = arith.constant 174808 : i32
    %sub3A_1094 = arith.subi %sub3A_1093, %select_n3A_10 : i32
    %min3A_1095 = arith.minsi %sub3A_1094, %select_n3A_15 : i32
    %jit3A_1096 = arith.constant 16 : i32
    %div3A_1097 = arith.divsi %max3A_1092, %jit3A_1096 : i32
    %sign3A_1098 = arith.constant 0 : i32
    %sign3A_1099 = arith.cmpi sgt, %max3A_1092, %sign3A_1098 : i32
    %sign3A_1100 = arith.extui %sign3A_1099 : i1 to i32
    %sign3A_1101 = arith.constant 0 : i32
    %sign3A_1102 = arith.cmpi slt, %max3A_1092, %sign3A_1101 : i32
    %sign3A_1103 = arith.extui %sign3A_1102 : i1 to i32
    %sign3A_1104 = arith.subi %sign3A_1100, %sign3A_1103 : i32
    %sign3A_1105 = arith.constant 0 : i32
    %sign3A_1106 = arith.cmpi sgt, %jit3A_1096, %sign3A_1105 : i32
    %sign3A_1107 = arith.extui %sign3A_1106 : i1 to i32
    %sign3A_1108 = arith.constant 0 : i32
    %sign3A_1109 = arith.cmpi slt, %jit3A_1096, %sign3A_1108 : i32
    %sign3A_1110 = arith.extui %sign3A_1109 : i1 to i32
    %sign3A_1111 = arith.subi %sign3A_1107, %sign3A_1110 : i32
    %ne3A_1112 = arith.cmpi ne, %sign3A_1104, %sign3A_1111 : i32
    %rem3A_1113 = arith.remsi %max3A_1092, %jit3A_1096 : i32
    %ne3A_1114 = arith.constant 0 : i32
    %ne3A_1115 = arith.cmpi ne, %rem3A_1113, %ne3A_1114 : i32
    %and3A_1116 = arith.andi %ne3A_1112, %ne3A_1115 : i1
    %sub3A_1117 = arith.constant 1 : i32
    %sub3A_1118 = arith.subi %div3A_1097, %sub3A_1117 : i32
    %select_n3A_1119 = arith.select %and3A_1116, %sub3A_1118, %div3A_1097 : i32
    %mul3A_1120 = arith.constant 16 : i32
    %mul3A_1121 = arith.muli %select_n3A_1119, %mul3A_1120 : i32
    %lt3A_1122 = arith.cmpi slt, %max3A_1092, %min3A_1095 : i32
    %convert_element_type3A_1123 = arith.extui %lt3A_1122 : i1 to i32
    %cond3A_1124 = arith.constant 0 : i32
    %cond3A_1125 = arith.cmpi ne, %convert_element_type3A_1123, %cond3A_1124 : i32
    scf.if %cond3A_1125 {
      %scan3A_1213 = arith.constant 0 : i32
      %scan3A_1214 = arith.constant 0 : i32
      %scan3A_1215 = arith.constant 218 : i32
      %scan3A_1216 = arith.addi %scan3A_1214, %scan3A_1215 : i32
      %scan3A_1217 = arith.constant 1 : i32
      scf.for %scan3A_1219 = %scan3A_1214 to %scan3A_1216 step %scan3A_1217  : i32 {
        %mul3A_1220 = arith.constant 16 : i32
        %mul3A_1221 = arith.muli %scan3A_1219, %mul3A_1220 : i32
        %add3A_1222 = arith.addi %mul3A_1121, %mul3A_1221 : i32
        %add3A_1223 = vector.broadcast %add3A_1222 : i32 to vector<16xi32>
        %add3A_1224 = arith.addi %add3A_1223, %iota3A : vector<16xi32>
        %ge3A_1225 = vector.broadcast %max3A_1092 : i32 to vector<16xi32>
        %ge3A_1226 = arith.cmpi sge, %add3A_1224, %ge3A_1225 : vector<16xi32>
        %lt3A_1227 = vector.broadcast %min3A_1095 : i32 to vector<16xi32>
        %lt3A_1228 = arith.cmpi slt, %add3A_1224, %lt3A_1227 : vector<16xi32>
        %and3A_1229 = arith.andi %ge3A_1226, %lt3A_1228 : vector<16xi1>
        %min3A_1230 = arith.constant 13808 : i32
        %min3A_1231 = arith.minsi %add3A_1222, %min3A_1230 : i32
        %get3A = arith.index_cast %min3A_1231 : i32 to index
        %get3A_1232 = tpu.vector_load %arg3[%get3A] {strides = array<i32>} : memref<13824xf32, #tpu.memory_space<vmem>>, vector<16xf32>,
        %get3A_1233 = vector.shape_cast %get3A_1232 : vector<16xf32> to vector<16xf32>
        %jit3A_1234 = arith.constant 0.000000e+00 : f32
        %broadcast_in_dim3A_1235 = vector.broadcast %jit3A_1234 : f32 to vector<16xf32>
        %select_n3A_1236 = arith.select %and3A_1229, %broadcast_in_dim3A_1235, %get3A_1233 : vector<16xi1>, vector<16xf32>
        %swap3A = arith.index_cast %min3A_1231 : i32 to index
        %swap3A_1237 = tpu.vector_load %arg3[%swap3A] {strides = array<i32>} : memref<13824xf32, #tpu.memory_space<vmem>>, vector<16xf32>,
        %swap3A_1238 = vector.shape_cast %swap3A_1237 : vector<16xf32> to vector<16xf32>
        %swap3A_1239 = vector.shape_cast %select_n3A_1236 : vector<16xf32> to vector<16xf32>
        tpu.vector_store %arg3[%swap3A], %swap3A_1239 {strides = array<i32>} : memref<13824xf32, #tpu.memory_space<vmem>>, vector<16xf32>,
      }
      %scan3A_1218 = arith.constant 218 : i32
    } else {
    }
    %sub3A_1126 = arith.constant 115343 : i32
    %sub3A_1127 = arith.subi %sub3A_1126, %select_n3A_10 : i32
    %max3A_1128 = arith.constant 0 : i32
    %max3A_1129 = arith.maxsi %sub3A_1127, %max3A_1128 : i32
    %sub3A_1130 = arith.constant 119317 : i32
    %sub3A_1131 = arith.subi %sub3A_1130, %select_n3A_10 : i32
    %min3A_1132 = arith.minsi %sub3A_1131, %select_n3A_15 : i32
    %jit3A_1133 = arith.constant 16 : i32
    %div3A_1134 = arith.divsi %max3A_1129, %jit3A_1133 : i32
    %sign3A_1135 = arith.constant 0 : i32
    %sign3A_1136 = arith.cmpi sgt, %max3A_1129, %sign3A_1135 : i32
    %sign3A_1137 = arith.extui %sign3A_1136 : i1 to i32
    %sign3A_1138 = arith.constant 0 : i32
    %sign3A_1139 = arith.cmpi slt, %max3A_1129, %sign3A_1138 : i32
    %sign3A_1140 = arith.extui %sign3A_1139 : i1 to i32
    %sign3A_1141 = arith.subi %sign3A_1137, %sign3A_1140 : i32
    %sign3A_1142 = arith.constant 0 : i32
    %sign3A_1143 = arith.cmpi sgt, %jit3A_1133, %sign3A_1142 : i32
    %sign3A_1144 = arith.extui %sign3A_1143 : i1 to i32
    %sign3A_1145 = arith.constant 0 : i32
    %sign3A_1146 = arith.cmpi slt, %jit3A_1133, %sign3A_1145 : i32
    %sign3A_1147 = arith.extui %sign3A_1146 : i1 to i32
    %sign3A_1148 = arith.subi %sign3A_1144, %sign3A_1147 : i32
    %ne3A_1149 = arith.cmpi ne, %sign3A_1141, %sign3A_1148 : i32
    %rem3A_1150 = arith.remsi %max3A_1129, %jit3A_1133 : i32
    %ne3A_1151 = arith.constant 0 : i32
    %ne3A_1152 = arith.cmpi ne, %rem3A_1150, %ne3A_1151 : i32
    %and3A_1153 = arith.andi %ne3A_1149, %ne3A_1152 : i1
    %sub3A_1154 = arith.constant 1 : i32
    %sub3A_1155 = arith.subi %div3A_1134, %sub3A_1154 : i32
    %select_n3A_1156 = arith.select %and3A_1153, %sub3A_1155, %div3A_1134 : i32
    %mul3A_1157 = arith.constant 16 : i32
    %mul3A_1158 = arith.muli %select_n3A_1156, %mul3A_1157 : i32
    %lt3A_1159 = arith.cmpi slt, %max3A_1129, %min3A_1132 : i32
    %convert_element_type3A_1160 = arith.extui %lt3A_1159 : i1 to i32
    %cond3A_1161 = arith.constant 0 : i32
    %cond3A_1162 = arith.cmpi ne, %convert_element_type3A_1160, %cond3A_1161 : i32
    scf.if %cond3A_1162 {
      %scan3A_1213 = arith.constant 0 : i32
      %scan3A_1214 = arith.constant 0 : i32
      %scan3A_1215 = arith.constant 250 : i32
      %scan3A_1216 = arith.addi %scan3A_1214, %scan3A_1215 : i32
      %scan3A_1217 = arith.constant 1 : i32
      scf.for %scan3A_1219 = %scan3A_1214 to %scan3A_1216 step %scan3A_1217  : i32 {
        %mul3A_1220 = arith.constant 16 : i32
        %mul3A_1221 = arith.muli %scan3A_1219, %mul3A_1220 : i32
        %add3A_1222 = arith.addi %mul3A_1158, %mul3A_1221 : i32
        %add3A_1223 = vector.broadcast %add3A_1222 : i32 to vector<16xi32>
        %add3A_1224 = arith.addi %add3A_1223, %iota3A : vector<16xi32>
        %ge3A_1225 = vector.broadcast %max3A_1129 : i32 to vector<16xi32>
        %ge3A_1226 = arith.cmpi sge, %add3A_1224, %ge3A_1225 : vector<16xi32>
        %lt3A_1227 = vector.broadcast %min3A_1132 : i32 to vector<16xi32>
        %lt3A_1228 = arith.cmpi slt, %add3A_1224, %lt3A_1227 : vector<16xi32>
        %and3A_1229 = arith.andi %ge3A_1226, %lt3A_1228 : vector<16xi1>
        %min3A_1230 = arith.constant 13808 : i32
        %min3A_1231 = arith.minsi %add3A_1222, %min3A_1230 : i32
        %get3A = arith.index_cast %min3A_1231 : i32 to index
        %get3A_1232 = tpu.vector_load %arg3[%get3A] {strides = array<i32>} : memref<13824xf32, #tpu.memory_space<vmem>>, vector<16xf32>,
        %get3A_1233 = vector.shape_cast %get3A_1232 : vector<16xf32> to vector<16xf32>
        %jit3A_1234 = arith.constant 0.000000e+00 : f32
        %broadcast_in_dim3A_1235 = vector.broadcast %jit3A_1234 : f32 to vector<16xf32>
        %select_n3A_1236 = arith.select %and3A_1229, %broadcast_in_dim3A_1235, %get3A_1233 : vector<16xi1>, vector<16xf32>
        %swap3A = arith.index_cast %min3A_1231 : i32 to index
        %swap3A_1237 = tpu.vector_load %arg3[%swap3A] {strides = array<i32>} : memref<13824xf32, #tpu.memory_space<vmem>>, vector<16xf32>,
        %swap3A_1238 = vector.shape_cast %swap3A_1237 : vector<16xf32> to vector<16xf32>
        %swap3A_1239 = vector.shape_cast %select_n3A_1236 : vector<16xf32> to vector<16xf32>
        tpu.vector_store %arg3[%swap3A], %swap3A_1239 {strides = array<i32>} : memref<13824xf32, #tpu.memory_space<vmem>>, vector<16xf32>,
      }
      %scan3A_1218 = arith.constant 250 : i32
    } else {
    }
    %sub3A_1163 = arith.constant 272784 : i32
    %sub3A_1164 = arith.subi %sub3A_1163, %select_n3A_10 : i32
    %max3A_1165 = arith.constant 0 : i32
    %max3A_1166 = arith.maxsi %sub3A_1164, %max3A_1165 : i32
    %sub3A_1167 = arith.constant 276059 : i32
    %sub3A_1168 = arith.subi %sub3A_1167, %select_n3A_10 : i32
    %min3A_1169 = arith.minsi %sub3A_1168, %select_n3A_15 : i32
    %jit3A_1170 = arith.constant 16 : i32
    %div3A_1171 = arith.divsi %max3A_1166, %jit3A_1170 : i32
    %sign3A_1172 = arith.constant 0 : i32
    %sign3A_1173 = arith.cmpi sgt, %max3A_1166, %sign3A_1172 : i32
    %sign3A_1174 = arith.extui %sign3A_1173 : i1 to i32
    %sign3A_1175 = arith.constant 0 : i32
    %sign3A_1176 = arith.cmpi slt, %max3A_1166, %sign3A_1175 : i32
    %sign3A_1177 = arith.extui %sign3A_1176 : i1 to i32
    %sign3A_1178 = arith.subi %sign3A_1174, %sign3A_1177 : i32
    %sign3A_1179 = arith.constant 0 : i32
    %sign3A_1180 = arith.cmpi sgt, %jit3A_1170, %sign3A_1179 : i32
    %sign3A_1181 = arith.extui %sign3A_1180 : i1 to i32
    %sign3A_1182 = arith.constant 0 : i32
    %sign3A_1183 = arith.cmpi slt, %jit3A_1170, %sign3A_1182 : i32
    %sign3A_1184 = arith.extui %sign3A_1183 : i1 to i32
    %sign3A_1185 = arith.subi %sign3A_1181, %sign3A_1184 : i32
    %ne3A_1186 = arith.cmpi ne, %sign3A_1178, %sign3A_1185 : i32
    %rem3A_1187 = arith.remsi %max3A_1166, %jit3A_1170 : i32
    %ne3A_1188 = arith.constant 0 : i32
    %ne3A_1189 = arith.cmpi ne, %rem3A_1187, %ne3A_1188 : i32
    %and3A_1190 = arith.andi %ne3A_1186, %ne3A_1189 : i1
    %sub3A_1191 = arith.constant 1 : i32
    %sub3A_1192 = arith.subi %div3A_1171, %sub3A_1191 : i32
    %select_n3A_1193 = arith.select %and3A_1190, %sub3A_1192, %div3A_1171 : i32
    %mul3A_1194 = arith.constant 16 : i32
    %mul3A_1195 = arith.muli %select_n3A_1193, %mul3A_1194 : i32
    %lt3A_1196 = arith.cmpi slt, %max3A_1166, %min3A_1169 : i32
    %convert_element_type3A_1197 = arith.extui %lt3A_1196 : i1 to i32
    %cond3A_1198 = arith.constant 0 : i32
    %cond3A_1199 = arith.cmpi ne, %convert_element_type3A_1197, %cond3A_1198 : i32
    scf.if %cond3A_1199 {
      %scan3A_1213 = arith.constant 0 : i32
      %scan3A_1214 = arith.constant 0 : i32
      %scan3A_1215 = arith.constant 206 : i32
      %scan3A_1216 = arith.addi %scan3A_1214, %scan3A_1215 : i32
      %scan3A_1217 = arith.constant 1 : i32
      scf.for %scan3A_1219 = %scan3A_1214 to %scan3A_1216 step %scan3A_1217  : i32 {
        %mul3A_1220 = arith.constant 16 : i32
        %mul3A_1221 = arith.muli %scan3A_1219, %mul3A_1220 : i32
        %add3A_1222 = arith.addi %mul3A_1195, %mul3A_1221 : i32
        %add3A_1223 = vector.broadcast %add3A_1222 : i32 to vector<16xi32>
        %add3A_1224 = arith.addi %add3A_1223, %iota3A : vector<16xi32>
        %ge3A_1225 = vector.broadcast %max3A_1166 : i32 to vector<16xi32>
        %ge3A_1226 = arith.cmpi sge, %add3A_1224, %ge3A_1225 : vector<16xi32>
        %lt3A_1227 = vector.broadcast %min3A_1169 : i32 to vector<16xi32>
        %lt3A_1228 = arith.cmpi slt, %add3A_1224, %lt3A_1227 : vector<16xi32>
        %and3A_1229 = arith.andi %ge3A_1226, %lt3A_1228 : vector<16xi1>
        %min3A_1230 = arith.constant 13808 : i32
        %min3A_1231 = arith.minsi %add3A_1222, %min3A_1230 : i32
        %get3A = arith.index_cast %min3A_1231 : i32 to index
        %get3A_1232 = tpu.vector_load %arg3[%get3A] {strides = array<i32>} : memref<13824xf32, #tpu.memory_space<vmem>>, vector<16xf32>,
        %get3A_1233 = vector.shape_cast %get3A_1232 : vector<16xf32> to vector<16xf32>
        %jit3A_1234 = arith.constant 0.000000e+00 : f32
        %broadcast_in_dim3A_1235 = vector.broadcast %jit3A_1234 : f32 to vector<16xf32>
        %select_n3A_1236 = arith.select %and3A_1229, %broadcast_in_dim3A_1235, %get3A_1233 : vector<16xi1>, vector<16xf32>
        %swap3A = arith.index_cast %min3A_1231 : i32 to index
        %swap3A_1237 = tpu.vector_load %arg3[%swap3A] {strides = array<i32>} : memref<13824xf32, #tpu.memory_space<vmem>>, vector<16xf32>,
        %swap3A_1238 = vector.shape_cast %swap3A_1237 : vector<16xf32> to vector<16xf32>
        %swap3A_1239 = vector.shape_cast %select_n3A_1236 : vector<16xf32> to vector<16xf32>
        tpu.vector_store %arg3[%swap3A], %swap3A_1239 {strides = array<i32>} : memref<13824xf32, #tpu.memory_space<vmem>>, vector<16xf32>,
      }
      %scan3A_1218 = arith.constant 206 : i32
    } else {
    }
    %convert_element_type3A_1200 = arith.extui %lt3A_1 : i1 to i32
    %cond3A_1201 = arith.constant 0 : i32
    %cond3A_1202 = arith.cmpi ne, %convert_element_type3A_1200, %cond3A_1201 : i32
    scf.if %cond3A_1202 {
      %mul3A_1213 = arith.constant 13824 : i32
      %mul3A_1214 = arith.muli %add3A, %mul3A_1213 : i32
      %multiple_of3A = tpu.assume_multiple %mul3A_1214, 128 : i32
      %dma_start3A = arith.constant 0 : i32
      %dma_start3A_1215 = arith.constant 0 : i32
      %dma_start3A_1216 = arith.constant 0 : i32
      %dma_start3A_1217 = tpu.memref_slice %arg3[%dma_start3A_1216] : memref<13824xf32, #tpu.memory_space<vmem>> -> memref<13824xf32, #tpu.memory_space<vmem>>
      %dma_start3A_1218 = tpu.memref_slice %arg2[%dma_start3A, %dma_start3A_1215, %multiple_of3A] : memref<1x1x441000xf32, #tpu.memory_space<hbm>> -> memref<1x1x13824xf32, #tpu.memory_space<hbm>>
      %dma_start3A_1219 = tpu.memref_squeeze %dma_start3A_1218 : memref<1x1x13824xf32, #tpu.memory_space<hbm>> -> memref<13824xf32, #tpu.memory_space<hbm>>
      %dma_start3A_1220 = tpu.memref_slice %arg2[%dma_start3A, %dma_start3A_1215, %multiple_of3A] : memref<1x1x441000xf32, #tpu.memory_space<hbm>> -> memref<1x1x13824xf32, #tpu.memory_space<hbm>>
      %dma_start3A_1221 = tpu.memref_squeeze %dma_start3A_1220 : memref<1x1x13824xf32, #tpu.memory_space<hbm>> -> memref<13824xf32, #tpu.memory_space<hbm>>
      %dma_start3A_1222 = arith.constant 0 : i32
      %dma_start3A_1223 = tpu.memref_slice %arg3[%dma_start3A_1222] : memref<13824xf32, #tpu.memory_space<vmem>> -> memref<13824xf32, #tpu.memory_space<vmem>>
      tpu.enqueue_dma source(%dma_start3A_1223 : memref<13824xf32, #tpu.memory_space<vmem>>) target(%dma_start3A_1221 : memref<13824xf32, #tpu.memory_space<hbm>>) target_semaphore(%arg4 : memref<!tpu.dma_semaphore, #tpu.memory_space<semaphore_mem>>)
      %dma_wait3A = arith.constant 0 : i32
      %dma_wait3A_1224 = arith.constant 0 : i32
      %dma_wait3A_1225 = arith.constant 0 : i32
      %dma_wait3A_1226 = tpu.memref_slice %arg3[%dma_wait3A_1225] : memref<13824xf32, #tpu.memory_space<vmem>> -> memref<13824xf32, #tpu.memory_space<vmem>>
      %dma_wait3A_1227 = tpu.memref_slice %arg2[%dma_wait3A, %dma_wait3A_1224, %multiple_of3A] : memref<1x1x441000xf32, #tpu.memory_space<hbm>> -> memref<1x1x13824xf32, #tpu.memory_space<hbm>>
      %dma_wait3A_1228 = tpu.memref_squeeze %dma_wait3A_1227 : memref<1x1x13824xf32, #tpu.memory_space<hbm>> -> memref<13824xf32, #tpu.memory_space<hbm>>
      %dma_wait3A_1229 = tpu.memref_slice %arg2[%dma_wait3A, %dma_wait3A_1224, %multiple_of3A] : memref<1x1x441000xf32, #tpu.memory_space<hbm>> -> memref<1x1x13824xf32, #tpu.memory_space<hbm>>
      %dma_wait3A_1230 = tpu.memref_squeeze %dma_wait3A_1229 : memref<1x1x13824xf32, #tpu.memory_space<hbm>> -> memref<13824xf32, #tpu.memory_space<hbm>>
      %dma_wait3A_1231 = arith.constant 0 : i32
      %dma_wait3A_1232 = tpu.memref_slice %arg3[%dma_wait3A_1231] : memref<13824xf32, #tpu.memory_space<vmem>> -> memref<13824xf32, #tpu.memory_space<vmem>>
      tpu.wait_dma2 semaphore(%arg4 : memref<!tpu.dma_semaphore, #tpu.memory_space<semaphore_mem>>) src(%dma_wait3A_1232 : memref<13824xf32, #tpu.memory_space<vmem>>) dst(%dma_wait3A_1230 : memref<13824xf32, #tpu.memory_space<hbm>>)
    } else {
    }
    %ge3A = arith.constant 21 : i32
    %ge3A_1203 = arith.cmpi sge, %add3A, %ge3A : i32
    %lt3A_1204 = arith.constant 31 : i32
    %lt3A_1205 = arith.cmpi slt, %add3A, %lt3A_1204 : i32
    %and3A_1206 = arith.andi %ge3A_1203, %lt3A_1205 : i1
    %convert_element_type3A_1207 = arith.extui %and3A_1206 : i1 to i32
    %cond3A_1208 = arith.constant 0 : i32
    %cond3A_1209 = arith.cmpi ne, %convert_element_type3A_1207, %cond3A_1208 : i32
    scf.if %cond3A_1209 {
      %sub3A_1213 = arith.constant 21 : i32
      %sub3A_1214 = arith.subi %add3A, %sub3A_1213 : i32
      %mul3A_1215 = arith.constant 13696 : i32
      %mul3A_1216 = arith.muli %sub3A_1214, %mul3A_1215 : i32
      %add3A_1217 = arith.constant 290304 : i32
      %add3A_1218 = arith.addi %add3A_1217, %mul3A_1216 : i32
      %multiple_of3A = tpu.assume_multiple %add3A_1218, 128 : i32
      %dma_start3A = arith.constant 0 : i32
      %dma_start3A_1219 = arith.constant 0 : i32
      %dma_start3A_1220 = arith.constant 0 : i32
      %dma_start3A_1221 = tpu.memref_slice %arg3[%dma_start3A_1220] : memref<13824xf32, #tpu.memory_space<vmem>> -> memref<13696xf32, #tpu.memory_space<vmem>>
      %dma_start3A_1222 = tpu.memref_slice %arg2[%dma_start3A, %dma_start3A_1219, %multiple_of3A] : memref<1x1x441000xf32, #tpu.memory_space<hbm>> -> memref<1x1x13696xf32, #tpu.memory_space<hbm>>
      %dma_start3A_1223 = tpu.memref_squeeze %dma_start3A_1222 : memref<1x1x13696xf32, #tpu.memory_space<hbm>> -> memref<13696xf32, #tpu.memory_space<hbm>>
      %dma_start3A_1224 = tpu.memref_slice %arg2[%dma_start3A, %dma_start3A_1219, %multiple_of3A] : memref<1x1x441000xf32, #tpu.memory_space<hbm>> -> memref<1x1x13696xf32, #tpu.memory_space<hbm>>
      %dma_start3A_1225 = tpu.memref_squeeze %dma_start3A_1224 : memref<1x1x13696xf32, #tpu.memory_space<hbm>> -> memref<13696xf32, #tpu.memory_space<hbm>>
      %dma_start3A_1226 = arith.constant 0 : i32
      %dma_start3A_1227 = tpu.memref_slice %arg3[%dma_start3A_1226] : memref<13824xf32, #tpu.memory_space<vmem>> -> memref<13696xf32, #tpu.memory_space<vmem>>
      tpu.enqueue_dma source(%dma_start3A_1227 : memref<13696xf32, #tpu.memory_space<vmem>>) target(%dma_start3A_1225 : memref<13696xf32, #tpu.memory_space<hbm>>) target_semaphore(%arg4 : memref<!tpu.dma_semaphore, #tpu.memory_space<semaphore_mem>>)
      %dma_wait3A = arith.constant 0 : i32
      %dma_wait3A_1228 = arith.constant 0 : i32
      %dma_wait3A_1229 = arith.constant 0 : i32
      %dma_wait3A_1230 = tpu.memref_slice %arg3[%dma_wait3A_1229] : memref<13824xf32, #tpu.memory_space<vmem>> -> memref<13696xf32, #tpu.memory_space<vmem>>
      %dma_wait3A_1231 = tpu.memref_slice %arg2[%dma_wait3A, %dma_wait3A_1228, %multiple_of3A] : memref<1x1x441000xf32, #tpu.memory_space<hbm>> -> memref<1x1x13696xf32, #tpu.memory_space<hbm>>
      %dma_wait3A_1232 = tpu.memref_squeeze %dma_wait3A_1231 : memref<1x1x13696xf32, #tpu.memory_space<hbm>> -> memref<13696xf32, #tpu.memory_space<hbm>>
      %dma_wait3A_1233 = tpu.memref_slice %arg2[%dma_wait3A, %dma_wait3A_1228, %multiple_of3A] : memref<1x1x441000xf32, #tpu.memory_space<hbm>> -> memref<1x1x13696xf32, #tpu.memory_space<hbm>>
      %dma_wait3A_1234 = tpu.memref_squeeze %dma_wait3A_1233 : memref<1x1x13696xf32, #tpu.memory_space<hbm>> -> memref<13696xf32, #tpu.memory_space<hbm>>
      %dma_wait3A_1235 = arith.constant 0 : i32
      %dma_wait3A_1236 = tpu.memref_slice %arg3[%dma_wait3A_1235] : memref<13824xf32, #tpu.memory_space<vmem>> -> memref<13696xf32, #tpu.memory_space<vmem>>
      tpu.wait_dma2 semaphore(%arg4 : memref<!tpu.dma_semaphore, #tpu.memory_space<semaphore_mem>>) src(%dma_wait3A_1236 : memref<13696xf32, #tpu.memory_space<vmem>>) dst(%dma_wait3A_1234 : memref<13696xf32, #tpu.memory_space<hbm>>)
    } else {
    }
    %convert_element_type3A_1210 = arith.extui %eq3A_2 : i1 to i32
    %cond3A_1211 = arith.constant 0 : i32
    %cond3A_1212 = arith.cmpi ne, %convert_element_type3A_1210, %cond3A_1211 : i32
    scf.if %cond3A_1212 {
      %dma_start3A = arith.constant 0 : i32
      %dma_start3A_1213 = arith.constant 0 : i32
      %dma_start3A_1214 = arith.constant 0 : i32
      %dma_start3A_1215 = tpu.memref_slice %arg3[%dma_start3A_1214] : memref<13824xf32, #tpu.memory_space<vmem>> -> memref<13736xf32, #tpu.memory_space<vmem>>
      %dma_start3A_1216 = arith.constant 427264 : i32
      %dma_start3A_1217 = tpu.memref_slice %arg2[%dma_start3A, %dma_start3A_1213, %dma_start3A_1216] : memref<1x1x441000xf32, #tpu.memory_space<hbm>> -> memref<1x1x13736xf32, #tpu.memory_space<hbm>>
      %dma_start3A_1218 = tpu.memref_squeeze %dma_start3A_1217 : memref<1x1x13736xf32, #tpu.memory_space<hbm>> -> memref<13736xf32, #tpu.memory_space<hbm>>
      %dma_start3A_1219 = arith.constant 427264 : i32
      %dma_start3A_1220 = tpu.memref_slice %arg2[%dma_start3A, %dma_start3A_1213, %dma_start3A_1219] : memref<1x1x441000xf32, #tpu.memory_space<hbm>> -> memref<1x1x13736xf32, #tpu.memory_space<hbm>>
      %dma_start3A_1221 = tpu.memref_squeeze %dma_start3A_1220 : memref<1x1x13736xf32, #tpu.memory_space<hbm>> -> memref<13736xf32, #tpu.memory_space<hbm>>
      %dma_start3A_1222 = arith.constant 0 : i32
      %dma_start3A_1223 = tpu.memref_slice %arg3[%dma_start3A_1222] : memref<13824xf32, #tpu.memory_space<vmem>> -> memref<13736xf32, #tpu.memory_space<vmem>>
      tpu.enqueue_dma source(%dma_start3A_1223 : memref<13736xf32, #tpu.memory_space<vmem>>) target(%dma_start3A_1221 : memref<13736xf32, #tpu.memory_space<hbm>>) target_semaphore(%arg4 : memref<!tpu.dma_semaphore, #tpu.memory_space<semaphore_mem>>)
      %dma_wait3A = arith.constant 0 : i32
      %dma_wait3A_1224 = arith.constant 0 : i32
      %dma_wait3A_1225 = arith.constant 0 : i32
      %dma_wait3A_1226 = tpu.memref_slice %arg3[%dma_wait3A_1225] : memref<13824xf32, #tpu.memory_space<vmem>> -> memref<13736xf32, #tpu.memory_space<vmem>>
      %dma_wait3A_1227 = arith.constant 427264 : i32
      %dma_wait3A_1228 = tpu.memref_slice %arg2[%dma_wait3A, %dma_wait3A_1224, %dma_wait3A_1227] : memref<1x1x441000xf32, #tpu.memory_space<hbm>> -> memref<1x1x13736xf32, #tpu.memory_space<hbm>>
      %dma_wait3A_1229 = tpu.memref_squeeze %dma_wait3A_1228 : memref<1x1x13736xf32, #tpu.memory_space<hbm>> -> memref<13736xf32, #tpu.memory_space<hbm>>
      %dma_wait3A_1230 = arith.constant 427264 : i32
      %dma_wait3A_1231 = tpu.memref_slice %arg2[%dma_wait3A, %dma_wait3A_1224, %dma_wait3A_1230] : memref<1x1x441000xf32, #tpu.memory_space<hbm>> -> memref<1x1x13736xf32, #tpu.memory_space<hbm>>
      %dma_wait3A_1232 = tpu.memref_squeeze %dma_wait3A_1231 : memref<1x1x13736xf32, #tpu.memory_space<hbm>> -> memref<13736xf32, #tpu.memory_space<hbm>>
      %dma_wait3A_1233 = arith.constant 0 : i32
      %dma_wait3A_1234 = tpu.memref_slice %arg3[%dma_wait3A_1233] : memref<13824xf32, #tpu.memory_space<vmem>> -> memref<13736xf32, #tpu.memory_space<vmem>>
      tpu.wait_dma2 semaphore(%arg4 : memref<!tpu.dma_semaphore, #tpu.memory_space<semaphore_mem>>) src(%dma_wait3A_1234 : memref<13736xf32, #tpu.memory_space<vmem>>) dst(%dma_wait3A_1232 : memref<13736xf32, #tpu.memory_space<hbm>>)
    } else {
    }
    return
  }
}

module attributes {stable_mosaic.version = 14 : i64} {
  func.func @_mul_kernel(%arg0: i32, %arg1: memref<8x1x147456xf32, #tpu.memory_space<vmem>>, %arg2: memref<1x1x147456xf32, #tpu.memory_space<vmem>>, %arg3: memref<8x1x147456xf32, #tpu.memory_space<vmem>>) attributes {dimension_semantics = [#tpu.dimension_semantics<parallel>], iteration_bounds = array<i64: 3>, scalar_prefetch = 0 : i64, scratch_operands = 0 : i64, tpu.core_type = #tpu.core_type<tc>, window_params = [{transform_indices = @transform_0, window_bounds = array<i64: 8, 1, 147456>}, {transform_indices = @transform_1, window_bounds = array<i64: 1, 1, 147456>}, {transform_indices = @transform_2, window_bounds = array<i64: 8, 1, 147456>}]} {
    %get3A = arith.constant 0 : index
    %get3A_0 = arith.constant 0 : index
    %get3A_1 = arith.constant 0 : index
    %get3A_2 = vector.load %arg1[%get3A, %get3A_0, %get3A_1] : memref<8x1x147456xf32, #tpu.memory_space<vmem>>, vector<8x1x147456xf32>
    %get3A_3 = arith.constant 0 : index
    %get3A_4 = arith.constant 0 : index
    %get3A_5 = arith.constant 0 : index
    %get3A_6 = vector.load %arg2[%get3A_3, %get3A_4, %get3A_5] : memref<1x1x147456xf32, #tpu.memory_space<vmem>>, vector<1x1x147456xf32>
    %mul3A = vector.broadcast %get3A_6 : vector<1x1x147456xf32> to vector<8x1x147456xf32>
    %mul3A_7 = arith.mulf %get3A_2, %mul3A : vector<8x1x147456xf32>
    %swap3A = arith.constant 0 : index
    %swap3A_8 = arith.constant 0 : index
    %swap3A_9 = arith.constant 0 : index
    %swap3A_10 = vector.load %arg3[%swap3A, %swap3A_8, %swap3A_9] : memref<8x1x147456xf32, #tpu.memory_space<vmem>>, vector<8x1x147456xf32>
    tpu.vector_store %arg3[%swap3A, %swap3A_8, %swap3A_9], %mul3A_7 {strides = array<i32>} : memref<8x1x147456xf32, #tpu.memory_space<vmem>>, vector<8x1x147456xf32>,
    return
  }
  func.func @transform_0(%arg0: i32) -> (i32, i32, i32) {
    %c0_i32 = arith.constant 0 : i32
    %c0_i32_0 = arith.constant 0 : i32
    %c0_i32_1 = arith.constant 0 : i32
    return %c0_i32, %c0_i32_0, %arg0 : i32, i32, i32
  }
  func.func @transform_1(%arg0: i32) -> (i32, i32, i32) {
    %c0_i32 = arith.constant 0 : i32
    %c0_i32_0 = arith.constant 0 : i32
    %c0_i32_1 = arith.constant 0 : i32
    return %c0_i32, %c0_i32_0, %arg0 : i32, i32, i32
  }
  func.func @transform_2(%arg0: i32) -> (i32, i32, i32) {
    %c0_i32 = arith.constant 0 : i32
    %c0_i32_0 = arith.constant 0 : i32
    %c0_i32_1 = arith.constant 0 : i32
    return %c0_i32, %c0_i32_0, %arg0 : i32, i32, i32
  }
}

</mosaic_0001>

<sc_bundles>
// kernel: kernel.4.cloned.1.call-start
scs
__scs_entry_jumppad:
0x0: {  	(pc) =	sbr.rel $0x88, $3  }
0x1: {  	(tag) =	ssettag $0x0;
	lr =	simm.s32 $0x1  }
0x2: {  	[smem:$0x3FA0] =	sst lr;
	_ =	strace $0xD0000000  }
0x3: {  	_ = 	snop  }
0x4: {  	_ = 	snop  }
0x5: {  	_ = 	snop  }
0x6: {  	_ = 	snop  }
0x7: {  	_ = 	snop  }
__scs_overlays_trampoline_lowered:
0x8: {  	[smem:$0x3FAF] =	sst s0  }
0x9: {  	[smem:$0x3FB0] =	sst s1  }
0xa: {  	[smem:$0x3FB1] =	sst s2  }
0xb: {  	[smem:$0x3FB2] =	sst s3  }
0xc: {  	[smem:$0x3FB3] =	sst s4  }
0xd: {  	[smem:$0x3FB4] =	sst s5  }
0xe: {  	[smem:$0x3FB5] =	sst s6  }
0xf: {  	[smem:$0x3FB6] =	sst s7  }
0x10: {  	[smem:$0x3FB7] =	sst s8  }
0x11: {  	[smem:$0x3FB8] =	sst s9;
	s0 =	simm.s32 @!p0 $0x0  }
0x12: {  	s1 =	sld [smem:$0x3F9E];
	s0 =	simm.s32 @p0 $0x1  }
0x13: {  	[smem:$0x3FB9] =	sst s0;
	s0 =	simm.s32 @!p1 $0x0  }
0x14: {  	s2 =	sld [smem:$0x3F9D];
	s0 =	simm.s32 @p1 $0x1  }
0x15: {  	[smem:$0x3FBA] =	sst s0;
	s0 =	simm.s32 @!p2 $0x0  }
0x16: {  	s3 =	sld [smem:$0x3FDB];
	s0 =	simm.s32 @p2 $0x1  }
0x17: {  	s4 =	simm.s32 $0x1BF5;
	[smem:$0x3FBC] =	sst s0  }
0x18: {  	s0 =	sld [smem:$0x3F9F];
	_ =	swait.ge [sflag:s4], $0x0  }
0x19: {  	s7 =	sld [smem:$0x3FA0]  }
0x1a: {  	s8 =	sadd.s32 $0xFFFFE003, lr  }
0x1b: {  	s9 =	sadd.s32 $0xFFFFFEF7, lr;
	s5 =	simm.s32 $0xFFFFFFFF;
	p2 =	slt.u32 s8, $0xFFFFF086  }
0x1c: {  	p1 =	slt.u32 s9, $0xF7A;
	s5 =	simm.s32 @!p2 $0x0  }
0x1d: {  	s5 =	simm.s32 @p1 $0x1;
	p0 =	seq.s32 s7, s2  }
0x1e: {  	s7 =	smul.u32 @!p0 $0xF7A, s2;
	p2 =	seq.s32 @!p0 s5, $0x0  }
0x1f: {  	s9 =	smul.u32 $0xF7A, s1;
	s8 =	simm.s32 @!p0 $0x1BF5;
	p2 =	por !p2, p0  }
0x20: {  	[sflag:s8] =	ssyncset.s32 @!p0 $0xFFFFF086;
	s6 =	sadd.s32 @!p0 s3, s7;
	s7 =	simm.s32 @!p0 $0x108  }
0x21: {  	s3 =	sadd.s32 s3, s9;
	s6 =	sadd.s32 @!p0 $0x88, s6;
	s7 =	simm.s32 @p2 $0x1082  }
0x22: {  	[simem:s7], [sflag:s8] =	dma.local @!p0 [hbm:s6], $0xF7A  }
0x23: {  	s9 =	sor.u32 $0xD0000000, s2;
	s6 =	simm.s32 $0x108;
	_ =	swait.ge @!p0 [sflag:s8], $0x0  }
0x24: {  	s3 =	sadd.s32 $0x88, s3;
	s6 =	simm.s32 @!p1 $0x1082;
	[sflag:s4] =	ssyncset.s32 $0xFFFFF086  }
0x25: {  	[simem:s6], [sflag:s4] =	dma.local [hbm:s3], $0xF7A  }
0x26: {  	[smem:$0x3FA0] =	sst s1;
	(tag) =	ssettag s2;
	_ =	strace s9  }
0x27: {  	s1 =	sld [smem:$0x3FB0]  }
0x28: {  	s2 =	sld [smem:$0x3FB1]  }
0x29: {  	s4 =	sld [smem:$0x3FB3]  }
0x2a: {  	p0 =	seq.s32 s5, $0x0;
	s5 =	sld [smem:$0x3FB4]  }
0x2b: {  	s6 =	sld [smem:$0x3FB5]  }
0x2c: {  	s7 =	sld [smem:$0x3FB6]  }
0x2d: {  	s3 =	simm.s32 $0x108;
	s8 =	sld [smem:$0x3FB7]  }
0x2e: {  	s3 =	simm.s32 @!p0 $0x1082;
	s9 =	sld [smem:$0x3FB8]  }
0x2f: {  	lr =	sadd.s32 s0, s3;
	s0 =	sld [smem:$0x3FAF]  }
0x30: {  	s3 =	sld [smem:$0x3FB2]  }
0x31: {  	[smem:$0x3FBB] =	sst s10  }
0x32: {  	s10 =	sld [smem:$0x3FB9];
	_ =	sdelay $0x3  }
0x33: {  	p0 =	seq.s32 s10, $0x1;
	s10 =	sld [smem:$0x3FBB];
	_ =	sdelay $0x3  }
0x34: {  	[smem:$0x3FBB] =	sst s10  }
0x35: {  	s10 =	sld [smem:$0x3FBA];
	_ =	sdelay $0x3  }
0x36: {  	p1 =	seq.s32 s10, $0x1;
	s10 =	sld [smem:$0x3FBB];
	_ =	sdelay $0x3  }
0x37: {  	[smem:$0x3FBB] =	sst s10  }
0x38: {  	s10 =	sld [smem:$0x3FBC]  }
0x39: {  	_ = 	snop;
	(pc) =	sbr.ind lr, $3  }
0x3a: {  	_ = 	snop  }
0x3b: {  	_ = 	snop  }
0x3c: {  	p2 =	seq.s32 s10, $0x1;
	s10 =	sld [smem:$0x3FBB]  }
0x3d: {  	_ =	shalt  }
0x3e: {  	_ =	shalt  }
0x3f: {  	_ =	shalt  }
0x40: {  	_ =	shalt  }
0x41: {  	_ =	shalt  }
0x42: {  	_ =	shalt  }
0x43: {  	_ =	shalt  }
0x44: {  	_ =	shalt  }
0x45: {  	_ =	shalt  }
0x46: {  	_ =	shalt  }
0x47: {  	_ =	shalt  }
0x48: {  	_ =	shalt  }
0x49: {  	_ =	shalt  }
0x4a: {  	_ =	shalt  }
0x4b: {  	_ =	shalt  }
0x4c: {  	_ =	shalt  }
0x4d: {  	_ =	shalt  }
0x4e: {  	_ =	shalt  }
0x4f: {  	_ =	shalt  }
0x50: {  	_ =	shalt  }
0x51: {  	_ =	shalt  }
0x52: {  	_ =	shalt  }
0x53: {  	_ =	shalt  }
0x54: {  	_ =	shalt  }
0x55: {  	_ =	shalt  }
0x56: {  	_ =	shalt  }
0x57: {  	_ =	shalt  }
0x58: {  	_ =	shalt  }
0x59: {  	_ =	shalt  }
0x5a: {  	_ =	shalt  }
0x5b: {  	_ =	shalt  }
0x5c: {  	_ =	shalt  }
0x5d: {  	_ =	shalt  }
0x5e: {  	_ =	shalt  }
0x5f: {  	_ =	shalt  }
0x60: {  	_ =	shalt  }
0x61: {  	_ =	shalt  }
0x62: {  	_ =	shalt  }
0x63: {  	_ =	shalt  }
0x64: {  	_ =	shalt  }
0x65: {  	_ =	shalt  }
0x66: {  	_ =	shalt  }
0x67: {  	_ =	shalt  }
0x68: {  	_ =	shalt  }
0x69: {  	_ =	shalt  }
0x6a: {  	_ =	shalt  }
0x6b: {  	_ =	shalt  }
0x6c: {  	_ =	shalt  }
0x6d: {  	_ =	shalt  }
0x6e: {  	_ =	shalt  }
0x6f: {  	_ =	shalt  }
0x70: {  	_ =	shalt  }
0x71: {  	_ =	shalt  }
0x72: {  	_ =	shalt  }
0x73: {  	_ =	shalt  }
0x74: {  	_ =	shalt  }
0x75: {  	_ =	shalt  }
0x76: {  	_ =	shalt  }
0x77: {  	_ =	shalt  }
0x78: {  	_ =	shalt  }
0x79: {  	_ =	shalt  }
0x7a: {  	_ =	shalt  }
0x7b: {  	_ =	shalt  }
0x7c: {  	_ =	shalt  }
0x7d: {  	_ =	shalt  }
0x7e: {  	_ =	shalt  }
0x7f: {  	_ =	shalt  }
0x80: {  	_ =	shalt  }
0x81: {  	_ =	shalt  }
0x82: {  	_ =	shalt  }
0x83: {  	_ =	shalt  }
0x84: {  	_ =	shalt  }
0x85: {  	_ =	shalt  }
0x86: {  	_ =	shalt  }
0x87: {  	_ =	shalt  }
.Lfunc_end0:
.L_simem_size_0:
called_computation_lowered:
.L_overlay_start_0:
0x88: {  	s2 =	sld [smem:$0x3FD9]  }
0x89: {  	s3 =	sld [smem:$0x3FFE];
	_ =	sdelay $0x1  }
0x8a: {  	s1 =	srdreg.scid  }
0x8b: {  	s0 =	sand.u32 $0x1, s1  }
0x8c: {  	s18 =	sshll.u32 s0, $0xA;
	s2 =	sadd.s32 s3, s2  }
0x8d: {  	s2 =	sadd.s32 s2, s18  }
0x8e: {  	[smem:$0x3FC7] =	sst s2  }
0x8f: {  	_ = 	snop  }
0x90: {  	s2 =	sld [smem:$0x3FD0];
	(tm) =	ssettm $0x1  }
0x91: {  	s19 =	sld [smem:$0x3FFB];
	_ =	sdelay $0x3  }
0x92: {  	_ =	strace s19  }
0x93: {  	s3 =	sld [smem:$0x3FFC];
	_ =	sdelay $0x3  }
0x94: {  	_ =	strace s3  }
0x95: {  	s3 =	sld [smem:$0x3FFD];
	_ =	sdelay $0x3  }
0x96: {  	_ =	strace s3  }
0x97: {  	_ =	strace $0x8FFFFFFF  }
0x98: {  	s20 =	sld [smem:$0x3FDB];
	_ =	sdelay $0x1  }
0x99: {  	s4 =	simm.s32 $_scs_section_size  }
0x9a: {  	s5 =	simm.s32 $_size__tile_overlayer_lowered;
	s6 =	simm.s32 $_tile_overlayer_lowered  }
0x9b: {  	s23 =	simm.s32 $0x1BFF;
	s22 =	sshll.u32 s6, $0x1;
	s3 =	sadd.s32 s4, s20  }
0x9c: {  	s7 =	simm.s32 $0x0;
	s21 =	sshll.u32 s5, $0x1;
	s5 =	sadd.s32 s22, s3  }
0x9d: {  	[timem:s7], [sflag:s23] =	dma.local [hbm:s5], s21  }
0x9e: {  	_ =	swait.ge [sflag:s23], s21  }
0x9f: {  	s4 =	ssub.s32 $0x0, s21;
	[sflag:s23] =	ssyncset.done $0x0  }
0xa0: {  	[sflag:s23] =	ssyncadd.s32 s4;
	_ =	sdelay $0x1  }
0xa1: {  	s24 =	simm.s32 $0x1B8B  }
0xa2: {  	_ =	swait.ge [sflag:s24], $0x1  }
0xa3: {  	[sflag:s24] =	ssyncset.done $0x0  }
0xa4: {  	s25 =	simm.s32 $0x1B8E;
	[sflag:s24] =	ssyncadd.s32 $0xFFFFFFFF  }
0xa5: {  	s26 =	simm.s32 $execute0_lowered;
	[smem:$0x3FD2] =	sst s25  }
0xa6: {  	s4 =	sshll.u32 s26, $0x1;
	_ =	strace $0x80000046;
	[dreg:$0x1] =	wrdreg $0xFFFFFFFF  }
0xa7: {  	s28 =	simm.s32 $_size_execute0_lowered;
	s3 =	sadd.s32 s3, s4;
	[dreg:$0x0] =	wrdreg $0x0  }
0xa8: {  	s4 =	sshll.u32 s28, $0x1;
	[dreg:$0x2] =	wrdreg s3  }
0xa9: {  	[dreg:$0x3] =	wrdreg s4  }
0xaa: {  	[dreg:$0x4] =	wrdreg $0xC0  }
0xab: {  	_ =	task [dreg:s7], $0x5FFFF  }
0xac: {  	[dreg:$0x1] =	wrdreg $0xFFFFFFFF  }
0xad: {  	[dreg:$0x0] =	wrdreg $0x60  }
0xae: {  	[dreg:$0x2] =	wrdreg s2  }
0xaf: {  	[dreg:$0x3] =	wrdreg $0x9  }
0xb0: {  	_ =	task.clear_ibuf [dreg:s7], $0x4FFFF;
	_ =	strace $0x90000046  }
0xb1: {  	s29 =	simm.s32 $0x9;
	_ =	strace $0x80000048  }
0xb2: {  	_ =	swait.ge [sflag:s29], $0x1  }
0xb3: {  	[sflag:s29] =	ssyncadd.s32 $0xFFFFFFFF  }
0xb4: {  	_ =	strace $0x90000048  }
0xb5: {  	_ =	sfence  }
0xb6: {  	s30 =	sld [smem:$0x0];
	_ =	sdelay $0x2  }
0xb7: {  	s31 =	sshll.u32 s1, $0xD;
	s1 =	sshrl.u32 s1, $0x2  }
0xb8: {  	s3 =	sand.u32 $0x4000, s31;
	s1 =	sadd.s32 s1, s30  }
0xb9: {  	s0 =	sor.u32 s3, s0;
	s1 =	sshll.u32 s1, $0x11  }
0xba: {  	s0 =	sor.u32 s1, s0  }
0xbb: {  	s0 =	sadd.s32 $0x8F2B, s0  }
0xbc: {  	[sflag:s0] =	ssyncadd.remote.s32 $0x1  }
0xbd: {  	_ =	sfence.sel $0xFFFF  }
0xbe: {  	[dreg:$0x0] =	wrdreg $0xFFFFFFFF;
	(pc) =	sbr.abs _section_cstart, $3  }
0xbf: {  	[dreg:$0x1] =	wrdreg $0xFFFFFFFF  }
0xc0: {  	_ =	task.clear_ibuf [dreg:s7], $0x2FFFF;
	_ =	strace $0x9FFFFFFF  }
0xc1: {  	(tm) =	ssettm $0x7FFFFFFF  }
tec
execute0_lowered:
.L_overlay_start_1:
0x0: {  	(tag) =	ssettag $0x1  }
0x1: {  	s0 =	srdreg.scid;
	s2 =	stileid.u32  }
0x2: {  	s1 =	sand.u32 $0x1, s0;
	s17 =	sshll.u32 s2, $0x1  }
0x3: {  	s2 =	sor.u32 s1, s17  }
0x4: {  	s0 =	smul.u32 $0x3580, s2  }
0x5: {  	s4 =	simm.s32 $0x35A8;
	s1 =	ssub.s32 $0x2, s1;
	s3 =	smul.u32 $0x3600, s2  }
0x6: {  	p0 =	slt.u32 s2, $0x15;
	p1 =	seq.s32 s2, $0x1F;
	s18 =	sshrl.u32 s1, $0x1  }
0x7: {  	s4 =	simm.s32 @!p1 $0x3580;
	[dreg:$0x12] =	wrdreg s3;
	s0 =	sadd.s32 $0xA80, s0  }
0x8: {  	s1 =	ssub.s32 s1, s18;
	[dreg:$0x14] =	wrdreg s0;
	s0 =	smov.u32 @p0 s3  }
0x9: {  	s4 =	simm.s32 @p0 $0x3600;
	[dreg:$0x13] =	wrdreg s1;
	s3 =	ssub.s32 $0x3762E, s0  }
0xa: {  	s21 =	smov.u32 s4;
	s1 =	ssub.s32 $0x4CCF, s0;
	p0 =	slt.s32 s3, s4  }
0xb: {  	s21 =	smov.u32 @p0 s3;
	p0 =	slt.s32 s1, s4;
	s3 =	smov.u32 s4  }
0xc: {  	[dreg:$0x2] =	wrdreg s2;
	s2 =	ssub.s32 $0x12F8E, s0;
	s3 =	smov.u32 @p0 s1  }
0xd: {  	p0 =	slt.s32 s2, s4;
	s6 =	smov.u32 s3;
	s3 =	smov.u32 s4  }
0xe: {  	s1 =	ssub.s32 $0x62564, s0;
	s3 =	smov.u32 @p0 s2  }
0xf: {  	p0 =	slt.s32 s1, s4;
	[dreg:$0x19] =	wrdreg s3;
	s3 =	smov.u32 s4  }
0x10: {  	s2 =	ssub.s32 $0x68894, s0;
	s3 =	smov.u32 @p0 s1  }
0x11: {  	p0 =	slt.s32 s2, s4;
	[dreg:$0x1b] =	wrdreg s3;
	s3 =	smov.u32 s4  }
0x12: {  	s1 =	ssub.s32 $0x3ADBC, s0;
	s3 =	smov.u32 @p0 s2  }
0x13: {  	p0 =	slt.s32 s1, s4;
	[dreg:$0x1c] =	wrdreg s3;
	s3 =	smov.u32 s4  }
0x14: {  	s2 =	ssub.s32 $0x1E97E, s0;
	s3 =	smov.u32 @p0 s1  }
0x15: {  	p0 =	slt.s32 s2, s4;
	[dreg:$0x1e] =	wrdreg s3;
	s3 =	smov.u32 s4  }
0x16: {  	s14 =	smov.u32 s4;
	s1 =	ssub.s32 $0x3C196, s0;
	s3 =	smov.u32 @p0 s2  }
0x17: {  	p0 =	slt.s32 s1, s4;
	[smem:$0x7D6] =	sst s3;
	s3 =	smov.u32 s4  }
0x18: {  	s23 =	smov.u32 s4;
	s2 =	ssub.s32 $0x4EC9D, s0;
	s3 =	smov.u32 @p0 s1  }
0x19: {  	p0 =	slt.s32 s2, s4;
	[dreg:$0x1f] =	wrdreg s3;
	s3 =	smov.u32 s4  }
0x1a: {  	s7 =	ssub.s32 $0x4C06B, s0;
	s1 =	ssub.s32 $0x9DDB, s0;
	s3 =	smov.u32 @p0 s2  }
0x1b: {  	p0 =	slt.s32 s1, s4;
	[smem:$0x7DA] =	sst s3;
	s3 =	smov.u32 s4  }
0x1c: {  	s9 =	ssub.s32 $0x5B277, s0;
	s2 =	ssub.s32 $0x3A5B2, s0;
	s3 =	smov.u32 @p0 s1  }
0x1d: {  	p0 =	slt.s32 s2, s4;
	[smem:$0x7DC] =	sst s3;
	s3 =	smov.u32 s4  }
0x1e: {  	s10 =	ssub.s32 $0x21BA4, s0;
	s1 =	ssub.s32 $0x34001, s0;
	s3 =	smov.u32 @p0 s2  }
0x1f: {  	p0 =	slt.s32 s1, s4;
	[smem:$0x7DE] =	sst s3;
	s3 =	smov.u32 s4  }
0x20: {  	s19 =	ssub.s32 $0x6B5DF, s0;
	s2 =	ssub.s32 $0x3888, s0;
	s3 =	smov.u32 @p0 s1  }
0x21: {  	p0 =	slt.s32 s2, s4;
	[smem:$0x7E0] =	sst s3;
	s3 =	smov.u32 s4  }
0x22: {  	s12 =	ssub.s32 $0x36A95, s0;
	s1 =	ssub.s32 $0x45E5E, s0;
	s3 =	smov.u32 @p0 s2  }
0x23: {  	p0 =	slt.s32 s1, s4;
	s2 =	smov.u32 s4;
	[smem:$0x7E2] =	sst s3  }
0x24: {  	s3 =	ssub.s32 $0x526DC, s0;
	s2 =	smov.u32 @p0 s1;
	s1 =	ssub.s32 $0x2984A, s0  }
0x25: {  	[smem:$0x7E5] =	sst s2;
	p0 =	slt.s32 s3, s4;
	s2 =	smov.u32 s4  }
0x26: {  	s11 =	ssub.s32 $0x6199A, s0;
	s2 =	smov.u32 @p0 s3;
	p0 =	slt.s32 s1, s4  }
0x27: {  	s3 =	ssub.s32 $0x46644, s0;
	[smem:$0x7E7] =	sst s2;
	s2 =	smov.u32 s4  }
0x28: {  	s2 =	smov.u32 @p0 s1;
	p0 =	slt.s32 s3, s4;
	s1 =	smov.u32 s4  }
0x29: {  	s1 =	smov.u32 @p0 s3;
	p0 =	slt.s32 s7, s4;
	s3 =	ssub.s32 $0xF5F2, s0  }
0x2a: {  	[smem:$0x7ED] =	sst s1;
	s14 =	smov.u32 @p0 s7;
	p0 =	slt.s32 s3, s4  }
0x2b: {  	s1 =	smov.u32 s4;
	s23 =	smov.u32 @p0 s3;
	p0 =	slt.s32 s9, s4  }
0x2c: {  	s8 =	ssub.s32 $0x67D74, s0;
	s5 =	ssub.s32 $0x3A236, s0;
	s1 =	smov.u32 @p0 s9  }
0x2d: {  	p0 =	slt.s32 s10, s4;
	[smem:$0x7F1] =	sst s1;
	s1 =	smov.u32 s4  }
0x2e: {  	s13 =	ssub.s32 $0x1D946, s0;
	s9 =	ssub.s32 $0x4D8E2, s0;
	s1 =	smov.u32 @p0 s10  }
0x2f: {  	p0 =	slt.s32 s9, s4;
	[smem:$0x7F2] =	sst s1;
	s1 =	smov.u32 s4  }
0x30: {  	s15 =	ssub.s32 $0x4AF, s0;
	s10 =	ssub.s32 $0x64939, s0;
	s1 =	smov.u32 @p0 s9  }
0x31: {  	p0 =	slt.s32 s10, s4;
	[dreg:$0x1d] =	wrdreg s1;
	s1 =	smov.u32 s4  }
0x32: {  	s16 =	ssub.s32 $0x9969, s0;
	s9 =	ssub.s32 $0x48947, s0;
	s1 =	smov.u32 @p0 s10  }
0x33: {  	p0 =	slt.s32 s9, s4;
	[dreg:$0x18] =	wrdreg s1;
	s1 =	smov.u32 s4  }
0x34: {  	s24 =	ssub.s32 $0x51B99, s0;
	s10 =	ssub.s32 $0x22E50, s0;
	s1 =	smov.u32 @p0 s9  }
0x35: {  	p0 =	slt.s32 s10, s4;
	[dreg:$0x1a] =	wrdreg s1;
	s1 =	smov.u32 s4  }
0x36: {  	s29 =	ssub.s32 $0x4B406, s0;
	s9 =	ssub.s32 $0x36A5B, s0;
	s1 =	smov.u32 @p0 s10  }
0x37: {  	p0 =	slt.s32 s9, s4;
	[dreg:$0x17] =	wrdreg s1;
	s1 =	smov.u32 s4  }
0x38: {  	s20 =	smin.u32 s19, s4;
	s10 =	ssub.s32 $0x2AAD8, s0;
	s1 =	smov.u32 @p0 s9  }
0x39: {  	p0 =	slt.s32 s10, s4;
	[dreg:$0x16] =	wrdreg s1;
	s1 =	smov.u32 s4  }
0x3a: {  	[smem:$0x7E9] =	sst s20;
	s9 =	ssub.s32 $0x1D215, s0;
	s1 =	smov.u32 @p0 s10  }
0x3b: {  	p0 =	slt.s32 s9, s4;
	[dreg:$0x15] =	wrdreg s1;
	s1 =	smov.u32 s4  }
0x3c: {  	s20 =	ssub.s32 $0x308F, s0;
	s10 =	ssub.s32 $0x4365B, s0;
	s1 =	smov.u32 @p0 s9  }
0x3d: {  	p0 =	slt.s32 s10, s4;
	s9 =	ssub.s32 $0x4651, s0;
	[dreg:$0x4] =	wrdreg s1  }
0x3e: {  	s4 =	smov.u32 @p0 s10;
	p0 =	sgt.s32 s12, $0x0;
	p1 =	sgt.s32 s9, $0x0  }
0x3f: {  	s10 =	ssub.s32 $0x12D94, s0;
	s1 =	ssub.s32 $0x3B292, s0;
	s12 =	simm.s32 @!p0 $0x0  }
0x40: {  	s9 =	simm.s32 @!p1 $0x0;
	p0 =	sgt.s32 s10, $0x0;
	p1 =	sgt.s32 s8, $0x0  }
0x41: {  	s10 =	simm.s32 @!p0 $0x0;
	p0 =	sgt.s32 s11, $0x0;
	s8 =	simm.s32 @!p1 $0x0  }
0x42: {  	p1 =	sgt.s32 s15, $0x0;
	s11 =	simm.s32 @!p0 $0x0;
	p0 =	sgt.s32 s5, $0x0  }
0x43: {  	s15 =	simm.s32 @!p1 $0x0;
	p1 =	sgt.s32 s16, $0x0;
	s5 =	simm.s32 @!p0 $0x0  }
0x44: {  	p0 =	sgt.s32 s13, $0x0;
	s16 =	simm.s32 @!p1 $0x0;
	p1 =	sgt.s32 s20, $0x0  }
0x45: {  	s13 =	simm.s32 @!p0 $0x0;
	s20 =	simm.s32 @!p1 $0x0;
	p1 =	sgt.s32 s24, $0x0  }
0x46: {  	p0 =	sgt.s32 s1, $0x0;
	s24 =	simm.s32 @!p1 $0x0;
	p1 =	sgt.s32 s29, $0x0  }
0x47: {  	s1 =	simm.s32 @!p0 $0x0;
	s29 =	simm.s32 @!p1 $0x0;
	p1 =	sge.s32 s12, s21  }
0x48: {  	s31 =	smov.u32 s1;
	[smem:$0x7F9] =	sst s1;
	s1 =	simm.s32 @!p1 $0x0  }
0x49: {  	s1 =	simm.s32 @p1 $0x1;
	p1 =	sge.s32 s9, s6  }
0x4a: {  	[smem:$0x7EB] =	sst s2;
	s2 =	simm.s32 @!p1 $0x0  }
0x4b: {  	s2 =	simm.s32 @p1 $0x1  }
0x4c: {  	[smem:$0x7D1] =	sst s2  }
0x4d: {  	s2 =	rddreg [dreg:$0x19]  }
0x4e: {  	p1 =	sge.s32 s10, s2  }
0x4f: {  	s3 =	simm.s32 @!p1 $0x0  }
0x50: {  	s3 =	simm.s32 @p1 $0x1  }
0x51: {  	[smem:$0x7D2] =	sst s3  }
0x52: {  	s3 =	rddreg [dreg:$0x1b]  }
0x53: {  	p1 =	sge.s32 s11, s3  }
0x54: {  	[smem:$0x7D0] =	sst s1;
	s1 =	smov.u32 s6;
	s6 =	simm.s32 @!p1 $0x0  }
0x55: {  	s6 =	simm.s32 @p1 $0x1  }
0x56: {  	[smem:$0x7D3] =	sst s6  }
0x57: {  	s6 =	rddreg [dreg:$0x1c]  }
0x58: {  	p1 =	sge.s32 s8, s6  }
0x59: {  	v25 =	vmov s21;
	s21 =	rddreg [dreg:$0x1e];
	s7 =	simm.s32 @!p1 $0x0  }
0x5a: {  	s7 =	simm.s32 @p1 $0x1;
	p1 =	sge.s32 s5, s21  }
0x5b: {  	[smem:$0x7F8] =	sst s5;
	s5 =	simm.s32 @!p1 $0x0  }
0x5c: {  	s5 =	simm.s32 @p1 $0x1  }
0x5d: {  	[smem:$0x7D5] =	sst s5  }
0x5e: {  	s5 =	sld [smem:$0x7D6];
	_ =	sdelay $0x2  }
0x5f: {  	p1 =	sge.s32 s13, s5  }
0x60: {  	[smem:$0x7D4] =	sst s7;
	s7 =	simm.s32 @!p1 $0x0  }
0x61: {  	s17 =	ssub.s32 $0x4DF09, s0;
	s7 =	simm.s32 @p1 $0x1  }
0x62: {  	s18 =	ssub.s32 $0x3A3A2, s0;
	[smem:$0x7D7] =	sst s7;
	s7 =	ssub.s32 $0x10CE, s0  }
0x63: {  	s19 =	ssub.s32 $0x339A3, s0;
	v21 =	vmov s2;
	s2 =	rddreg [dreg:$0x1f];
	p1 =	sge.s32 s15, s7  }
0x64: {  	p0 =	sgt.s32 s17, $0x0;
	v26 =	vmov s1;
	v29 =	vmov s3;
	s3 =	sld [smem:$0x7DA];
	s1 =	simm.s32 @!p1 $0x0  }
0x65: {  	v33 =	vmov s5;
	s5 =	sld [smem:$0x7DC];
	s1 =	simm.s32 @p1 $0x1;
	p1 =	sge.s32 s31, s2  }
0x66: {  	s17 =	simm.s32 @!p0 $0x0;
	[smem:$0x7D8] =	sst s1;
	s1 =	simm.s32 @!p1 $0x0  }
0x67: {  	v0 =	vmov s6;
	s6 =	sld [smem:$0x7DE];
	s1 =	simm.s32 @p1 $0x1;
	p1 =	sge.s32 s17, s3  }
0x68: {  	p0 =	sgt.s32 s18, $0x0;
	[smem:$0x7D9] =	sst s1;
	s1 =	simm.s32 @!p1 $0x0  }
0x69: {  	v30 =	vmov s21;
	s21 =	sld [smem:$0x7E0];
	s1 =	simm.s32 @p1 $0x1;
	p1 =	sge.s32 s16, s5  }
0x6a: {  	s18 =	simm.s32 @!p0 $0x0;
	[smem:$0x7DB] =	sst s1;
	s1 =	simm.s32 @!p1 $0x0  }
0x6b: {  	p0 =	sgt.s32 s19, $0x0;
	s1 =	simm.s32 @p1 $0x1;
	p1 =	sge.s32 s18, s6  }
0x6c: {  	s19 =	simm.s32 @!p0 $0x0;
	[smem:$0x7DD] =	sst s1;
	s1 =	simm.s32 @!p1 $0x0  }
0x6d: {  	s1 =	simm.s32 @p1 $0x1;
	p1 =	sge.s32 s19, s21  }
0x6e: {  	[tilespmem:$0x1FD40] =	vst v0;
	v0 =	vmov s3;
	s3 =	simm.s32 @!p1 $0x0  }
0x6f: {  	s3 =	simm.s32 @p1 $0x1  }
0x70: {  	[smem:$0x7E1] =	sst s3  }
0x71: {  	s3 =	sld [smem:$0x7E2]  }
0x72: {  	s22 =	ssub.s32 $0xE3D, s0  }
0x73: {  	s25 =	ssub.s32 $0x4547F, s0;
	p0 =	sgt.s32 s22, $0x0  }
0x74: {  	s22 =	simm.s32 @!p0 $0x0;
	v27 =	vmov s21;
	s21 =	sld [smem:$0x7E5];
	p1 =	sge.s32 s20, s3  }
0x75: {  	v31 =	vmov s7;
	[smem:$0x7DF] =	sst s1;
	s1 =	ssub.s32 $0x11E3, s0;
	s7 =	simm.s32 @!p1 $0x0  }
0x76: {  	p0 =	sgt.s32 s25, $0x0;
	s7 =	simm.s32 @p1 $0x1;
	p1 =	sge.s32 s22, s1  }
0x77: {  	s25 =	simm.s32 @!p0 $0x0;
	[smem:$0x7E3] =	sst s7;
	s7 =	simm.s32 @!p1 $0x0  }
0x78: {  	s7 =	simm.s32 @p1 $0x1;
	p1 =	sge.s32 s25, s21  }
0x79: {  	v32 =	vmov s5;
	s5 =	simm.s32 @!p1 $0x0  }
0x7a: {  	s5 =	simm.s32 @p1 $0x1  }
0x7b: {  	s26 =	ssub.s32 $0x2875D, s0;
	[smem:$0x7E6] =	sst s5  }
0x7c: {  	s28 =	ssub.s32 $0x455D1, s0;
	p0 =	sgt.s32 s26, $0x0;
	s5 =	sld [smem:$0x7E7]  }
0x7d: {  	s26 =	simm.s32 @!p0 $0x0;
	p0 =	sgt.s32 s28, $0x0;
	[tilespmem:$0x1FD50] =	vst v0;
	v0 =	vmov s6  }
0x7e: {  	s30 =	ssub.s32 $0xE6A8, s0;
	s28 =	simm.s32 @!p0 $0x0;
	[tilespmem:$0x1FD60] =	vst v0;
	v0 =	vmov s3;
	s3 =	sld [smem:$0x7E9]  }
0x7f: {  	p0 =	sgt.s32 s30, $0x0;
	[tilespmem:$0x1FD70] =	vst v0;
	v0 =	vmov s21;
	s21 =	sld [smem:$0x7EB];
	p1 =	sge.s32 s24, s5  }
0x80: {  	[smem:$0x7E4] =	sst s7;
	s7 =	ssub.s32 $0x6AD01, s0;
	s6 =	simm.s32 @!p1 $0x0  }
0x81: {  	[smem:$0x7FB] =	sst s7;
	s6 =	simm.s32 @p1 $0x1;
	p1 =	sge.u32 s7, s3  }
0x82: {  	s30 =	simm.s32 @!p0 $0x0;
	v28 =	vmov s1;
	s7 =	sld [smem:$0x7ED];
	s1 =	simm.s32 @!p1 $0x0  }
0x83: {  	p0 =	sge.s32 s30, s23;
	s1 =	simm.s32 @p1 $0x1;
	p1 =	sge.s32 s26, s21  }
0x84: {  	[smem:$0x7FA] =	sst s8;
	v24 =	vmov s2;
	[tilespmem:$0x1FD80] =	vst v0;
	v0 =	vmov s3;
	v34 =	vmov s5;
	s5 =	simm.s32 @!p0 $0x0;
	s2 =	simm.s32 @!p1 $0x0  }
0x85: {  	[tilespmem:$0x1FD90] =	vst v0;
	v0 =	vmov s7;
	s2 =	simm.s32 @p1 $0x1;
	p1 =	sge.s32 s28, s7;
	s7 =	sld [smem:$0x7F1]  }
0x86: {  	s31 =	sld [smem:$0x7F8];
	s5 =	simm.s32 @p0 $0x1  }
0x87: {  	s3 =	ssub.s32 $0x5A58F, s0;
	[smem:$0x7F0] =	sst s5;
	[tilespmem:$0x1FDA0] =	vst v0;
	v0 =	vmov s23  }
0x88: {  	v39 =	vmov s10;
	s10 =	sand.u32 $0x7FFFFF90, s10;
	[smem:$0x7E8] =	sst s6;
	p0 =	sgt.s32 s3, $0x0;
	[tilespmem:$0x1FDB0] =	vst v0;
	v0 =	vmov s7  }
0x89: {  	v11 =	vmov s0;
	v42 =	vmov s8;
	s8 =	ssub.s32 $0x228A5, s0;
	s3 =	simm.s32 @!p0 $0x0;
	[smem:$0x7EA] =	sst s1;
	[tilespmem:$0x1FDC0] =	vst v0;
	v0 =	vmov s9  }
0x8a: {  	s5 =	ssub.s32 $0x4CFA1, s0;
	[smem:$0x7FC] =	sst s3;
	s6 =	simm.s32 @!p1 $0x0;
	[tilespmem:$0x1FDD0] =	vst v0;
	v0 =	vadd.s32 $0xFFFED26C, v11  }
0x8b: {  	s23 =	rddreg [dreg:$0x1d];
	s6 =	simm.s32 @p1 $0x1;
	p1 =	sge.s32 s29, s14;
	v0 =	vbroadcast v0, $0x0  }
0x8c: {  	v36 =	vmov s14;
	v35 =	vmov s21;
	s21 =	ssub.s32 $0x21419, s0;
	s14 =	sld [smem:$0x7F2];
	s1 =	simm.s32 @!p1 $0x0  }
0x8d: {  	p0 =	sge.s32 s3, s7;
	s1 =	simm.s32 @p1 $0x1;
	p1 =	sgt.s32 s21, $0x0;
	[tilespmem:$0x1FDE0] =	vst v0;
	v0 =	vadd.s32 $0xFFF9E666, v11  }
0x8e: {  	[smem:$0x7EF] =	sst s1;
	s21 =	simm.s32 @!p1 $0x0;
	s1 =	simm.s32 @!p0 $0x0;
	v0 =	vbroadcast v0, $0x0  }
0x8f: {  	[smem:$0x7EC] =	sst s2;
	s1 =	simm.s32 @p0 $0x1;
	p0 =	sge.s32 s21, s14  }
0x90: {  	s2 =	sand.u32 $0x3FFFFFA0, s15;
	[smem:$0x7F3] =	sst s1;
	s1 =	simm.s32 @!p0 $0x0;
	[tilespmem:$0x1FE00] =	vst v0;
	v0 =	vadd.s32 $0xFFF9828C, v11  }
0x91: {  	v22 =	vmov s2;
	s2 =	rddreg [dreg:$0x18];
	s1 =	simm.s32 @p0 $0x1;
	p0 =	sgt.s32 s5, $0x0;
	v0 =	vbroadcast v0, $0x0  }
0x92: {  	v46 =	vmov s15;
	s15 =	sand.u32 $0x7FFFFFA0, s15;
	[smem:$0x7EE] =	sst s6;
	s5 =	simm.s32 @!p0 $0x0  }
0x93: {  	s6 =	sand.u32 $0x3FFFFFB0, s22;
	s3 =	ssub.s32 $0x6465F, s0;
	p0 =	sge.s32 s5, s23;
	[tilespmem:$0x1FE20] =	vst v0;
	v0 =	vadd.s32 $0xFFFC5DCA, v11  }
0x94: {  	v40 =	vmov s23;
	[smem:$0x7F4] =	sst s1;
	s23 =	simm.s32 $0x0;
	s1 =	simm.s32 @!p0 $0x0;
	v0 =	vbroadcast v0, $0x0  }
0x95: {  	[smem:$0x7FF] =	sst s23;
	s1 =	simm.s32 @p0 $0x1;
	p0 =	sgt.s32 s3, $0x0  }
0x96: {  	v1 =	vmov s11;
	v38 =	vmov s14;
	s14 =	ssub.s32 $0x48202, s0;
	s23 =	sld [smem:$0x7F9];
	s3 =	simm.s32 @!p0 $0x0;
	[tilespmem:$0x1FE30] =	vst v0;
	v0 =	vadd.s32 $0xFFFE26BA, v11  }
0x97: {  	[tilespmem:$0x1FDF0] =	vst v1;
	v1 =	vmov s2;
	v23 =	vmov s6;
	s6 =	rddreg [dreg:$0x1a];
	p1 =	sgt.s32 s14, $0x0;
	p0 =	sge.s32 s3, s2;
	v0 =	vbroadcast v0, $0x0  }
0x98: {  	[tilespmem:$0x1FE10] =	vst v1;
	s14 =	simm.s32 @!p1 $0x0;
	[smem:$0x7F5] =	sst s1;
	s1 =	simm.s32 @!p0 $0x0  }
0x99: {  	s7 =	rddreg [dreg:$0x17];
	s1 =	simm.s32 @p0 $0x1;
	p0 =	sge.s32 s14, s6;
	[tilespmem:$0x1FE50] =	vst v0;
	v0 =	vmov s23  }
0x9a: {  	v53 =	vmov s22;
	s22 =	sand.u32 $0x7FFFFFB0, s22;
	v1 =	vmov s13;
	[smem:$0x7F6] =	sst s1;
	s1 =	simm.s32 @!p0 $0x0;
	[tilespmem:$0x1FE60] =	vst v0;
	v0 =	vadd.s32 $0xFFFB20F7, v11  }
0x9b: {  	[tilespmem:$0x1FE40] =	vst v1;
	v1 =	vmov s17;
	s2 =	ssub.s32 $0x35F6C, s0;
	s1 =	simm.s32 @p0 $0x1;
	p0 =	sgt.s32 s8, $0x0;
	v0 =	vbroadcast v0, $0x0  }
0x9c: {  	v41 =	vmov s6;
	[tilespmem:$0x1FE70] =	vst v1;
	s6 =	ssub.s32 $0x1C28F, s0;
	[smem:$0x7F7] =	sst s1;
	s8 =	simm.s32 @!p0 $0x0  }
0x9d: {  	v44 =	vmov s7;
	p2 =	sgt.s32 s6, $0x0;
	p6 =	sge.s32 s8, s7;
	s7 =	rddreg [dreg:$0x16];
	[tilespmem:$0x1FE80] =	vst v0  }
0x9e: {  	s6 =	simm.s32 @!p2 $0x0;
	_ =	strace $0x80000047;
	[dreg:$0x9] =	wrdreg s10  }
0x9f: {  	s9 =	sand.u32 $0x7FFFFFD0, s9;
	p0 =	sgt.s32 s2, $0x0;
	[dreg:$0x8] =	wrdreg s6  }
0xa0: {  	s1 =	ssub.s32 $0x29D54, s0;
	s2 =	simm.s32 @!p0 $0x0;
	[dreg:$0xb] =	wrdreg s15  }
0xa1: {  	p1 =	sgt.s32 s1, $0x0;
	p0 =	sge.s32 s2, s7;
	[dreg:$0xc] =	wrdreg s22  }
0xa2: {  	v8 =	vadd.s32 $0xFFF9B9A1, v11;
	v12 =	vadd.s32 $0xFFFB7DFE, v11;
	v45 =	vmov s7;
	s1 =	simm.s32 @!p1 $0x0;
	s7 =	sand.u32 $0x7FFFFF90, s12;
	[dreg:$0x3] =	wrdreg s4;
	[tilespmem:$0x1FE90] =	vst v25  }
0xa3: {  	v13 =	vadd.s32 $0xFFFDD75B, v11;
	v37 =	vmov s12;
	s15 =	sand.u32 $0x7FFFFF80, s17;
	s17 =	sand.u32 $0x7FFFFFA0, s18;
	[tilespmem:$0x1FEA0] =	vst v26;
	s12 =	rddreg [dreg:$0x15]  }
0xa4: {  	v52 =	vmov s20;
	v50 =	vmov s18;
	[tilespmem:$0x1FEB0] =	vst v33;
	s6 =	sld [smem:$0x7FB];
	v49 =	vmov s12;
	p1 =	sge.s32 s1, s12;
	s12 =	simm.s32 $0x0  }
0xa5: {  	v51 =	vmov s19;
	v55 =	vmov s25;
	v1 =	vadd.s32 $0xFFFBAA2F, v11;
	s18 =	sand.u32 $0x7FFFFFA0, s19;
	s19 =	sand.u32 $0x7FFFFF80, s20;
	[tilespmem:$0x1FEC0] =	vst v24;
	[dreg:$0x5] =	wrdreg s12  }
0xa6: {  	v43 =	vmov s31;
	v4 =	vmov s21;
	v59 =	vbroadcast v1, $0x0;
	s20 =	sand.u32 $0x7FFFFFB0, s31;
	[tilespmem:$0x1FED0] =	vst v27;
	s12 =	sld [smem:$0x7FA]  }
0xa7: {  	v1 =	vadd.s32 $0xFFFB305F, v11;
	v9 =	vmov s14;
	v0 =	vadd.s32 $0xFFFF6697, v11;
	s31 =	sand.u32 $0x7FFFFF90, s21;
	[tilespmem:$0x1FEE0] =	vst v41;
	s21 =	sld [smem:$0x7FC]  }
0xa8: {  	v7 =	vmov s3;
	v48 =	vbroadcast v0, $0x0;
	v0 =	vadd.s32 $0xFFFFF1C3, v11;
	s10 =	sand.u32 $0x7FFFFF90, s11;
	s22 =	sand.u32 $0x7FFFFFF0, s25;
	[tilespmem:$0x1FEF0] =	vst v45;
	[dreg:$0x6] =	wrdreg s7  }
0xa9: {  	v10 =	vmov s8;
	[tilespmem:$0x1FF00] =	vst v21;
	v54 =	vbroadcast v0, $0x0;
	v0 =	vadd.s32 $0xFFF952FF, v11;
	s25 =	sand.u32 $0x7FF80, s6;
	s11 =	sand.u32 $0x7FFFFFF0, s12;
	s12 =	ssub.s32 $0x42990, s0  }
0xaa: {  	[dreg:$0x7] =	wrdreg s9;
	[tilespmem:$0x1FF10] =	vst v29;
	v57 =	vbroadcast v0, $0x0;
	v0 =	vadd.s32 $0xFFFD78A3, v11;
	v6 =	vmov s21;
	s0 =	sand.u32 $0x7FFFFF80, s21;
	s21 =	sand.u32 $0x7FFFFFD0, s3  }
0xab: {  	[tilespmem:$0x1FF20] =	vst v30;
	v58 =	vbroadcast v0, $0x0;
	v0 =	vadd.s32 $0xFFFF1958, v11;
	v63 =	vmov s6;
	s6 =	rddreg [dreg:$0x14];
	s3 =	sand.u32 $0x7FFFFF80, s14;
	s14 =	sand.u32 $0x7FFFFFA0, s8  }
0xac: {  	[tilespmem:$0x1FF30] =	vst v31;
	v60 =	vbroadcast v0, $0x0;
	v0 =	vadd.s32 $0xFFFA5A71, v11;
	v11 =	vmov s2;
	s8 =	sand.u32 $0x7FFFFFE0, s2;
	s2 =	sshrl.u32 s6, $0x3;
	s6 =	rddreg [dreg:$0x0]  }
0xad: {  	v18 =	vmov s4;
	[tilespmem:$0x1FF40] =	vst v32;
	s4 =	rddreg [dreg:$0x2];
	s2 =	sadd.s32 s6, s2  }
0xae: {  	[tilespmem:$0x1FF50] =	vst v34;
	[dreg:$0xd] =	wrdreg s2  }
0xaf: {  	v47 =	vmov s16;
	v3 =	vmov s30;
	s30 =	sand.u32 $0x7FFFFFA0, s30;
	s16 =	sand.u32 $0x7FFFFFE0, s16;
	[tilespmem:$0x1FF60] =	vst v35;
	s2 =	rddreg [dreg:$0x12]  }
0xb0: {  	v56 =	vmov s24;
	s24 =	sand.u32 $0x7FFFFF90, s24;
	[tilespmem:$0x1FF70] =	vst v36;
	[dreg:$0xa] =	wrdreg s10;
	s2 =	sshrl.u32 s2, $0x3  }
0xb1: {  	v2 =	vmov s29;
	s29 =	sand.u32 $0x7FFFFF80, s29;
	[tilespmem:$0x1FF80] =	vst v37;
	[smem:$0x7FD] =	sst s11;
	s2 =	sadd.s32 s6, s2  }
0xb2: {  	s13 =	sand.u32 $0x7FFFFFC0, s13;
	[tilespmem:$0x1FF90] =	vst v38;
	s6 =	sadd.s32 $0xD0A0, s6;
	[dreg:$0xe] =	wrdreg s2  }
0xb3: {  	v62 =	vbroadcast v1, $0x0;
	v1 =	vmov s28;
	s28 =	sand.u32 $0x7FFFFFD0, s28;
	v5 =	vmov s5;
	s5 =	sand.u32 $0x7FFFFFA0, s5;
	[tilespmem:$0x1FFA0] =	vst v39;
	[dreg:$0xf] =	wrdreg s6  }
.Ltmp0:
0xb4: {  	s23 =	sand.u32 $0x7FFFFF90, s23;
	[tilespmem:$0x1FFB0] =	vst v40;
	s6 =	rddreg [dreg:$0x13];
	(pc) =	sbr.rel .LBB2_1-.Ltmp0, $4  }
0xb5: {  	v19 =	vimm.f32 $1.000000000e+00;
	v20 =	vlaneseq.u32;
	[tilespmem:$0x1FFC0] =	vst v42;
	p2 =	sgt.s32 s12, $0x0;
	s2 =	smax.u32 s6, $0x1;
	s6 =	rddreg [dreg:$0x8]  }
0xb6: {  	v8 =	vbroadcast v8, $0x0;
	v12 =	vbroadcast v12, $0x0;
	v14 =	vmov s1;
	[tilespmem:$0x1FFD0] =	vst v43;
	s1 =	sand.u32 $0x7FFFFFD0, s1;
	s12 =	simm.s32 @!p2 $0x0;
	[dreg:$0x10] =	wrdreg s2  }
0xb7: {  	v13 =	vbroadcast v13, $0x0;
	[tilespmem:$0x1FFE0] =	vst v44;
	v61 =	vbroadcast v0, $0x0;
	v0 =	vmov s26;
	p2 =	sne.s32 s4, $0x1F;
	s4 =	sadd.s32 $0xFFFFFFEB, s4;
	s2 =	rddreg [dreg:$0x4]  }
0xb8: {  	v33 =	vmovc v28;
	[tilespmem:$0x1FFF0] =	vst v46;
	s26 =	sand.u32 $0x7FFFFFD0, s26;
	v17 =	vmov s12;
	[dreg:$0x11] =	wrdreg s4;
	v15 =	vmov s6;
	v16 =	vmov s2;
	s2 =	sand.u32 $0x7FFFFF80, s6  }
.LBB2_130:
0xb9: {  	p3 =	slt.s32 s6, $0x35F0;
	v21 =	vsel vm0, $0x0, v21  }
0xba: {  	v24 =	vadd.s32 s6, v20;
	s6 =	simm.s32 @!p3 $0x35F0;
	[tilespmem:s4+$0x0] =	vst v21  }
0xbb: {  	v21 =	vld [tilespmem:s6+$0x0];
	_ =	sdelay $0x2  }
0xbc: {  	vm15 =	vge.s32 v24, v17;
	vm1 =	vlt.s32 v24, v18  }
0xbd: {  	vm0 =	vmand vm15, vm1  }
0xbe: {  	v21 =	vsel vm0, $0x0, v21  }
0xbf: {  	s7 =	rddreg [dreg:$0x6];
	v24 =	vld [tilespmem:$0x1FEC0];
	[tilespmem:s6+$0x0] =	vst v21  }
.LBB2_131:
0xc0: {  	s4 =	rddreg [dreg:$0x2]  }
0xc1: {  	s6 =	rddreg [dreg:$0x11];
	p3 =	sgt.u32 s4, $0x14  }
0xc2: {  	p4 =	sgt.u32 @p3 s6, $0x9  }
0xc3: {  	p5 =	por !p4, !p3  }
0xc4: {  	p5 =	sne.s32 @!p5 s4, $0x1F  }
0xc5: {  	p5 =	por @p3 p5, !p4  }
0xc6: {  	p5 =	por p5, !p3  }
0xc7: {  	s6 =	rddreg [dreg:$0xf];
	s4 =	simm.s32 @!p5 $0x0  }
0xc8: {  	[hbm4b:s6+s4] =	stream.linear.scatter @!p5 [tilespmem:s4], [sflag:$0x1], $0x35A8, $0x38;
	[tilespmem:$0x3600] =	vst v63  }
0xc9: {  	s4 =	simm.s32 @!p5 $0x1  }
0xca: {  	_ =	swait.ge @!p5 [sflag:s4], $0x35A8  }
0xcb: {  	p4 =	por p4, !p3;
	[sflag:s4] =	ssyncset.done @!p5 $0x0  }
0xcc: {  	s6 =	rddreg [dreg:$0xd];
	[sflag:s4] =	ssyncadd.s32 @!p5 $0xFFFFCA58;
	s4 =	simm.s32 @!p4 $0x0  }
0xcd: {  	[hbm4b:s6+s4] =	stream.linear.scatter @!p4 [tilespmem:s4], [sflag:$0x1], $0x3580, $0x38;
	[tilespmem:$0x3600] =	vst v63  }
0xce: {  	s4 =	simm.s32 @!p4 $0x1  }
0xcf: {  	_ =	swait.ge @!p4 [sflag:s4], $0x3580  }
0xd0: {  	[sflag:s4] =	ssyncset.done @!p4 $0x0  }
0xd1: {  	s6 =	rddreg [dreg:$0xe];
	[sflag:s4] =	ssyncadd.s32 @!p4 $0xFFFFCA80;
	s4 =	simm.s32 @!p3 $0x0  }
0xd2: {  	[hbm4b:s6+s4] =	stream.linear.scatter @!p3 [tilespmem:s4], [sflag:$0x1], $0x3600, $0x38;
	[tilespmem:$0x3600] =	vst v63  }
0xd3: {  	s4 =	simm.s32 @!p3 $0x1  }
0xd4: {  	_ =	swait.ge @!p3 [sflag:s4], $0x3600  }
0xd5: {  	s6 =	rddreg [dreg:$0x5];
	[sflag:s4] =	ssyncset.done @!p3 $0x0  }
0xd6: {  	s4 =	smov.u32 s7;
	s7 =	rddreg [dreg:$0x10];
	s6 =	sadd.s32 $0x1, s6  }
0xd7: {  	p4 =	sne.s32 s6, s7  }
.Ltmp1:
0xd8: {  	_ = 	snop;
	(pc) =	sbr.rel @!p4 .LBB2_132-.Ltmp1, $3  }
0xd9: {  	_ =	sdelay $0x1  }
0xda: {  	s7 =	smov.u32 s4;
	s4 =	simm.s32 @!p3 $0x1  }
0xdb: {  	[dreg:$0x5] =	wrdreg s6;
	[sflag:s4] =	ssyncadd.s32 @!p3 $0xFFFFCA00  }
.LBB2_1:
0xdc: {  	s4 =	simm.s32 $0x20  }
0xdd: {  	[tilespmem:s4+$0xFFFFFFE0] =	vst v19  }
0xde: {  	[tilespmem:s4+$0x10] =	vst v19  }
0xdf: {  	s6 =	simm.s32 $0x0;
	[tilespmem:s4+$0x0] =	vst v19  }
.LBB2_2:
0xe0: {  	s6 =	sadd.s32 $0x4, s6  }
0xe1: {  	[tilespmem:s4+$0xFFFFFFF0] =	vst v19;
	s4 =	sadd.s32 $0x40, s4;
	p3 =	slt.u32 s6, $0x35C  }
.Ltmp2:
0xe2: {  	[tilespmem:s4+$0xFFFFFFE0] =	vst v19;
	(pc) =	sbr.rel @p3 .LBB2_2-.Ltmp2, $3  }
0xe3: {  	_ =	sdelay $0x1  }
0xe4: {  	[tilespmem:s4+$0x10] =	vst v19  }
0xe5: {  	[tilespmem:s4+$0x0] =	vst v19  }
0xe6: {  	[tilespmem:s4+$0xFFFFFFF0] =	vst v19;
	s4 =	sld [smem:$0x7D0];
	_ =	sdelay $0x2  }
0xe7: {  	p3 =	seq.s32 s4, $0x1  }
.Ltmp3:
0xe8: {  	_ = 	snop;
	(pc) =	sbr.rel @p3 .LBB2_7-.Ltmp3, $3  }
0xe9: {  	_ =	sdelay $0x1  }
0xea: {  	v21 =	vimm.f32 @!p2 $1.000000000e+00  }
0xeb: {  	s6 =	simm.s32 $0x0;
	[tilespmem:$0x3598] =	vst @!p2 v21  }
0xec: {  	s4 =	sadd.s32 s6, s7  }
0xed: {  	p3 =	slt.s32 s4, $0x35F0  }
0xee: {  	v21 =	vor.u32 s4, v20;
	s4 =	simm.s32 @!p3 $0x35F0  }
0xef: {  	vm0 =	vge.u32 v21, v37;
	vm1 =	vlt.s32 v21, v25;
	v21 =	vld [tilespmem:s4+$0x0];
	_ =	sdelay $0x2  }
0xf0: {  	s9 =	smov.u32 s7;
	s7 =	sadd.s32 $0x10, s6  }
0xf1: {  	s6 =	sadd.s32 s7, s9;
	s7 =	sadd.s32 $0x10, s7;
	vm0 =	vmand vm0, vm1  }
.LBB2_5:
0xf2: {  	p3 =	sne.s32 s7, $0xBA0;
	p4 =	slt.s32 s6, $0x35F0;
	v21 =	vsel vm0, $0x0, v21  }
0xf3: {  	[tilespmem:s4+$0x0] =	vst v21;
	s4 =	smov.u32 s6  }
0xf4: {  	s4 =	simm.s32 @!p4 $0x35F0  }
.Ltmp4:
0xf5: {  	v21 =	vld [tilespmem:s4+$0x0];
	(pc) =	sbr.rel @p3 .LBB2_5-.Ltmp4, $4  }
0xf6: {  	_ = 	snop  }
0xf7: {  	v24 =	vor.u32 s6, v20  }
0xf8: {  	vm0 =	vge.u32 v24, v37;
	vm1 =	vlt.s32 v24, v25  }
0xf9: {  	s6 =	sadd.s32 s7, s9;
	s7 =	sadd.s32 $0x10, s7;
	vm0 =	vmand vm0, vm1  }
0xfa: {  	p3 =	slt.s32 s6, $0x35F0;
	v21 =	vsel vm0, $0x0, v21  }
0xfb: {  	v24 =	vor.u32 s6, v20;
	s6 =	simm.s32 @!p3 $0x35F0;
	[tilespmem:s4+$0x0] =	vst v21  }
0xfc: {  	v21 =	vld [tilespmem:s6+$0x0];
	_ =	sdelay $0x2  }
0xfd: {  	vm15 =	vge.u32 v24, v37;
	vm1 =	vlt.s32 v24, v25  }
0xfe: {  	vm0 =	vmand vm15, vm1  }
0xff: {  	v21 =	vsel vm0, $0x0, v21  }
0x100: {  	s7 =	smov.u32 s9;
	s9 =	rddreg [dreg:$0x7];
	v24 =	vld [tilespmem:$0x1FEC0];
	[tilespmem:s6+$0x0] =	vst v21  }
.LBB2_7:
0x101: {  	s4 =	sld [smem:$0x7D1];
	_ =	sdelay $0x2  }
0x102: {  	p3 =	seq.s32 s4, $0x1  }
.Ltmp5:
0x103: {  	_ = 	snop;
	(pc) =	sbr.rel @p3 .LBB2_11-.Ltmp5, $2  }
0x104: {  	_ =	sdelay $0x2  }
0x105: {  	s6 =	simm.s32 $0x0  }
0x106: {  	v39 =	vld [tilespmem:$0x1FDD0];
	_ =	sdelay $0x1  }
0x107: {  	s4 =	sadd.s32 s6, s9  }
0x108: {  	p3 =	slt.s32 s4, $0x35F0  }
0x109: {  	v21 =	vor.u32 s4, v20;
	s4 =	simm.s32 @!p3 $0x35F0  }
0x10a: {  	vm1 =	vlt.s32 v21, v26;
	vm0 =	vge.u32 v21, v39;
	v21 =	vld [tilespmem:s4+$0x0];
	_ =	sdelay $0x2  }
0x10b: {  	s7 =	sadd.s32 $0x10, s6  }
0x10c: {  	s6 =	sadd.s32 s7, s9;
	s7 =	sadd.s32 $0x10, s7;
	vm0 =	vmand vm0, vm1  }
.LBB2_9:
0x10d: {  	p3 =	sne.s32 s7, $0x680;
	p4 =	slt.s32 s6, $0x35F0;
	v21 =	vsel vm0, $0x0, v21  }
0x10e: {  	[tilespmem:s4+$0x0] =	vst v21;
	s4 =	smov.u32 s6  }
0x10f: {  	s4 =	simm.s32 @!p4 $0x35F0  }
.Ltmp6:
0x110: {  	v21 =	vld [tilespmem:s4+$0x0];
	(pc) =	sbr.rel @p3 .LBB2_9-.Ltmp6, $4  }
0x111: {  	_ = 	snop  }
0x112: {  	v24 =	vor.u32 s6, v20  }
0x113: {  	vm0 =	vge.u32 v24, v39;
	vm1 =	vlt.s32 v24, v26  }
0x114: {  	s6 =	sadd.s32 s7, s9;
	s7 =	sadd.s32 $0x10, s7;
	vm0 =	vmand vm0, vm1  }
0x115: {  	p3 =	slt.s32 s6, $0x35F0;
	v21 =	vsel vm0, $0x0, v21  }
0x116: {  	v24 =	vor.u32 s6, v20;
	s6 =	simm.s32 @!p3 $0x35F0;
	[tilespmem:s4+$0x0] =	vst v21  }
0x117: {  	v21 =	vld [tilespmem:s6+$0x0];
	_ =	sdelay $0x2  }
0x118: {  	vm15 =	vge.u32 v24, v39;
	vm1 =	vlt.s32 v24, v26;
	v39 =	vld [tilespmem:$0x1FFA0]  }
0x119: {  	vm0 =	vmand vm15, vm1  }
0x11a: {  	v21 =	vsel vm0, $0x0, v21  }
0x11b: {  	s7 =	rddreg [dreg:$0x6];
	v24 =	vld [tilespmem:$0x1FEC0];
	[tilespmem:s6+$0x0] =	vst v21  }
.LBB2_11:
0x11c: {  	s4 =	sld [smem:$0x7D2];
	_ =	sdelay $0x2  }
0x11d: {  	p3 =	seq.s32 s4, $0x1  }
.Ltmp7:
0x11e: {  	_ = 	snop;
	(pc) =	sbr.rel @p3 .LBB2_15-.Ltmp7, $1  }
0x11f: {  	_ =	sdelay $0x3  }
0x120: {  	v40 =	vld [tilespmem:$0x1FDE0];
	_ =	sdelay $0x1  }
0x121: {  	s10 =	rddreg [dreg:$0x9]  }
0x122: {  	s4 =	sadd.s32 $0x0, s10  }
0x123: {  	v21 =	vor.u32 s4, v20  }
0x124: {  	v24 =	vadd.s32 v21, v40  }
0x125: {  	v26 =	vcvt.s32.f32 v24;
	_ =	sdelay $0x1  }
0x126: {  	p3 =	slt.s32 s4, $0x35F0;
	v25 =	vadd.f32 $-2.530000000e+02, v26  }
0x127: {  	v29 =	vld [tilespmem:$0x1FF00];
	s4 =	simm.s32 @!p3 $0x35F0  }
0x128: {  	v27 =	vmul.f32 $3.968254200e-03, v25;
	v25 =	vld [tilespmem:s4+$0x0];
	_ =	sdelay $0x1  }
0x129: {  	s7 =	simm.s32 $0x20;
	s6 =	sadd.s32 $0x10, s10;
	v26 =	vmul.f32 $3.968254200e-03, v26;
	v27 =	vsub.f32 $1.000000000e+00, v27  }
.LBB2_13:
0x12a: {  	p3 =	sne.s32 s7, $0x200;
	v28 =	vor.u32 s6, v20;
	vm0 =	vlt.s32 v24, $0xFD  }
0x12b: {  	vm1 =	vge.u32 v21, v39;
	v24 =	vadd.s32 v28, v40;
	v26 =	vsel vm0, v26, v27  }
0x12c: {  	vm0 =	vlt.s32 v21, v29;
	v21 =	vmovc v28;
	v27 =	vcvt.s32.f32 v24;
	v26 =	vmul.f32 v25, v26  }
0x12d: {  	vm0 =	vmand vm1, vm0  }
0x12e: {  	p4 =	slt.s32 s6, $0x35F0;
	v28 =	vadd.f32 $-2.530000000e+02, v27;
	v25 =	vsel vm0, v26, v25  }
.Ltmp8:
0x12f: {  	[tilespmem:s4+$0x0] =	vst v25;
	s4 =	smov.u32 s6;
	(pc) =	sbr.rel @p3 .LBB2_13-.Ltmp8, $3  }
0x130: {  	s4 =	simm.s32 @!p4 $0x35F0  }
0x131: {  	v28 =	vmul.f32 $3.968254200e-03, v28;
	v25 =	vld [tilespmem:s4+$0x0];
	_ =	sdelay $0x1  }
0x132: {  	v26 =	vmul.f32 $3.968254200e-03, v27;
	s6 =	sadd.s32 s7, s10;
	s7 =	sadd.s32 $0x10, s7;
	v27 =	vsub.f32 $1.000000000e+00, v28  }
0x133: {  	v28 =	vor.u32 s6, v20;
	vm0 =	vlt.s32 v24, $0xFD  }
0x134: {  	vm1 =	vge.u32 v21, v39;
	v24 =	vadd.s32 v28, v40;
	v26 =	vsel vm0, v26, v27  }
0x135: {  	vm12 =	vlt.s32 v21, v29;
	v27 =	vcvt.s32.f32 v24;
	v21 =	vmul.f32 v25, v26  }
0x136: {  	vm0 =	vmand vm1, vm12  }
0x137: {  	p3 =	slt.s32 s6, $0x35F0;
	v26 =	vadd.f32 $-2.530000000e+02, v27;
	v21 =	vsel vm0, v21, v25  }
0x138: {  	s6 =	simm.s32 @!p3 $0x35F0;
	[tilespmem:s4+$0x0] =	vst v21  }
0x139: {  	v21 =	vld [tilespmem:s6+$0x0];
	v25 =	vmul.f32 $3.968254200e-03, v26;
	_ =	sdelay $0x1  }
0x13a: {  	v26 =	vmul.f32 $3.968254200e-03, v27;
	v25 =	vsub.f32 $1.000000000e+00, v25  }
0x13b: {  	vm15 =	vlt.s32 v28, v29;
	v29 =	vld [tilespmem:$0x1FF10];
	vm13 =	vlt.s32 v24, $0xFD  }
0x13c: {  	v40 =	vld [tilespmem:$0x1FFB0];
	v24 =	vsel vm13, v26, v25  }
0x13d: {  	vm14 =	vge.u32 v28, v39;
	v27 =	vld [tilespmem:$0x1FED0];
	v24 =	vmul.f32 v21, v24  }
0x13e: {  	vm0 =	vmand vm14, vm15;
	v25 =	vld [tilespmem:$0x1FE90]  }
0x13f: {  	s7 =	rddreg [dreg:$0x6];
	v26 =	vld [tilespmem:$0x1FEA0];
	v21 =	vsel vm0, v24, v21  }
0x140: {  	s10 =	rddreg [dreg:$0xa];
	v28 =	vmov v33;
	v24 =	vld [tilespmem:$0x1FEC0];
	[tilespmem:s6+$0x0] =	vst v21  }
.LBB2_15:
0x141: {  	s4 =	sld [smem:$0x7D3];
	_ =	sdelay $0x2  }
0x142: {  	p3 =	seq.s32 s4, $0x1  }
.Ltmp9:
0x143: {  	_ = 	snop;
	(pc) =	sbr.rel @p3 .LBB2_19-.Ltmp9, $1  }
0x144: {  	_ =	sdelay $0x3  }
0x145: {  	v42 =	vld [tilespmem:$0x1FE00];
	_ =	sdelay $0x2  }
0x146: {  	s4 =	sadd.s32 $0x0, s10  }
0x147: {  	v21 =	vor.u32 s4, v20  }
0x148: {  	v24 =	vadd.s32 v21, v42  }
0x149: {  	v26 =	vcvt.s32.f32 v24;
	_ =	sdelay $0x1  }
0x14a: {  	p3 =	slt.s32 s4, $0x35F0;
	v25 =	vadd.f32 $-1.509000000e+03, v26  }
0x14b: {  	v41 =	vld [tilespmem:$0x1FDF0];
	s4 =	simm.s32 @!p3 $0x35F0  }
0x14c: {  	v27 =	vmul.f32 $6.631299620e-04, v25;
	v25 =	vld [tilespmem:s4+$0x0];
	_ =	sdelay $0x1  }
0x14d: {  	s6 =	sadd.s32 $0x10, s10;
	s7 =	simm.s32 $0x20;
	v26 =	vmul.f32 $6.631299620e-04, v26;
	v27 =	vsub.f32 $1.000000000e+00, v27  }
.LBB2_17:
0x14e: {  	p3 =	sne.s32 s7, $0xBD0;
	v28 =	vor.u32 s6, v20;
	vm0 =	vlt.s32 v24, $0x5E5  }
0x14f: {  	vm1 =	vge.u32 v21, v41;
	v24 =	vadd.s32 v28, v42;
	v26 =	vsel vm0, v26, v27  }
0x150: {  	vm0 =	vlt.s32 v21, v29;
	v21 =	vmovc v28;
	v27 =	vcvt.s32.f32 v24;
	v26 =	vmul.f32 v25, v26  }
0x151: {  	vm0 =	vmand vm1, vm0  }
0x152: {  	p4 =	slt.s32 s6, $0x35F0;
	v28 =	vadd.f32 $-1.509000000e+03, v27;
	v25 =	vsel vm0, v26, v25  }
.Ltmp10:
0x153: {  	[tilespmem:s4+$0x0] =	vst v25;
	s4 =	smov.u32 s6;
	(pc) =	sbr.rel @p3 .LBB2_17-.Ltmp10, $3  }
0x154: {  	s4 =	simm.s32 @!p4 $0x35F0  }
0x155: {  	v28 =	vmul.f32 $6.631299620e-04, v28;
	v25 =	vld [tilespmem:s4+$0x0];
	_ =	sdelay $0x1  }
0x156: {  	v26 =	vmul.f32 $6.631299620e-04, v27;
	s6 =	sadd.s32 s7, s10;
	s7 =	sadd.s32 $0x10, s7;
	v27 =	vsub.f32 $1.000000000e+00, v28  }
0x157: {  	v28 =	vor.u32 s6, v20;
	vm0 =	vlt.s32 v24, $0x5E5  }
0x158: {  	vm1 =	vge.u32 v21, v41;
	v24 =	vadd.s32 v28, v42;
	v26 =	vsel vm0, v26, v27  }
0x159: {  	vm12 =	vlt.s32 v21, v29;
	v27 =	vcvt.s32.f32 v24;
	v21 =	vmul.f32 v25, v26  }
0x15a: {  	vm0 =	vmand vm1, vm12  }
0x15b: {  	p3 =	slt.s32 s6, $0x35F0;
	v26 =	vadd.f32 $-1.509000000e+03, v27;
	v21 =	vsel vm0, v21, v25  }
0x15c: {  	s6 =	simm.s32 @!p3 $0x35F0;
	[tilespmem:s4+$0x0] =	vst v21  }
0x15d: {  	v21 =	vld [tilespmem:s6+$0x0];
	v25 =	vmul.f32 $6.631299620e-04, v26;
	_ =	sdelay $0x1  }
0x15e: {  	v26 =	vmul.f32 $6.631299620e-04, v27;
	v25 =	vsub.f32 $1.000000000e+00, v25  }
0x15f: {  	v42 =	vld [tilespmem:$0x1FFC0];
	vm13 =	vlt.s32 v24, $0x5E5  }
0x160: {  	vm14 =	vge.u32 v28, v41;
	v41 =	vld [tilespmem:$0x1FEE0];
	v24 =	vsel vm13, v26, v25  }
0x161: {  	vm15 =	vlt.s32 v28, v29;
	v27 =	vld [tilespmem:$0x1FED0];
	v24 =	vmul.f32 v21, v24  }
0x162: {  	vm0 =	vmand vm14, vm15;
	v25 =	vld [tilespmem:$0x1FE90]  }
0x163: {  	v26 =	vld [tilespmem:$0x1FEA0];
	v21 =	vsel vm0, v24, v21  }
0x164: {  	s7 =	rddreg [dreg:$0x6];
	v28 =	vmov v33;
	v24 =	vld [tilespmem:$0x1FEC0];
	[tilespmem:s6+$0x0] =	vst v21  }
.LBB2_19:
0x165: {  	s4 =	sld [smem:$0x7D4];
	_ =	sdelay $0x2  }
0x166: {  	p3 =	seq.s32 s4, $0x1  }
.Ltmp11:
0x167: {  	_ = 	snop;
	(pc) =	sbr.rel @p3 .LBB2_23-.Ltmp11, $1  }
0x168: {  	_ =	sdelay $0x3  }
0x169: {  	v43 =	vld [tilespmem:$0x1FE20];
	_ =	sdelay $0x2  }
0x16a: {  	s4 =	sadd.s32 $0x0, s11  }
0x16b: {  	v21 =	vor.u32 s4, v20  }
0x16c: {  	v24 =	vadd.s32 v21, v43  }
0x16d: {  	v26 =	vcvt.s32.f32 v24;
	_ =	sdelay $0x1  }
0x16e: {  	p3 =	slt.s32 s4, $0x35F0;
	v25 =	vadd.f32 $-1.424000000e+03, v26  }
0x16f: {  	v30 =	vld [tilespmem:$0x1FD40];
	s4 =	simm.s32 @!p3 $0x35F0  }
0x170: {  	v27 =	vmul.f32 $7.027406830e-04, v25;
	v25 =	vld [tilespmem:s4+$0x0];
	_ =	sdelay $0x1  }
0x171: {  	s6 =	sadd.s32 $0x10, s11;
	s7 =	simm.s32 $0x20;
	v26 =	vmul.f32 $7.027406830e-04, v26;
	v27 =	vsub.f32 $1.000000000e+00, v27  }
.LBB2_21:
0x172: {  	p3 =	sne.s32 s7, $0xB30;
	v28 =	vor.u32 s6, v20;
	vm0 =	vlt.s32 v24, $0x590  }
0x173: {  	vm1 =	vge.u32 v21, v42;
	v24 =	vadd.s32 v28, v43;
	v26 =	vsel vm0, v26, v27  }
0x174: {  	vm0 =	vlt.s32 v21, v30;
	v21 =	vmovc v28;
	v27 =	vcvt.s32.f32 v24;
	v26 =	vmul.f32 v25, v26  }
0x175: {  	vm0 =	vmand vm1, vm0  }
0x176: {  	p4 =	slt.s32 s6, $0x35F0;
	v28 =	vadd.f32 $-1.424000000e+03, v27;
	v25 =	vsel vm0, v26, v25  }
.Ltmp12:
0x177: {  	[tilespmem:s4+$0x0] =	vst v25;
	s4 =	smov.u32 s6;
	(pc) =	sbr.rel @p3 .LBB2_21-.Ltmp12, $3  }
0x178: {  	s4 =	simm.s32 @!p4 $0x35F0  }
0x179: {  	v28 =	vmul.f32 $7.027406830e-04, v28;
	v25 =	vld [tilespmem:s4+$0x0];
	_ =	sdelay $0x1  }
0x17a: {  	v26 =	vmul.f32 $7.027406830e-04, v27;
	s6 =	sadd.s32 s7, s11;
	s7 =	sadd.s32 $0x10, s7;
	v27 =	vsub.f32 $1.000000000e+00, v28  }
0x17b: {  	v28 =	vor.u32 s6, v20;
	vm0 =	vlt.s32 v24, $0x590  }
0x17c: {  	vm1 =	vge.u32 v21, v42;
	v24 =	vadd.s32 v28, v43;
	v26 =	vsel vm0, v26, v27  }
0x17d: {  	vm12 =	vlt.s32 v21, v30;
	v27 =	vcvt.s32.f32 v24;
	v21 =	vmul.f32 v25, v26  }
0x17e: {  	vm0 =	vmand vm1, vm12  }
0x17f: {  	p3 =	slt.s32 s6, $0x35F0;
	v26 =	vadd.f32 $-1.424000000e+03, v27;
	v21 =	vsel vm0, v21, v25  }
0x180: {  	s6 =	simm.s32 @!p3 $0x35F0;
	[tilespmem:s4+$0x0] =	vst v21  }
0x181: {  	v21 =	vld [tilespmem:s6+$0x0];
	v25 =	vmul.f32 $7.027406830e-04, v26;
	_ =	sdelay $0x1  }
0x182: {  	v26 =	vmul.f32 $7.027406830e-04, v27;
	v25 =	vsub.f32 $1.000000000e+00, v25  }
0x183: {  	vm15 =	vlt.s32 v28, v30;
	v30 =	vld [tilespmem:$0x1FF20];
	vm13 =	vlt.s32 v24, $0x590  }
0x184: {  	v43 =	vld [tilespmem:$0x1FFD0];
	v24 =	vsel vm13, v26, v25  }
0x185: {  	vm14 =	vge.u32 v28, v42;
	v27 =	vld [tilespmem:$0x1FED0];
	v24 =	vmul.f32 v21, v24  }
0x186: {  	vm0 =	vmand vm14, vm15;
	v25 =	vld [tilespmem:$0x1FE90]  }
0x187: {  	v26 =	vld [tilespmem:$0x1FEA0];
	v21 =	vsel vm0, v24, v21  }
0x188: {  	s7 =	rddreg [dreg:$0x6];
	v28 =	vmov v33;
	v24 =	vld [tilespmem:$0x1FEC0];
	[tilespmem:s6+$0x0] =	vst v21  }
.LBB2_23:
0x189: {  	s4 =	sld [smem:$0x7D5];
	_ =	sdelay $0x2  }
0x18a: {  	p3 =	seq.s32 s4, $0x1  }
.Ltmp13:
0x18b: {  	_ = 	snop;
	(pc) =	sbr.rel @p3 .LBB2_27-.Ltmp13, $1  }
0x18c: {  	_ =	sdelay $0x3  }
0x18d: {  	v44 =	vld [tilespmem:$0x1FE30];
	_ =	sdelay $0x2  }
0x18e: {  	s4 =	sadd.s32 $0x0, s20  }
0x18f: {  	v21 =	vor.u32 s4, v20  }
0x190: {  	v24 =	vadd.s32 v21, v44  }
0x191: {  	v26 =	vcvt.s32.f32 v24;
	_ =	sdelay $0x1  }
0x192: {  	p3 =	slt.s32 s4, $0x35F0;
	v25 =	vadd.f32 $-1.475000000e+03, v26  }
0x193: {  	s4 =	simm.s32 @!p3 $0x35F0  }
0x194: {  	v27 =	vmul.f32 $6.784260620e-04, v25;
	v25 =	vld [tilespmem:s4+$0x0];
	_ =	sdelay $0x1  }
0x195: {  	s6 =	sadd.s32 $0x10, s20;
	s7 =	simm.s32 $0x20;
	v26 =	vmul.f32 $6.784260620e-04, v26;
	v27 =	vsub.f32 $1.000000000e+00, v27  }
.LBB2_25:
0x196: {  	p3 =	sne.s32 s7, $0xB90;
	v28 =	vor.u32 s6, v20;
	vm0 =	vlt.s32 v24, $0x5C3  }
0x197: {  	vm1 =	vge.u32 v21, v43;
	v24 =	vadd.s32 v28, v44;
	v26 =	vsel vm0, v26, v27  }
0x198: {  	vm0 =	vlt.s32 v21, v30;
	v21 =	vmovc v28;
	v27 =	vcvt.s32.f32 v24;
	v26 =	vmul.f32 v25, v26  }
0x199: {  	vm0 =	vmand vm1, vm0  }
0x19a: {  	p4 =	slt.s32 s6, $0x35F0;
	v28 =	vadd.f32 $-1.475000000e+03, v27;
	v25 =	vsel vm0, v26, v25  }
.Ltmp14:
0x19b: {  	[tilespmem:s4+$0x0] =	vst v25;
	s4 =	smov.u32 s6;
	(pc) =	sbr.rel @p3 .LBB2_25-.Ltmp14, $3  }
0x19c: {  	s4 =	simm.s32 @!p4 $0x35F0  }
0x19d: {  	v28 =	vmul.f32 $6.784260620e-04, v28;
	v25 =	vld [tilespmem:s4+$0x0];
	_ =	sdelay $0x1  }
0x19e: {  	v26 =	vmul.f32 $6.784260620e-04, v27;
	s6 =	sadd.s32 s7, s20;
	s7 =	sadd.s32 $0x10, s7;
	v27 =	vsub.f32 $1.000000000e+00, v28  }
0x19f: {  	v28 =	vor.u32 s6, v20;
	vm0 =	vlt.s32 v24, $0x5C3  }
0x1a0: {  	vm1 =	vge.u32 v21, v43;
	v24 =	vadd.s32 v28, v44;
	v26 =	vsel vm0, v26, v27  }
0x1a1: {  	vm12 =	vlt.s32 v21, v30;
	v27 =	vcvt.s32.f32 v24;
	v21 =	vmul.f32 v25, v26  }
0x1a2: {  	vm0 =	vmand vm1, vm12  }
0x1a3: {  	p3 =	slt.s32 s6, $0x35F0;
	v26 =	vadd.f32 $-1.475000000e+03, v27;
	v21 =	vsel vm0, v21, v25  }
0x1a4: {  	s6 =	simm.s32 @!p3 $0x35F0;
	[tilespmem:s4+$0x0] =	vst v21  }
0x1a5: {  	v21 =	vld [tilespmem:s6+$0x0];
	v25 =	vmul.f32 $6.784260620e-04, v26;
	_ =	sdelay $0x1  }
0x1a6: {  	v26 =	vmul.f32 $6.784260620e-04, v27;
	v25 =	vsub.f32 $1.000000000e+00, v25  }
0x1a7: {  	vm13 =	vlt.s32 v24, $0x5C3  }
0x1a8: {  	v44 =	vld [tilespmem:$0x1FFE0];
	v24 =	vsel vm13, v26, v25  }
0x1a9: {  	vm14 =	vge.u32 v28, v43;
	vm15 =	vlt.s32 v28, v30;
	v27 =	vld [tilespmem:$0x1FED0];
	v24 =	vmul.f32 v21, v24  }
0x1aa: {  	vm0 =	vmand vm14, vm15;
	v25 =	vld [tilespmem:$0x1FE90]  }
0x1ab: {  	v26 =	vld [tilespmem:$0x1FEA0];
	v21 =	vsel vm0, v24, v21  }
0x1ac: {  	s7 =	rddreg [dreg:$0x6];
	v28 =	vmov v33;
	v24 =	vld [tilespmem:$0x1FEC0];
	[tilespmem:s6+$0x0] =	vst v21  }
.LBB2_27:
0x1ad: {  	s6 =	sld [smem:$0x7D7];
	_ =	sdelay $0x2  }
0x1ae: {  	p3 =	seq.s32 s6, $0x1  }
.Ltmp15:
0x1af: {  	_ = 	snop;
	(pc) =	sbr.rel @p3 .LBB2_31-.Ltmp15, $2  }
0x1b0: {  	_ =	sdelay $0x2  }
0x1b1: {  	s4 =	simm.s32 $0x0  }
0x1b2: {  	v46 =	vld [tilespmem:$0x1FE50];
	_ =	sdelay $0x2  }
0x1b3: {  	s4 =	sadd.s32 $0x0, s13  }
0x1b4: {  	v21 =	vor.u32 s4, v20  }
0x1b5: {  	v24 =	vadd.s32 v21, v46  }
0x1b6: {  	v26 =	vcvt.s32.f32 v24;
	_ =	sdelay $0x1  }
0x1b7: {  	v31 =	vld [tilespmem:$0x1FEB0];
	p3 =	slt.s32 s4, $0x35F0;
	v25 =	vadd.f32 $-2.076000000e+03, v26  }
0x1b8: {  	v45 =	vld [tilespmem:$0x1FE40];
	s4 =	simm.s32 @!p3 $0x35F0  }
0x1b9: {  	v27 =	vmul.f32 $4.819277090e-04, v25;
	v25 =	vld [tilespmem:s4+$0x0];
	_ =	sdelay $0x1  }
0x1ba: {  	s6 =	sadd.s32 $0x10, s13;
	s7 =	simm.s32 $0x20;
	v26 =	vmul.f32 $4.819277090e-04, v26;
	v27 =	vsub.f32 $1.000000000e+00, v27  }
.LBB2_29:
0x1bb: {  	p3 =	sne.s32 s7, $0x1040;
	v28 =	vor.u32 s6, v20;
	vm0 =	vlt.s32 v24, $0x81C  }
0x1bc: {  	vm1 =	vge.u32 v21, v45;
	v24 =	vadd.s32 v28, v46;
	v26 =	vsel vm0, v26, v27  }
0x1bd: {  	vm0 =	vlt.s32 v21, v31;
	v21 =	vmovc v28;
	v27 =	vcvt.s32.f32 v24;
	v26 =	vmul.f32 v25, v26  }
0x1be: {  	vm0 =	vmand vm1, vm0  }
0x1bf: {  	p4 =	slt.s32 s6, $0x35F0;
	v28 =	vadd.f32 $-2.076000000e+03, v27;
	v25 =	vsel vm0, v26, v25  }
.Ltmp16:
0x1c0: {  	[tilespmem:s4+$0x0] =	vst v25;
	s4 =	smov.u32 s6;
	(pc) =	sbr.rel @p3 .LBB2_29-.Ltmp16, $3  }
0x1c1: {  	s4 =	simm.s32 @!p4 $0x35F0  }
0x1c2: {  	v28 =	vmul.f32 $4.819277090e-04, v28;
	v25 =	vld [tilespmem:s4+$0x0];
	_ =	sdelay $0x1  }
0x1c3: {  	v26 =	vmul.f32 $4.819277090e-04, v27;
	s6 =	sadd.s32 s7, s13;
	s7 =	sadd.s32 $0x10, s7;
	v27 =	vsub.f32 $1.000000000e+00, v28  }
0x1c4: {  	v28 =	vor.u32 s6, v20;
	vm0 =	vlt.s32 v24, $0x81C  }
0x1c5: {  	vm1 =	vge.u32 v21, v45;
	v24 =	vadd.s32 v28, v46;
	v26 =	vsel vm0, v26, v27  }
0x1c6: {  	vm12 =	vlt.s32 v21, v31;
	v27 =	vcvt.s32.f32 v24;
	v21 =	vmul.f32 v25, v26  }
0x1c7: {  	vm0 =	vmand vm1, vm12  }
0x1c8: {  	p3 =	slt.s32 s6, $0x35F0;
	v26 =	vadd.f32 $-2.076000000e+03, v27;
	v21 =	vsel vm0, v21, v25  }
0x1c9: {  	s6 =	simm.s32 @!p3 $0x35F0;
	[tilespmem:s4+$0x0] =	vst v21  }
0x1ca: {  	v21 =	vld [tilespmem:s6+$0x0];
	v25 =	vmul.f32 $4.819277090e-04, v26;
	_ =	sdelay $0x1  }
0x1cb: {  	vm15 =	vlt.s32 v28, v31;
	v31 =	vld [tilespmem:$0x1FF30];
	v26 =	vmul.f32 $4.819277090e-04, v27;
	v25 =	vsub.f32 $1.000000000e+00, v25  }
0x1cc: {  	v46 =	vld [tilespmem:$0x1FFF0];
	vm13 =	vlt.s32 v24, $0x81C  }
0x1cd: {  	vm14 =	vge.u32 v28, v45;
	v45 =	vld [tilespmem:$0x1FEF0];
	v24 =	vsel vm13, v26, v25  }
0x1ce: {  	v27 =	vld [tilespmem:$0x1FED0];
	v24 =	vmul.f32 v21, v24  }
0x1cf: {  	vm0 =	vmand vm14, vm15;
	v25 =	vld [tilespmem:$0x1FE90]  }
0x1d0: {  	v26 =	vld [tilespmem:$0x1FEA0];
	v21 =	vsel vm0, v24, v21  }
0x1d1: {  	s7 =	rddreg [dreg:$0x6];
	v28 =	vmov v33;
	s4 =	simm.s32 $0x0;
	v24 =	vld [tilespmem:$0x1FEC0];
	[tilespmem:s6+$0x0] =	vst v21  }
.LBB2_31:
0x1d2: {  	s6 =	sld [smem:$0x7D8];
	_ =	sdelay $0x2  }
0x1d3: {  	p3 =	seq.s32 s6, $0x1  }
.Ltmp17:
0x1d4: {  	_ = 	snop;
	(pc) =	sbr.rel @p3 .LBB2_35-.Ltmp17, $1  }
0x1d5: {  	_ =	sdelay $0x3  }
0x1d6: {  	_ =	sdelay $0x2  }
0x1d7: {  	s6 =	sshra.s32 s4, $0x2  }
0x1d8: {  	[smem:$0x7CF] =	sst s6;
	v21 =	vld.idx.msk [tilespmem:v22+s6+$0x0 ss:$0x1], $0xffff  }
0x1d9: {  	s6 =	rddreg [dreg:$0xb]  }
0x1da: {  	v24 =	vor.u32 s6, v20  }
0x1db: {  	s11 =	sld [smem:$0x7CF];
	vm0 =	vge.u32 v24, v46;
	vm1 =	vlt.s32 v24, v31  }
0x1dc: {  	vm0 =	vmand vm0, vm1  }
0x1dd: {  	s7 =	sadd.s32 $0x40, s4;
	v21 =	vsel vm0, $0x0, v21  }
0x1de: {  	s4 =	sshra.s32 s7, $0x2;
	s7 =	sadd.s32 $0x40, s7;
	[tilespmem:v22+s11+$0x0 ss:$0x1] =	vst.idx.msk $0xffff, v21  }
.LBB2_33:
0x1df: {  	p3 =	sne.s32 s7, $0x3080;
	v21 =	vld.idx.msk [tilespmem:v22+s4+$0x0 ss:$0x1], $0xffff;
	_ =	sdelay $0x1  }
0x1e0: {  	s6 =	sadd.s32 $0x10, s6  }
.Ltmp18:
0x1e1: {  	v24 =	vor.u32 s6, v20;
	(pc) =	sbr.rel @p3 .LBB2_33-.Ltmp18, $4  }
0x1e2: {  	vm0 =	vge.u32 v24, v46;
	vm1 =	vlt.s32 v24, v31  }
0x1e3: {  	vm0 =	vmand vm0, vm1  }
0x1e4: {  	v21 =	vsel vm0, $0x0, v21  }
0x1e5: {  	[tilespmem:v22+s4+$0x0 ss:$0x1] =	vst.idx.msk $0xffff, v21;
	s4 =	sshra.s32 s7, $0x2;
	s7 =	sadd.s32 $0x40, s7  }
0x1e6: {  	_ =	sdelay $0x3  }
0x1e7: {  	v21 =	vld.idx.msk [tilespmem:v22+s4+$0x0 ss:$0x1], $0xffff  }
0x1e8: {  	s6 =	sadd.s32 $0x10, s6  }
0x1e9: {  	v24 =	vor.u32 s6, v20  }
0x1ea: {  	vm0 =	vge.u32 v24, v46;
	vm1 =	vlt.s32 v24, v31  }
0x1eb: {  	vm0 =	vmand vm0, vm1  }
0x1ec: {  	s7 =	rddreg [dreg:$0x6];
	v21 =	vsel vm0, $0x0, v21  }
0x1ed: {  	s11 =	sld [smem:$0x7FD];
	v24 =	vld [tilespmem:$0x1FEC0];
	[tilespmem:v22+s4+$0x0 ss:$0x1] =	vst.idx.msk $0xffff, v21  }
.LBB2_35:
0x1ee: {  	s4 =	sld [smem:$0x7D9];
	_ =	sdelay $0x2  }
0x1ef: {  	p3 =	seq.s32 s4, $0x1  }
.Ltmp19:
0x1f0: {  	_ = 	snop;
	(pc) =	sbr.rel @p3 .LBB2_39-.Ltmp19, $2  }
0x1f1: {  	_ =	sdelay $0x2  }
0x1f2: {  	s6 =	simm.s32 $0x0  }
0x1f3: {  	v45 =	vld [tilespmem:$0x1FE60];
	_ =	sdelay $0x1  }
0x1f4: {  	s4 =	sadd.s32 s6, s23  }
0x1f5: {  	p3 =	slt.s32 s4, $0x35F0  }
0x1f6: {  	v21 =	vor.u32 s4, v20;
	s4 =	simm.s32 @!p3 $0x35F0  }
0x1f7: {  	vm1 =	vlt.s32 v21, v24;
	vm0 =	vge.u32 v21, v45;
	v21 =	vld [tilespmem:s4+$0x0];
	_ =	sdelay $0x2  }
0x1f8: {  	s7 =	sadd.s32 $0x10, s6  }
0x1f9: {  	v28 =	vmov v24;
	s6 =	sadd.s32 s7, s23;
	s7 =	sadd.s32 $0x10, s7;
	vm0 =	vmand vm0, vm1  }
.LBB2_37:
0x1fa: {  	p3 =	sne.s32 s7, $0xF10;
	p4 =	slt.s32 s6, $0x35F0;
	v21 =	vsel vm0, $0x0, v21  }
0x1fb: {  	[tilespmem:s4+$0x0] =	vst v21;
	s4 =	smov.u32 s6  }
0x1fc: {  	s4 =	simm.s32 @!p4 $0x35F0  }
.Ltmp20:
0x1fd: {  	v21 =	vld [tilespmem:s4+$0x0];
	(pc) =	sbr.rel @p3 .LBB2_37-.Ltmp20, $4  }
0x1fe: {  	_ = 	snop  }
0x1ff: {  	v24 =	vor.u32 s6, v20  }
0x200: {  	vm0 =	vge.u32 v24, v45;
	vm1 =	vlt.s32 v24, v28  }
0x201: {  	s6 =	sadd.s32 s7, s23;
	s7 =	sadd.s32 $0x10, s7;
	vm0 =	vmand vm0, vm1  }
0x202: {  	p3 =	slt.s32 s6, $0x35F0;
	v21 =	vsel vm0, $0x0, v21  }
0x203: {  	v24 =	vor.u32 s6, v20;
	s6 =	simm.s32 @!p3 $0x35F0;
	[tilespmem:s4+$0x0] =	vst v21  }
0x204: {  	v21 =	vld [tilespmem:s6+$0x0];
	_ =	sdelay $0x2  }
0x205: {  	vm15 =	vge.u32 v24, v45;
	vm1 =	vlt.s32 v24, v28  }
0x206: {  	vm0 =	vmand vm15, vm1  }
0x207: {  	v21 =	vsel vm0, $0x0, v21  }
0x208: {  	s7 =	rddreg [dreg:$0x6];
	v45 =	vld [tilespmem:$0x1FEF0];
	v24 =	vmov v28;
	v28 =	vmov v33;
	[tilespmem:s6+$0x0] =	vst v21  }
.LBB2_39:
0x209: {  	s4 =	sld [smem:$0x7DB];
	_ =	sdelay $0x2  }
0x20a: {  	p3 =	seq.s32 s4, $0x1  }
.Ltmp21:
0x20b: {  	_ = 	snop;
	(pc) =	sbr.rel @p3 .LBB2_43-.Ltmp21, $1  }
0x20c: {  	_ =	sdelay $0x3  }
0x20d: {  	v29 =	vld [tilespmem:$0x1FE80];
	_ =	sdelay $0x2  }
0x20e: {  	s4 =	sadd.s32 $0x0, s15  }
0x20f: {  	v21 =	vor.u32 s4, v20  }
0x210: {  	v24 =	vadd.s32 v21, v29  }
0x211: {  	v26 =	vcvt.s32.f32 v24;
	_ =	sdelay $0x1  }
0x212: {  	v32 =	vld [tilespmem:$0x1FD50];
	p3 =	slt.s32 s4, $0x35F0;
	v25 =	vadd.f32 $-1.738000000e+03, v26  }
0x213: {  	v34 =	vld [tilespmem:$0x1FE70];
	s4 =	simm.s32 @!p3 $0x35F0  }
0x214: {  	v27 =	vmul.f32 $5.757052570e-04, v25;
	v25 =	vld [tilespmem:s4+$0x0];
	_ =	sdelay $0x1  }
0x215: {  	s6 =	sadd.s32 $0x10, s15;
	s7 =	simm.s32 $0x20;
	v26 =	vmul.f32 $5.757052570e-04, v26;
	v27 =	vsub.f32 $1.000000000e+00, v27  }
.LBB2_41:
0x216: {  	p3 =	sne.s32 s7, $0xDA0;
	v28 =	vor.u32 s6, v20;
	vm0 =	vlt.s32 v24, $0x6CA  }
0x217: {  	vm1 =	vge.u32 v21, v34;
	v24 =	vadd.s32 v28, v29;
	v26 =	vsel vm0, v26, v27  }
0x218: {  	vm0 =	vlt.s32 v21, v32;
	v21 =	vmovc v28;
	v27 =	vcvt.s32.f32 v24;
	v26 =	vmul.f32 v25, v26  }
0x219: {  	vm0 =	vmand vm1, vm0  }
0x21a: {  	p4 =	slt.s32 s6, $0x35F0;
	v28 =	vadd.f32 $-1.738000000e+03, v27;
	v25 =	vsel vm0, v26, v25  }
.Ltmp22:
0x21b: {  	[tilespmem:s4+$0x0] =	vst v25;
	s4 =	smov.u32 s6;
	(pc) =	sbr.rel @p3 .LBB2_41-.Ltmp22, $3  }
0x21c: {  	s4 =	simm.s32 @!p4 $0x35F0  }
0x21d: {  	v28 =	vmul.f32 $5.757052570e-04, v28;
	v25 =	vld [tilespmem:s4+$0x0];
	_ =	sdelay $0x1  }
0x21e: {  	v26 =	vmul.f32 $5.757052570e-04, v27;
	s6 =	sadd.s32 s7, s15;
	s7 =	sadd.s32 $0x10, s7;
	v27 =	vsub.f32 $1.000000000e+00, v28  }
0x21f: {  	v28 =	vor.u32 s6, v20;
	vm0 =	vlt.s32 v24, $0x6CA  }
0x220: {  	vm1 =	vge.u32 v21, v34;
	v24 =	vadd.s32 v28, v29;
	v26 =	vsel vm0, v26, v27  }
0x221: {  	vm12 =	vlt.s32 v21, v32;
	v27 =	vcvt.s32.f32 v24;
	v21 =	vmul.f32 v25, v26  }
0x222: {  	vm0 =	vmand vm1, vm12  }
0x223: {  	p3 =	slt.s32 s6, $0x35F0;
	v26 =	vadd.f32 $-1.738000000e+03, v27;
	v21 =	vsel vm0, v21, v25  }
0x224: {  	s6 =	simm.s32 @!p3 $0x35F0;
	[tilespmem:s4+$0x0] =	vst v21  }
0x225: {  	v21 =	vld [tilespmem:s6+$0x0];
	v25 =	vmul.f32 $5.757052570e-04, v26;
	_ =	sdelay $0x1  }
0x226: {  	vm15 =	vlt.s32 v28, v32;
	v32 =	vld [tilespmem:$0x1FF40];
	v26 =	vmul.f32 $5.757052570e-04, v27;
	v25 =	vsub.f32 $1.000000000e+00, v25  }
0x227: {  	vm14 =	vge.u32 v28, v34;
	v34 =	vld [tilespmem:$0x1FF50];
	vm13 =	vlt.s32 v24, $0x6CA  }
0x228: {  	v29 =	vld [tilespmem:$0x1FF10];
	v24 =	vsel vm13, v26, v25  }
0x229: {  	v27 =	vld [tilespmem:$0x1FED0];
	v24 =	vmul.f32 v21, v24  }
0x22a: {  	vm0 =	vmand vm14, vm15;
	v25 =	vld [tilespmem:$0x1FE90]  }
0x22b: {  	v26 =	vld [tilespmem:$0x1FEA0];
	v21 =	vsel vm0, v24, v21  }
0x22c: {  	s7 =	rddreg [dreg:$0x6];
	v28 =	vmov v33;
	v24 =	vld [tilespmem:$0x1FEC0];
	[tilespmem:s6+$0x0] =	vst v21  }
.LBB2_43:
0x22d: {  	s4 =	sld [smem:$0x7DD];
	_ =	sdelay $0x2  }
0x22e: {  	p3 =	seq.s32 s4, $0x1  }
.Ltmp23:
0x22f: {  	_ = 	snop;
	(pc) =	sbr.rel @p3 .LBB2_47-.Ltmp23, $1  }
0x230: {  	_ =	sdelay $0x3  }
0x231: {  	s4 =	sadd.s32 $0x0, s16  }
0x232: {  	v21 =	vor.u32 s4, v20  }
0x233: {  	v24 =	vadd.s32 v21, v48  }
0x234: {  	v26 =	vcvt.s32.f32 v24;
	_ =	sdelay $0x1  }
0x235: {  	p3 =	slt.s32 s4, $0x35F0;
	v25 =	vadd.f32 $-5.690000000e+02, v26  }
0x236: {  	s4 =	simm.s32 @!p3 $0x35F0  }
0x237: {  	v27 =	vmul.f32 $1.760563350e-03, v25;
	v25 =	vld [tilespmem:s4+$0x0];
	_ =	sdelay $0x1  }
0x238: {  	s6 =	sadd.s32 $0x10, s16;
	s7 =	simm.s32 $0x20;
	v26 =	vmul.f32 $1.760563350e-03, v26;
	v27 =	vsub.f32 $1.000000000e+00, v27  }
.LBB2_45:
0x239: {  	p3 =	sne.s32 s7, $0x480;
	v28 =	vor.u32 s6, v20;
	vm0 =	vlt.s32 v24, $0x239  }
0x23a: {  	vm1 =	vge.u32 v21, v47;
	v24 =	vadd.s32 v28, v48;
	v26 =	vsel vm0, v26, v27  }
0x23b: {  	vm0 =	vlt.s32 v21, v32;
	v21 =	vmovc v28;
	v27 =	vcvt.s32.f32 v24;
	v26 =	vmul.f32 v25, v26  }
0x23c: {  	vm0 =	vmand vm1, vm0  }
0x23d: {  	p4 =	slt.s32 s6, $0x35F0;
	v28 =	vadd.f32 $-5.690000000e+02, v27;
	v25 =	vsel vm0, v26, v25  }
.Ltmp24:
0x23e: {  	[tilespmem:s4+$0x0] =	vst v25;
	s4 =	smov.u32 s6;
	(pc) =	sbr.rel @p3 .LBB2_45-.Ltmp24, $3  }
0x23f: {  	s4 =	simm.s32 @!p4 $0x35F0  }
0x240: {  	v28 =	vmul.f32 $1.760563350e-03, v28;
	v25 =	vld [tilespmem:s4+$0x0];
	_ =	sdelay $0x1  }
0x241: {  	v26 =	vmul.f32 $1.760563350e-03, v27;
	s6 =	sadd.s32 s7, s16;
	s7 =	sadd.s32 $0x10, s7;
	v27 =	vsub.f32 $1.000000000e+00, v28  }
0x242: {  	v28 =	vor.u32 s6, v20;
	vm0 =	vlt.s32 v24, $0x239  }
0x243: {  	vm1 =	vge.u32 v21, v47;
	v24 =	vadd.s32 v28, v48;
	v26 =	vsel vm0, v26, v27  }
0x244: {  	vm12 =	vlt.s32 v21, v32;
	v27 =	vcvt.s32.f32 v24;
	v21 =	vmul.f32 v25, v26  }
0x245: {  	vm0 =	vmand vm1, vm12  }
0x246: {  	p3 =	slt.s32 s6, $0x35F0;
	v26 =	vadd.f32 $-5.690000000e+02, v27;
	v21 =	vsel vm0, v21, v25  }
0x247: {  	s6 =	simm.s32 @!p3 $0x35F0;
	[tilespmem:s4+$0x0] =	vst v21  }
0x248: {  	v21 =	vld [tilespmem:s6+$0x0];
	v25 =	vmul.f32 $1.760563350e-03, v26;
	_ =	sdelay $0x1  }
0x249: {  	v26 =	vmul.f32 $1.760563350e-03, v27;
	v25 =	vsub.f32 $1.000000000e+00, v25  }
0x24a: {  	vm13 =	vlt.s32 v24, $0x239  }
0x24b: {  	v24 =	vsel vm13, v26, v25  }
0x24c: {  	vm14 =	vge.u32 v28, v47;
	vm15 =	vlt.s32 v28, v32;
	v27 =	vld [tilespmem:$0x1FED0];
	v24 =	vmul.f32 v21, v24  }
0x24d: {  	vm0 =	vmand vm14, vm15;
	v25 =	vld [tilespmem:$0x1FE90]  }
0x24e: {  	v26 =	vld [tilespmem:$0x1FEA0];
	v21 =	vsel vm0, v24, v21  }
0x24f: {  	s7 =	rddreg [dreg:$0x6];
	v28 =	vmov v33;
	v24 =	vld [tilespmem:$0x1FEC0];
	[tilespmem:s6+$0x0] =	vst v21  }
.LBB2_47:
0x250: {  	s4 =	sld [smem:$0x7DF];
	_ =	sdelay $0x2  }
0x251: {  	p3 =	seq.s32 s4, $0x1  }
.Ltmp25:
0x252: {  	_ = 	snop;
	(pc) =	sbr.rel @p3 .LBB2_51-.Ltmp25, $2  }
0x253: {  	_ =	sdelay $0x2  }
0x254: {  	s6 =	simm.s32 $0x0  }
0x255: {  	v27 =	vld [tilespmem:$0x1FD60];
	_ =	sdelay $0x1  }
0x256: {  	s4 =	sadd.s32 s6, s17  }
0x257: {  	p3 =	slt.s32 s4, $0x35F0  }
0x258: {  	v21 =	vor.u32 s4, v20;
	s4 =	simm.s32 @!p3 $0x35F0  }
0x259: {  	vm0 =	vge.u32 v21, v50;
	vm1 =	vlt.s32 v21, v27;
	v21 =	vld [tilespmem:s4+$0x0];
	_ =	sdelay $0x2  }
0x25a: {  	s7 =	sadd.s32 $0x10, s6  }
0x25b: {  	s6 =	sadd.s32 s7, s17;
	s7 =	sadd.s32 $0x10, s7;
	vm0 =	vmand vm0, vm1  }
.LBB2_49:
0x25c: {  	p3 =	sne.s32 s7, $0x220;
	p4 =	slt.s32 s6, $0x35F0;
	v21 =	vsel vm0, $0x0, v21  }
0x25d: {  	[tilespmem:s4+$0x0] =	vst v21;
	s4 =	smov.u32 s6  }
0x25e: {  	s4 =	simm.s32 @!p4 $0x35F0  }
.Ltmp26:
0x25f: {  	v21 =	vld [tilespmem:s4+$0x0];
	(pc) =	sbr.rel @p3 .LBB2_49-.Ltmp26, $4  }
0x260: {  	_ = 	snop  }
0x261: {  	v24 =	vor.u32 s6, v20  }
0x262: {  	vm0 =	vge.u32 v24, v50;
	vm1 =	vlt.s32 v24, v27  }
0x263: {  	s6 =	sadd.s32 s7, s17;
	s7 =	sadd.s32 $0x10, s7;
	vm0 =	vmand vm0, vm1  }
0x264: {  	p3 =	slt.s32 s6, $0x35F0;
	v21 =	vsel vm0, $0x0, v21  }
0x265: {  	v24 =	vor.u32 s6, v20;
	s6 =	simm.s32 @!p3 $0x35F0;
	[tilespmem:s4+$0x0] =	vst v21  }
0x266: {  	v21 =	vld [tilespmem:s6+$0x0];
	_ =	sdelay $0x2  }
0x267: {  	vm15 =	vge.u32 v24, v50;
	vm1 =	vlt.s32 v24, v27  }
0x268: {  	vm0 =	vmand vm15, vm1  }
0x269: {  	v24 =	vld [tilespmem:$0x1FEC0];
	v21 =	vsel vm0, $0x0, v21  }
0x26a: {  	s7 =	rddreg [dreg:$0x6];
	v27 =	vld [tilespmem:$0x1FED0];
	[tilespmem:s6+$0x0] =	vst v21  }
.LBB2_51:
0x26b: {  	s4 =	sld [smem:$0x7E1];
	_ =	sdelay $0x2  }
0x26c: {  	p3 =	seq.s32 s4, $0x1  }
.Ltmp27:
0x26d: {  	_ = 	snop;
	(pc) =	sbr.rel @p3 .LBB2_55-.Ltmp27, $2  }
0x26e: {  	_ =	sdelay $0x2  }
0x26f: {  	s6 =	simm.s32 $0x0  }
0x270: {  	s4 =	sadd.s32 s6, s18  }
0x271: {  	p3 =	slt.s32 s4, $0x35F0  }
0x272: {  	v21 =	vor.u32 s4, v20;
	s4 =	simm.s32 @!p3 $0x35F0  }
0x273: {  	vm0 =	vge.u32 v21, v51;
	vm1 =	vlt.s32 v21, v27;
	v21 =	vld [tilespmem:s4+$0x0];
	_ =	sdelay $0x2  }
0x274: {  	s7 =	sadd.s32 $0x10, s6  }
0x275: {  	s6 =	sadd.s32 s7, s18;
	s7 =	sadd.s32 $0x10, s7;
	vm0 =	vmand vm0, vm1  }
.LBB2_53:
0x276: {  	p3 =	sne.s32 s7, $0x660;
	p4 =	slt.s32 s6, $0x35F0;
	v21 =	vsel vm0, $0x0, v21  }
0x277: {  	[tilespmem:s4+$0x0] =	vst v21;
	s4 =	smov.u32 s6  }
0x278: {  	s4 =	simm.s32 @!p4 $0x35F0  }
.Ltmp28:
0x279: {  	v21 =	vld [tilespmem:s4+$0x0];
	(pc) =	sbr.rel @p3 .LBB2_53-.Ltmp28, $4  }
0x27a: {  	_ = 	snop  }
0x27b: {  	v24 =	vor.u32 s6, v20  }
0x27c: {  	vm0 =	vge.u32 v24, v51;
	vm1 =	vlt.s32 v24, v27  }
0x27d: {  	s6 =	sadd.s32 s7, s18;
	s7 =	sadd.s32 $0x10, s7;
	vm0 =	vmand vm0, vm1  }
0x27e: {  	p3 =	slt.s32 s6, $0x35F0;
	v21 =	vsel vm0, $0x0, v21  }
0x27f: {  	v24 =	vor.u32 s6, v20;
	s6 =	simm.s32 @!p3 $0x35F0;
	[tilespmem:s4+$0x0] =	vst v21  }
0x280: {  	v21 =	vld [tilespmem:s6+$0x0];
	_ =	sdelay $0x2  }
0x281: {  	vm15 =	vge.u32 v24, v51;
	vm1 =	vlt.s32 v24, v27  }
0x282: {  	vm0 =	vmand vm15, vm1  }
0x283: {  	v21 =	vsel vm0, $0x0, v21  }
0x284: {  	s7 =	rddreg [dreg:$0x6];
	v24 =	vld [tilespmem:$0x1FEC0];
	[tilespmem:s6+$0x0] =	vst v21  }
.LBB2_55:
0x285: {  	s4 =	sld [smem:$0x7E3];
	_ =	sdelay $0x2  }
0x286: {  	p3 =	seq.s32 s4, $0x1  }
.Ltmp29:
0x287: {  	_ = 	snop;
	(pc) =	sbr.rel @p3 .LBB2_59-.Ltmp29, $2  }
0x288: {  	_ =	sdelay $0x2  }
0x289: {  	s6 =	simm.s32 $0x0  }
0x28a: {  	v28 =	vld [tilespmem:$0x1FD70];
	_ =	sdelay $0x1  }
0x28b: {  	s4 =	sadd.s32 s6, s19  }
0x28c: {  	p3 =	slt.s32 s4, $0x35F0  }
0x28d: {  	v21 =	vor.u32 s4, v20;
	s4 =	simm.s32 @!p3 $0x35F0  }
0x28e: {  	vm0 =	vge.u32 v21, v52;
	vm1 =	vlt.s32 v21, v28;
	v21 =	vld [tilespmem:s4+$0x0];
	_ =	sdelay $0x2  }
0x28f: {  	s7 =	sadd.s32 $0x10, s6  }
0x290: {  	s6 =	sadd.s32 s7, s19;
	s7 =	sadd.s32 $0x10, s7;
	vm0 =	vmand vm0, vm1  }
.LBB2_57:
0x291: {  	p3 =	sne.s32 s7, $0x800;
	p4 =	slt.s32 s6, $0x35F0;
	v21 =	vsel vm0, $0x0, v21  }
0x292: {  	[tilespmem:s4+$0x0] =	vst v21;
	s4 =	smov.u32 s6  }
0x293: {  	s4 =	simm.s32 @!p4 $0x35F0  }
.Ltmp30:
0x294: {  	v21 =	vld [tilespmem:s4+$0x0];
	(pc) =	sbr.rel @p3 .LBB2_57-.Ltmp30, $4  }
0x295: {  	_ = 	snop  }
0x296: {  	v24 =	vor.u32 s6, v20  }
0x297: {  	vm0 =	vge.u32 v24, v52;
	vm1 =	vlt.s32 v24, v28  }
0x298: {  	s6 =	sadd.s32 s7, s19;
	s7 =	sadd.s32 $0x10, s7;
	vm0 =	vmand vm0, vm1  }
0x299: {  	p3 =	slt.s32 s6, $0x35F0;
	v21 =	vsel vm0, $0x0, v21  }
0x29a: {  	v24 =	vor.u32 s6, v20;
	s6 =	simm.s32 @!p3 $0x35F0;
	[tilespmem:s4+$0x0] =	vst v21  }
0x29b: {  	v21 =	vld [tilespmem:s6+$0x0];
	_ =	sdelay $0x2  }
0x29c: {  	vm15 =	vge.u32 v24, v52;
	vm1 =	vlt.s32 v24, v28  }
0x29d: {  	vm0 =	vmand vm15, vm1  }
0x29e: {  	v21 =	vsel vm0, $0x0, v21  }
0x29f: {  	s7 =	rddreg [dreg:$0x6];
	v24 =	vld [tilespmem:$0x1FEC0];
	v28 =	vmov v33;
	[tilespmem:s6+$0x0] =	vst v21  }
.LBB2_59:
0x2a0: {  	s4 =	sld [smem:$0x7E4];
	_ =	sdelay $0x2  }
0x2a1: {  	p3 =	seq.s32 s4, $0x1  }
.Ltmp31:
0x2a2: {  	_ = 	snop;
	(pc) =	sbr.rel @p3 .LBB2_63-.Ltmp31, $2  }
0x2a3: {  	_ =	sdelay $0x2  }
0x2a4: {  	s6 =	simm.s32 $0x0  }
0x2a5: {  	s9 =	rddreg [dreg:$0xc]  }
0x2a6: {  	v21 =	vor.u32 s9, v20  }
0x2a7: {  	v24 =	vadd.s32 v21, v54  }
0x2a8: {  	v25 =	vcvt.s32.f32 v24;
	_ =	sdelay $0x1  }
0x2a9: {  	v26 =	vadd.f32 $-4.670000000e+02, v25  }
0x2aa: {  	s6 =	simm.s32 $0x0  }
0x2ab: {  	vm1 =	vlt.s32 v24, $0x1D3;
	v24 =	vld.idx.msk [tilespmem:v23+s6+$0x0 ss:$0x1], $0xffff;
	v26 =	vmul.f32 $2.145922740e-03, v26;
	_ =	sdelay $0x1  }
0x2ac: {  	v27 =	vmul.f32 $2.145922740e-03, v25;
	v26 =	vsub.f32 $1.000000000e+00, v26  }
0x2ad: {  	s4 =	rddreg [dreg:$0x5];
	s7 =	sadd.s32 $0x10, s9  }
0x2ae: {  	[dreg:$0x5] =	wrdreg s4;
	s4 =	simm.s32 $0x40;
	s9 =	simm.s32 $0x80;
	vm0 =	vge.u32 v21, v53;
	v25 =	vor.u32 s7, v20;
	v26 =	vsel vm1, v27, v26  }
.LBB2_61:
0x2af: {  	p3 =	sne.s32 s9, $0xEC0;
	v27 =	vadd.s32 v25, v54;
	vm1 =	vlt.s32 v21, v28;
	v26 =	vmul.f32 v24, v26;
	v21 =	vmovc v25  }
0x2b0: {  	v25 =	vcvt.s32.f32 v27;
	vm0 =	vmand vm0, vm1  }
0x2b1: {  	v24 =	vsel vm0, v26, v24  }
0x2b2: {  	v26 =	vadd.f32 $-4.670000000e+02, v25;
	[tilespmem:v23+s6+$0x0 ss:$0x1] =	vst.idx.msk $0xffff, v24;
	s6 =	sshra.s32 s4, $0x2;
	s4 =	smov.u32 s9  }
0x2b3: {  	v24 =	vld.idx.msk [tilespmem:v23+s6+$0x0 ss:$0x1], $0xffff  }
.Ltmp32:
0x2b4: {  	v28 =	vmul.f32 $2.145922740e-03, v25;
	v26 =	vmul.f32 $2.145922740e-03, v26;
	(pc) =	sbr.rel @p3 .LBB2_61-.Ltmp32, $4  }
0x2b5: {  	_ = 	snop  }
0x2b6: {  	v26 =	vsub.f32 $1.000000000e+00, v26  }
0x2b7: {  	s7 =	sadd.s32 $0x10, s7;
	vm1 =	vlt.s32 v27, $0x1D3  }
0x2b8: {  	vm0 =	vge.u32 v21, v53;
	v25 =	vor.u32 s7, v20;
	s9 =	sadd.s32 $0x40, s9;
	v26 =	vsel vm1, v28, v26;
	v28 =	vmovc v33  }
0x2b9: {  	v27 =	vadd.s32 v25, v54  }
0x2ba: {  	vm1 =	vlt.s32 v21, v28;
	v21 =	vmul.f32 v24, v26;
	v26 =	vcvt.s32.f32 v27  }
0x2bb: {  	vm0 =	vmand vm0, vm1  }
0x2bc: {  	v21 =	vsel vm0, v21, v24;
	v24 =	vadd.f32 $-4.670000000e+02, v26  }
0x2bd: {  	s4 =	sshra.s32 s4, $0x2;
	[tilespmem:v23+s6+$0x0 ss:$0x1] =	vst.idx.msk $0xffff, v21  }
0x2be: {  	v21 =	vld.idx.msk [tilespmem:v23+s4+$0x0 ss:$0x1], $0xffff;
	v24 =	vmul.f32 $2.145922740e-03, v24;
	_ =	sdelay $0x1  }
0x2bf: {  	v26 =	vmul.f32 $2.145922740e-03, v26;
	v24 =	vsub.f32 $1.000000000e+00, v24  }
0x2c0: {  	vm13 =	vlt.s32 v27, $0x1D3  }
0x2c1: {  	v24 =	vsel vm13, v26, v24  }
0x2c2: {  	vm14 =	vge.u32 v25, v53;
	vm15 =	vlt.s32 v25, v28;
	v25 =	vld [tilespmem:$0x1FE90];
	v24 =	vmul.f32 v21, v24  }
0x2c3: {  	v27 =	vld [tilespmem:$0x1FED0];
	vm0 =	vmand vm14, vm15  }
0x2c4: {  	s7 =	rddreg [dreg:$0x6];
	v26 =	vld [tilespmem:$0x1FEA0];
	v21 =	vsel vm0, v24, v21  }
0x2c5: {  	s9 =	rddreg [dreg:$0x7];
	s6 =	simm.s32 $0x0;
	v24 =	vld [tilespmem:$0x1FEC0];
	[tilespmem:v23+s4+$0x0 ss:$0x1] =	vst.idx.msk $0xffff, v21  }
.LBB2_63:
0x2c6: {  	s4 =	sld [smem:$0x7E6];
	_ =	sdelay $0x2  }
0x2c7: {  	p3 =	seq.s32 s4, $0x1  }
.Ltmp33:
0x2c8: {  	_ = 	snop;
	(pc) =	sbr.rel @p3 .LBB2_67-.Ltmp33, $1  }
0x2c9: {  	_ =	sdelay $0x3  }
0x2ca: {  	v34 =	vld [tilespmem:$0x1FD80];
	_ =	sdelay $0x1  }
0x2cb: {  	s4 =	sadd.s32 s6, s22  }
0x2cc: {  	p3 =	slt.s32 s4, $0x35F0  }
0x2cd: {  	v21 =	vor.u32 s4, v20;
	s4 =	simm.s32 @!p3 $0x35F0  }
0x2ce: {  	vm0 =	vge.u32 v21, v55;
	vm1 =	vlt.s32 v21, v34;
	v21 =	vld [tilespmem:s4+$0x0];
	_ =	sdelay $0x2  }
0x2cf: {  	s7 =	sadd.s32 $0x10, s6  }
0x2d0: {  	s6 =	sadd.s32 s7, s22;
	s7 =	sadd.s32 $0x10, s7;
	vm0 =	vmand vm0, vm1  }
.LBB2_65:
0x2d1: {  	p3 =	sne.s32 s7, $0x9E0;
	p4 =	slt.s32 s6, $0x35F0;
	v21 =	vsel vm0, $0x0, v21  }
0x2d2: {  	[tilespmem:s4+$0x0] =	vst v21;
	s4 =	smov.u32 s6  }
0x2d3: {  	s4 =	simm.s32 @!p4 $0x35F0  }
.Ltmp34:
0x2d4: {  	v21 =	vld [tilespmem:s4+$0x0];
	(pc) =	sbr.rel @p3 .LBB2_65-.Ltmp34, $4  }
0x2d5: {  	_ = 	snop  }
0x2d6: {  	v24 =	vor.u32 s6, v20  }
0x2d7: {  	vm0 =	vge.u32 v24, v55;
	vm1 =	vlt.s32 v24, v34  }
0x2d8: {  	s6 =	sadd.s32 s7, s22;
	s7 =	sadd.s32 $0x10, s7;
	vm0 =	vmand vm0, vm1  }
0x2d9: {  	p3 =	slt.s32 s6, $0x35F0;
	v21 =	vsel vm0, $0x0, v21  }
0x2da: {  	v24 =	vor.u32 s6, v20;
	s6 =	simm.s32 @!p3 $0x35F0;
	[tilespmem:s4+$0x0] =	vst v21  }
0x2db: {  	v21 =	vld [tilespmem:s6+$0x0];
	_ =	sdelay $0x2  }
0x2dc: {  	vm15 =	vge.u32 v24, v55;
	vm1 =	vlt.s32 v24, v34  }
0x2dd: {  	vm0 =	vmand vm15, vm1  }
0x2de: {  	v24 =	vld [tilespmem:$0x1FEC0];
	v21 =	vsel vm0, $0x0, v21  }
0x2df: {  	s7 =	rddreg [dreg:$0x6];
	v34 =	vld [tilespmem:$0x1FF50];
	[tilespmem:s6+$0x0] =	vst v21  }
.LBB2_67:
0x2e0: {  	s4 =	sld [smem:$0x7E8];
	_ =	sdelay $0x2  }
0x2e1: {  	p3 =	seq.s32 s4, $0x1  }
.Ltmp35:
0x2e2: {  	_ = 	snop;
	(pc) =	sbr.rel @p3 .LBB2_71-.Ltmp35, $2  }
0x2e3: {  	_ =	sdelay $0x2  }
0x2e4: {  	s6 =	simm.s32 $0x0  }
0x2e5: {  	s4 =	sadd.s32 s6, s24  }
0x2e6: {  	p3 =	slt.s32 s4, $0x35F0  }
0x2e7: {  	v21 =	vor.u32 s4, v20;
	s4 =	simm.s32 @!p3 $0x35F0  }
0x2e8: {  	vm0 =	vge.u32 v21, v56;
	vm1 =	vlt.s32 v21, v34;
	v21 =	vld [tilespmem:s4+$0x0];
	_ =	sdelay $0x2  }
0x2e9: {  	s7 =	sadd.s32 $0x10, s6  }
0x2ea: {  	s6 =	sadd.s32 s7, s24;
	s7 =	sadd.s32 $0x10, s7;
	vm0 =	vmand vm0, vm1  }
.LBB2_69:
0x2eb: {  	p3 =	sne.s32 s7, $0xB50;
	p4 =	slt.s32 s6, $0x35F0;
	v21 =	vsel vm0, $0x0, v21  }
0x2ec: {  	[tilespmem:s4+$0x0] =	vst v21;
	s4 =	smov.u32 s6  }
0x2ed: {  	s4 =	simm.s32 @!p4 $0x35F0  }
.Ltmp36:
0x2ee: {  	v21 =	vld [tilespmem:s4+$0x0];
	(pc) =	sbr.rel @p3 .LBB2_69-.Ltmp36, $4  }
0x2ef: {  	_ = 	snop  }
0x2f0: {  	v24 =	vor.u32 s6, v20  }
0x2f1: {  	vm0 =	vge.u32 v24, v56;
	vm1 =	vlt.s32 v24, v34  }
0x2f2: {  	s6 =	sadd.s32 s7, s24;
	s7 =	sadd.s32 $0x10, s7;
	vm0 =	vmand vm0, vm1  }
0x2f3: {  	p3 =	slt.s32 s6, $0x35F0;
	v21 =	vsel vm0, $0x0, v21  }
0x2f4: {  	v24 =	vor.u32 s6, v20;
	s6 =	simm.s32 @!p3 $0x35F0;
	[tilespmem:s4+$0x0] =	vst v21  }
0x2f5: {  	v21 =	vld [tilespmem:s6+$0x0];
	_ =	sdelay $0x2  }
0x2f6: {  	vm15 =	vge.u32 v24, v56;
	vm1 =	vlt.s32 v24, v34  }
0x2f7: {  	vm0 =	vmand vm15, vm1  }
0x2f8: {  	v21 =	vsel vm0, $0x0, v21  }
0x2f9: {  	s7 =	rddreg [dreg:$0x6];
	v24 =	vld [tilespmem:$0x1FEC0];
	[tilespmem:s6+$0x0] =	vst v21  }
.LBB2_71:
0x2fa: {  	s4 =	sld [smem:$0x7EA];
	_ =	sdelay $0x2  }
0x2fb: {  	p3 =	seq.s32 s4, $0x1  }
.Ltmp37:
0x2fc: {  	_ = 	snop;
	(pc) =	sbr.rel @p3 .LBB2_75-.Ltmp37, $1  }
0x2fd: {  	_ =	sdelay $0x3  }
0x2fe: {  	s4 =	sadd.s32 $0x0, s25  }
0x2ff: {  	v21 =	vor.u32 s4, v20  }
0x300: {  	v24 =	vadd.s32 v21, v57  }
0x301: {  	v26 =	vcvt.s32.f32 v24;
	_ =	sdelay $0x1  }
0x302: {  	p3 =	slt.s32 s4, $0x35F0;
	v25 =	vadd.f32 $-1.135000000e+03, v26  }
0x303: {  	v35 =	vld [tilespmem:$0x1FD90];
	s4 =	simm.s32 @!p3 $0x35F0  }
0x304: {  	v27 =	vmul.f32 $8.818341880e-04, v25;
	v25 =	vld [tilespmem:s4+$0x0];
	_ =	sdelay $0x1  }
0x305: {  	s6 =	sadd.s32 $0x10, s25;
	s7 =	simm.s32 $0x20;
	v26 =	vmul.f32 $8.818341880e-04, v26;
	v27 =	vsub.f32 $1.000000000e+00, v27  }
.LBB2_73:
0x306: {  	p3 =	sne.s32 s7, $0x8E0;
	v28 =	vor.u32 s6, v20;
	vm0 =	vlt.s32 v24, $0x46F  }
0x307: {  	vm1 =	vge.u32 v21, v63;
	v24 =	vadd.s32 v28, v57;
	v26 =	vsel vm0, v26, v27  }
0x308: {  	vm0 =	vlt.u32 v21, v35;
	v21 =	vmovc v28;
	v27 =	vcvt.s32.f32 v24;
	v26 =	vmul.f32 v25, v26  }
0x309: {  	vm0 =	vmand vm1, vm0  }
0x30a: {  	p4 =	slt.s32 s6, $0x35F0;
	v28 =	vadd.f32 $-1.135000000e+03, v27;
	v25 =	vsel vm0, v26, v25  }
.Ltmp38:
0x30b: {  	[tilespmem:s4+$0x0] =	vst v25;
	s4 =	smov.u32 s6;
	(pc) =	sbr.rel @p3 .LBB2_73-.Ltmp38, $3  }
0x30c: {  	s4 =	simm.s32 @!p4 $0x35F0  }
0x30d: {  	v28 =	vmul.f32 $8.818341880e-04, v28;
	v25 =	vld [tilespmem:s4+$0x0];
	_ =	sdelay $0x1  }
0x30e: {  	v26 =	vmul.f32 $8.818341880e-04, v27;
	s6 =	sadd.s32 s7, s25;
	s7 =	sadd.s32 $0x10, s7;
	v27 =	vsub.f32 $1.000000000e+00, v28  }
0x30f: {  	v28 =	vor.u32 s6, v20;
	vm0 =	vlt.s32 v24, $0x46F  }
0x310: {  	vm1 =	vge.u32 v21, v63;
	v24 =	vadd.s32 v28, v57;
	v26 =	vsel vm0, v26, v27  }
0x311: {  	vm12 =	vlt.u32 v21, v35;
	v27 =	vcvt.s32.f32 v24;
	v21 =	vmul.f32 v25, v26  }
0x312: {  	vm0 =	vmand vm1, vm12  }
0x313: {  	p3 =	slt.s32 s6, $0x35F0;
	v26 =	vadd.f32 $-1.135000000e+03, v27;
	v21 =	vsel vm0, v21, v25  }
0x314: {  	s6 =	simm.s32 @!p3 $0x35F0;
	[tilespmem:s4+$0x0] =	vst v21  }
0x315: {  	v21 =	vld [tilespmem:s6+$0x0];
	v25 =	vmul.f32 $8.818341880e-04, v26;
	_ =	sdelay $0x1  }
0x316: {  	v26 =	vmul.f32 $8.818341880e-04, v27;
	v25 =	vsub.f32 $1.000000000e+00, v25  }
0x317: {  	vm13 =	vlt.s32 v24, $0x46F  }
0x318: {  	vm15 =	vlt.u32 v28, v35;
	v35 =	vld [tilespmem:$0x1FF60];
	v24 =	vsel vm13, v26, v25  }
0x319: {  	vm14 =	vge.u32 v28, v63;
	v27 =	vld [tilespmem:$0x1FED0];
	v24 =	vmul.f32 v21, v24  }
0x31a: {  	vm0 =	vmand vm14, vm15;
	v25 =	vld [tilespmem:$0x1FE90]  }
0x31b: {  	v26 =	vld [tilespmem:$0x1FEA0];
	v21 =	vsel vm0, v24, v21  }
0x31c: {  	s7 =	rddreg [dreg:$0x6];
	v28 =	vmov v33;
	v24 =	vld [tilespmem:$0x1FEC0];
	[tilespmem:s6+$0x0] =	vst v21  }
.LBB2_75:
0x31d: {  	s4 =	sld [smem:$0x7EC];
	_ =	sdelay $0x2  }
0x31e: {  	p3 =	seq.s32 s4, $0x1  }
.Ltmp39:
0x31f: {  	_ = 	snop;
	(pc) =	sbr.rel @p3 .LBB2_79-.Ltmp39, $1  }
0x320: {  	_ =	sdelay $0x3  }
0x321: {  	s4 =	sadd.s32 $0x0, s26  }
0x322: {  	v21 =	vor.u32 s4, v20  }
0x323: {  	v24 =	vadd.s32 v21, v58  }
0x324: {  	v26 =	vcvt.s32.f32 v24;
	_ =	sdelay $0x1  }
0x325: {  	p3 =	slt.s32 s4, $0x35F0;
	v25 =	vadd.f32 $-2.166000000e+03, v26  }
0x326: {  	s4 =	simm.s32 @!p3 $0x35F0  }
0x327: {  	v27 =	vmul.f32 $-4.616805240e-04, v25;
	v25 =	vld [tilespmem:s4+$0x0];
	_ =	sdelay $0x1  }
0x328: {  	s6 =	sadd.s32 $0x10, s26;
	s7 =	simm.s32 $0x20;
	v26 =	vmul.f32 $4.618937670e-04, v26;
	v27 =	vadd.f32 $1.000000000e+00, v27  }
.LBB2_77:
0x329: {  	p3 =	sne.s32 s7, $0x10F0;
	v28 =	vor.u32 s6, v20;
	vm0 =	vlt.s32 v24, $0x876  }
0x32a: {  	vm1 =	vge.u32 v21, v0;
	v24 =	vadd.s32 v28, v58;
	v26 =	vsel vm0, v26, v27  }
0x32b: {  	vm0 =	vlt.s32 v21, v35;
	v21 =	vmovc v28;
	v27 =	vcvt.s32.f32 v24;
	v26 =	vmul.f32 v25, v26  }
0x32c: {  	vm0 =	vmand vm1, vm0  }
0x32d: {  	p4 =	slt.s32 s6, $0x35F0;
	v28 =	vadd.f32 $-2.166000000e+03, v27;
	v25 =	vsel vm0, v26, v25  }
.Ltmp40:
0x32e: {  	[tilespmem:s4+$0x0] =	vst v25;
	s4 =	smov.u32 s6;
	(pc) =	sbr.rel @p3 .LBB2_77-.Ltmp40, $3  }
0x32f: {  	s4 =	simm.s32 @!p4 $0x35F0  }
0x330: {  	v28 =	vmul.f32 $-4.616805240e-04, v28;
	v25 =	vld [tilespmem:s4+$0x0];
	_ =	sdelay $0x1  }
0x331: {  	v26 =	vmul.f32 $4.618937670e-04, v27;
	s6 =	sadd.s32 s7, s26;
	s7 =	sadd.s32 $0x10, s7;
	v27 =	vadd.f32 $1.000000000e+00, v28  }
0x332: {  	v28 =	vor.u32 s6, v20;
	vm0 =	vlt.s32 v24, $0x876  }
0x333: {  	vm1 =	vge.u32 v21, v0;
	v24 =	vadd.s32 v28, v58;
	v26 =	vsel vm0, v26, v27  }
0x334: {  	vm12 =	vlt.s32 v21, v35;
	v27 =	vcvt.s32.f32 v24;
	v21 =	vmul.f32 v25, v26  }
0x335: {  	vm0 =	vmand vm1, vm12  }
0x336: {  	p3 =	slt.s32 s6, $0x35F0;
	v26 =	vadd.f32 $-2.166000000e+03, v27;
	v21 =	vsel vm0, v21, v25  }
0x337: {  	s6 =	simm.s32 @!p3 $0x35F0;
	[tilespmem:s4+$0x0] =	vst v21  }
0x338: {  	v21 =	vld [tilespmem:s6+$0x0];
	v25 =	vmul.f32 $-4.616805240e-04, v26;
	_ =	sdelay $0x1  }
0x339: {  	v26 =	vmul.f32 $4.618937670e-04, v27;
	v25 =	vadd.f32 $1.000000000e+00, v25  }
0x33a: {  	vm13 =	vlt.s32 v24, $0x876  }
0x33b: {  	v24 =	vsel vm13, v26, v25  }
0x33c: {  	vm14 =	vge.u32 v28, v0;
	vm15 =	vlt.s32 v28, v35;
	v27 =	vld [tilespmem:$0x1FED0];
	v24 =	vmul.f32 v21, v24  }
0x33d: {  	vm0 =	vmand vm14, vm15;
	v25 =	vld [tilespmem:$0x1FE90]  }
0x33e: {  	v26 =	vld [tilespmem:$0x1FEA0];
	v21 =	vsel vm0, v24, v21  }
0x33f: {  	s7 =	rddreg [dreg:$0x6];
	v28 =	vmov v33;
	v24 =	vld [tilespmem:$0x1FEC0];
	[tilespmem:s6+$0x0] =	vst v21  }
.LBB2_79:
0x340: {  	s4 =	sld [smem:$0x7EE];
	_ =	sdelay $0x2  }
0x341: {  	p3 =	seq.s32 s4, $0x1  }
.Ltmp41:
0x342: {  	_ = 	snop;
	(pc) =	sbr.rel @p3 .LBB2_83-.Ltmp41, $2  }
0x343: {  	_ =	sdelay $0x2  }
0x344: {  	s6 =	simm.s32 $0x0  }
0x345: {  	s4 =	sadd.s32 $0x0, s28  }
0x346: {  	v21 =	vor.u32 s4, v20  }
0x347: {  	v24 =	vadd.s32 v21, v59  }
0x348: {  	v26 =	vcvt.s32.f32 v24;
	_ =	sdelay $0x1  }
0x349: {  	p3 =	slt.s32 s4, $0x35F0;
	v25 =	vadd.f32 $-2.105000000e+03, v26  }
0x34a: {  	v36 =	vld [tilespmem:$0x1FDA0];
	s4 =	simm.s32 @!p3 $0x35F0  }
0x34b: {  	v27 =	vmul.f32 $-4.750593800e-04, v25;
	v25 =	vld [tilespmem:s4+$0x0];
	_ =	sdelay $0x1  }
0x34c: {  	s6 =	sadd.s32 $0x10, s28;
	s7 =	simm.s32 $0x20;
	v26 =	vmul.f32 $4.752851670e-04, v26;
	v27 =	vadd.f32 $1.000000000e+00, v27  }
.LBB2_81:
0x34d: {  	p3 =	sne.s32 s7, $0x1080;
	v28 =	vor.u32 s6, v20;
	vm0 =	vlt.s32 v24, $0x839  }
0x34e: {  	vm1 =	vge.u32 v21, v1;
	v24 =	vadd.s32 v28, v59;
	v26 =	vsel vm0, v26, v27  }
0x34f: {  	vm0 =	vlt.s32 v21, v36;
	v21 =	vmovc v28;
	v27 =	vcvt.s32.f32 v24;
	v26 =	vmul.f32 v25, v26  }
0x350: {  	vm0 =	vmand vm1, vm0  }
0x351: {  	p4 =	slt.s32 s6, $0x35F0;
	v28 =	vadd.f32 $-2.105000000e+03, v27;
	v25 =	vsel vm0, v26, v25  }
.Ltmp42:
0x352: {  	[tilespmem:s4+$0x0] =	vst v25;
	s4 =	smov.u32 s6;
	(pc) =	sbr.rel @p3 .LBB2_81-.Ltmp42, $3  }
0x353: {  	s4 =	simm.s32 @!p4 $0x35F0  }
0x354: {  	v28 =	vmul.f32 $-4.750593800e-04, v28;
	v25 =	vld [tilespmem:s4+$0x0];
	_ =	sdelay $0x1  }
0x355: {  	v26 =	vmul.f32 $4.752851670e-04, v27;
	s6 =	sadd.s32 s7, s28;
	s7 =	sadd.s32 $0x10, s7;
	v27 =	vadd.f32 $1.000000000e+00, v28  }
0x356: {  	v28 =	vor.u32 s6, v20;
	vm0 =	vlt.s32 v24, $0x839  }
0x357: {  	vm1 =	vge.u32 v21, v1;
	v24 =	vadd.s32 v28, v59;
	v26 =	vsel vm0, v26, v27  }
0x358: {  	vm12 =	vlt.s32 v21, v36;
	v27 =	vcvt.s32.f32 v24;
	v21 =	vmul.f32 v25, v26  }
0x359: {  	vm0 =	vmand vm1, vm12  }
0x35a: {  	p3 =	slt.s32 s6, $0x35F0;
	v26 =	vadd.f32 $-2.105000000e+03, v27;
	v21 =	vsel vm0, v21, v25  }
0x35b: {  	s6 =	simm.s32 @!p3 $0x35F0;
	[tilespmem:s4+$0x0] =	vst v21  }
0x35c: {  	v21 =	vld [tilespmem:s6+$0x0];
	v25 =	vmul.f32 $-4.750593800e-04, v26;
	_ =	sdelay $0x1  }
0x35d: {  	v26 =	vmul.f32 $4.752851670e-04, v27;
	v25 =	vadd.f32 $1.000000000e+00, v25  }
0x35e: {  	vm13 =	vlt.s32 v24, $0x839  }
0x35f: {  	vm15 =	vlt.s32 v28, v36;
	v36 =	vld [tilespmem:$0x1FF70];
	v24 =	vsel vm13, v26, v25  }
0x360: {  	vm14 =	vge.u32 v28, v1;
	v27 =	vld [tilespmem:$0x1FED0];
	v24 =	vmul.f32 v21, v24  }
0x361: {  	vm0 =	vmand vm14, vm15;
	v25 =	vld [tilespmem:$0x1FE90]  }
0x362: {  	v26 =	vld [tilespmem:$0x1FEA0];
	v21 =	vsel vm0, v24, v21  }
0x363: {  	s7 =	rddreg [dreg:$0x6];
	v28 =	vmov v33;
	v24 =	vld [tilespmem:$0x1FEC0];
	[tilespmem:s6+$0x0] =	vst v21;
	s6 =	simm.s32 $0x0  }
.LBB2_83:
0x364: {  	s4 =	sld [smem:$0x7EF];
	_ =	sdelay $0x2  }
0x365: {  	p3 =	seq.s32 s4, $0x1  }
.Ltmp43:
0x366: {  	_ = 	snop;
	(pc) =	sbr.rel @p3 .LBB2_87-.Ltmp43, $1  }
0x367: {  	_ =	sdelay $0x3  }
0x368: {  	s4 =	sadd.s32 s6, s29  }
0x369: {  	p3 =	slt.s32 s4, $0x35F0  }
0x36a: {  	v21 =	vor.u32 s4, v20;
	s4 =	simm.s32 @!p3 $0x35F0  }
0x36b: {  	vm0 =	vge.u32 v21, v2;
	vm1 =	vlt.s32 v21, v36;
	v21 =	vld [tilespmem:s4+$0x0];
	_ =	sdelay $0x2  }
0x36c: {  	s7 =	sadd.s32 $0x10, s6  }
0x36d: {  	s6 =	sadd.s32 s7, s29;
	s7 =	sadd.s32 $0x10, s7;
	vm0 =	vmand vm0, vm1  }
.LBB2_85:
0x36e: {  	p3 =	sne.s32 s7, $0xC70;
	p4 =	slt.s32 s6, $0x35F0;
	v21 =	vsel vm0, $0x0, v21  }
0x36f: {  	[tilespmem:s4+$0x0] =	vst v21;
	s4 =	smov.u32 s6  }
0x370: {  	s4 =	simm.s32 @!p4 $0x35F0  }
.Ltmp44:
0x371: {  	v21 =	vld [tilespmem:s4+$0x0];
	(pc) =	sbr.rel @p3 .LBB2_85-.Ltmp44, $4  }
0x372: {  	_ = 	snop  }
0x373: {  	v24 =	vor.u32 s6, v20  }
0x374: {  	vm0 =	vge.u32 v24, v2;
	vm1 =	vlt.s32 v24, v36  }
0x375: {  	s6 =	sadd.s32 s7, s29;
	s7 =	sadd.s32 $0x10, s7;
	vm0 =	vmand vm0, vm1  }
0x376: {  	p3 =	slt.s32 s6, $0x35F0;
	v21 =	vsel vm0, $0x0, v21  }
0x377: {  	v24 =	vor.u32 s6, v20;
	s6 =	simm.s32 @!p3 $0x35F0;
	[tilespmem:s4+$0x0] =	vst v21  }
0x378: {  	v21 =	vld [tilespmem:s6+$0x0];
	_ =	sdelay $0x2  }
0x379: {  	vm15 =	vge.u32 v24, v2;
	vm1 =	vlt.s32 v24, v36  }
0x37a: {  	vm0 =	vmand vm15, vm1  }
0x37b: {  	v21 =	vsel vm0, $0x0, v21  }
0x37c: {  	s7 =	rddreg [dreg:$0x6];
	v24 =	vld [tilespmem:$0x1FEC0];
	[tilespmem:s6+$0x0] =	vst v21  }
.LBB2_87:
0x37d: {  	s4 =	sld [smem:$0x7F0];
	_ =	sdelay $0x2  }
0x37e: {  	p3 =	seq.s32 s4, $0x1  }
.Ltmp45:
0x37f: {  	_ = 	snop;
	(pc) =	sbr.rel @p3 .LBB2_91-.Ltmp45, $1  }
0x380: {  	_ =	sdelay $0x3  }
0x381: {  	s4 =	sadd.s32 $0x0, s30  }
0x382: {  	v21 =	vor.u32 s4, v20  }
0x383: {  	v24 =	vadd.s32 v21, v60  }
0x384: {  	v26 =	vcvt.s32.f32 v24;
	_ =	sdelay $0x1  }
0x385: {  	p3 =	slt.s32 s4, $0x35F0;
	v25 =	vadd.f32 $-1.957000000e+03, v26  }
0x386: {  	v37 =	vld [tilespmem:$0x1FDB0];
	s4 =	simm.s32 @!p3 $0x35F0  }
0x387: {  	v27 =	vmul.f32 $5.112474320e-04, v25;
	v25 =	vld [tilespmem:s4+$0x0];
	_ =	sdelay $0x1  }
0x388: {  	s6 =	sadd.s32 $0x10, s30;
	s7 =	simm.s32 $0x20;
	v26 =	vmul.f32 $5.112474320e-04, v26;
	v27 =	vsub.f32 $1.000000000e+00, v27  }
.LBB2_89:
0x389: {  	p3 =	sne.s32 s7, $0xF50;
	v28 =	vor.u32 s6, v20;
	vm0 =	vlt.s32 v24, $0x7A5  }
0x38a: {  	vm1 =	vge.u32 v21, v3;
	v24 =	vadd.s32 v28, v60;
	v26 =	vsel vm0, v26, v27  }
0x38b: {  	vm0 =	vlt.s32 v21, v37;
	v21 =	vmovc v28;
	v27 =	vcvt.s32.f32 v24;
	v26 =	vmul.f32 v25, v26  }
0x38c: {  	vm0 =	vmand vm1, vm0  }
0x38d: {  	p4 =	slt.s32 s6, $0x35F0;
	v28 =	vadd.f32 $-1.957000000e+03, v27;
	v25 =	vsel vm0, v26, v25  }
.Ltmp46:
0x38e: {  	[tilespmem:s4+$0x0] =	vst v25;
	s4 =	smov.u32 s6;
	(pc) =	sbr.rel @p3 .LBB2_89-.Ltmp46, $3  }
0x38f: {  	s4 =	simm.s32 @!p4 $0x35F0  }
0x390: {  	v28 =	vmul.f32 $5.112474320e-04, v28;
	v25 =	vld [tilespmem:s4+$0x0];
	_ =	sdelay $0x1  }
0x391: {  	v26 =	vmul.f32 $5.112474320e-04, v27;
	s6 =	sadd.s32 s7, s30;
	s7 =	sadd.s32 $0x10, s7;
	v27 =	vsub.f32 $1.000000000e+00, v28  }
0x392: {  	v28 =	vor.u32 s6, v20;
	vm0 =	vlt.s32 v24, $0x7A5  }
0x393: {  	vm1 =	vge.u32 v21, v3;
	v24 =	vadd.s32 v28, v60;
	v26 =	vsel vm0, v26, v27  }
0x394: {  	vm12 =	vlt.s32 v21, v37;
	v27 =	vcvt.s32.f32 v24;
	v21 =	vmul.f32 v25, v26  }
0x395: {  	vm0 =	vmand vm1, vm12  }
0x396: {  	p3 =	slt.s32 s6, $0x35F0;
	v26 =	vadd.f32 $-1.957000000e+03, v27;
	v21 =	vsel vm0, v21, v25  }
0x397: {  	s6 =	simm.s32 @!p3 $0x35F0;
	[tilespmem:s4+$0x0] =	vst v21  }
0x398: {  	v21 =	vld [tilespmem:s6+$0x0];
	v25 =	vmul.f32 $5.112474320e-04, v26;
	_ =	sdelay $0x1  }
0x399: {  	v26 =	vmul.f32 $5.112474320e-04, v27;
	v25 =	vsub.f32 $1.000000000e+00, v25  }
0x39a: {  	vm13 =	vlt.s32 v24, $0x7A5  }
0x39b: {  	vm15 =	vlt.s32 v28, v37;
	v37 =	vld [tilespmem:$0x1FF80];
	v24 =	vsel vm13, v26, v25  }
0x39c: {  	vm14 =	vge.u32 v28, v3;
	v27 =	vld [tilespmem:$0x1FED0];
	v24 =	vmul.f32 v21, v24  }
0x39d: {  	vm0 =	vmand vm14, vm15;
	v25 =	vld [tilespmem:$0x1FE90]  }
0x39e: {  	v26 =	vld [tilespmem:$0x1FEA0];
	v21 =	vsel vm0, v24, v21  }
0x39f: {  	s7 =	rddreg [dreg:$0x6];
	v28 =	vmov v33;
	v24 =	vld [tilespmem:$0x1FEC0];
	[tilespmem:s6+$0x0] =	vst v21  }
.LBB2_91:
0x3a0: {  	s4 =	sld [smem:$0x7F3];
	_ =	sdelay $0x2  }
0x3a1: {  	p3 =	seq.s32 s4, $0x1  }
.Ltmp47:
0x3a2: {  	_ = 	snop;
	(pc) =	sbr.rel @p3 .LBB2_95-.Ltmp47, $1  }
0x3a3: {  	_ =	sdelay $0x3  }
0x3a4: {  	s4 =	sadd.s32 $0x0, s0  }
0x3a5: {  	v21 =	vor.u32 s4, v20  }
0x3a6: {  	v24 =	vadd.s32 v21, v61  }
0x3a7: {  	v26 =	vcvt.s32.f32 v24;
	_ =	sdelay $0x1  }
0x3a8: {  	p3 =	slt.s32 s4, $0x35F0;
	v25 =	vadd.f32 $-1.652000000e+03, v26  }
0x3a9: {  	v38 =	vld [tilespmem:$0x1FDC0];
	s4 =	simm.s32 @!p3 $0x35F0  }
0x3aa: {  	v27 =	vmul.f32 $6.056934940e-04, v25;
	v25 =	vld [tilespmem:s4+$0x0];
	_ =	sdelay $0x1  }
0x3ab: {  	s6 =	sadd.s32 $0x10, s0;
	s7 =	simm.s32 $0x20;
	v26 =	vmul.f32 $6.056934940e-04, v26;
	v27 =	vsub.f32 $1.000000000e+00, v27  }
.LBB2_93:
0x3ac: {  	p3 =	sne.s32 s7, $0xCF0;
	v28 =	vor.u32 s6, v20;
	vm0 =	vlt.s32 v24, $0x674  }
0x3ad: {  	vm1 =	vge.u32 v21, v6;
	v24 =	vadd.s32 v28, v61;
	v26 =	vsel vm0, v26, v27  }
0x3ae: {  	vm0 =	vlt.s32 v21, v38;
	v21 =	vmovc v28;
	v27 =	vcvt.s32.f32 v24;
	v26 =	vmul.f32 v25, v26  }
0x3af: {  	vm0 =	vmand vm1, vm0  }
0x3b0: {  	p4 =	slt.s32 s6, $0x35F0;
	v28 =	vadd.f32 $-1.652000000e+03, v27;
	v25 =	vsel vm0, v26, v25  }
.Ltmp48:
0x3b1: {  	[tilespmem:s4+$0x0] =	vst v25;
	s4 =	smov.u32 s6;
	(pc) =	sbr.rel @p3 .LBB2_93-.Ltmp48, $3  }
0x3b2: {  	s4 =	simm.s32 @!p4 $0x35F0  }
0x3b3: {  	v28 =	vmul.f32 $6.056934940e-04, v28;
	v25 =	vld [tilespmem:s4+$0x0];
	_ =	sdelay $0x1  }
0x3b4: {  	v26 =	vmul.f32 $6.056934940e-04, v27;
	s6 =	sadd.s32 s7, s0;
	s7 =	sadd.s32 $0x10, s7;
	v27 =	vsub.f32 $1.000000000e+00, v28  }
0x3b5: {  	v28 =	vor.u32 s6, v20;
	vm0 =	vlt.s32 v24, $0x674  }
0x3b6: {  	vm1 =	vge.u32 v21, v6;
	v24 =	vadd.s32 v28, v61;
	v26 =	vsel vm0, v26, v27  }
0x3b7: {  	vm12 =	vlt.s32 v21, v38;
	v27 =	vcvt.s32.f32 v24;
	v21 =	vmul.f32 v25, v26  }
0x3b8: {  	vm0 =	vmand vm1, vm12  }
0x3b9: {  	p3 =	slt.s32 s6, $0x35F0;
	v26 =	vadd.f32 $-1.652000000e+03, v27;
	v21 =	vsel vm0, v21, v25  }
0x3ba: {  	s6 =	simm.s32 @!p3 $0x35F0;
	[tilespmem:s4+$0x0] =	vst v21  }
0x3bb: {  	v21 =	vld [tilespmem:s6+$0x0];
	v25 =	vmul.f32 $6.056934940e-04, v26;
	_ =	sdelay $0x1  }
0x3bc: {  	v26 =	vmul.f32 $6.056934940e-04, v27;
	v25 =	vsub.f32 $1.000000000e+00, v25  }
0x3bd: {  	vm13 =	vlt.s32 v24, $0x674  }
0x3be: {  	vm15 =	vlt.s32 v28, v38;
	v38 =	vld [tilespmem:$0x1FF90];
	v24 =	vsel vm13, v26, v25  }
0x3bf: {  	vm14 =	vge.u32 v28, v6;
	v27 =	vld [tilespmem:$0x1FED0];
	v24 =	vmul.f32 v21, v24  }
0x3c0: {  	vm0 =	vmand vm14, vm15;
	v25 =	vld [tilespmem:$0x1FE90]  }
0x3c1: {  	v26 =	vld [tilespmem:$0x1FEA0];
	v21 =	vsel vm0, v24, v21  }
0x3c2: {  	s7 =	rddreg [dreg:$0x6];
	v28 =	vmov v33;
	v24 =	vld [tilespmem:$0x1FEC0];
	[tilespmem:s6+$0x0] =	vst v21  }
.LBB2_95:
0x3c3: {  	s4 =	sld [smem:$0x7F4];
	_ =	sdelay $0x2  }
0x3c4: {  	p3 =	seq.s32 s4, $0x1  }
.Ltmp49:
0x3c5: {  	_ = 	snop;
	(pc) =	sbr.rel @p3 .LBB2_99-.Ltmp49, $2  }
0x3c6: {  	_ =	sdelay $0x2  }
0x3c7: {  	s6 =	simm.s32 $0x0  }
0x3c8: {  	s4 =	sadd.s32 s6, s31  }
0x3c9: {  	p3 =	slt.s32 s4, $0x35F0  }
0x3ca: {  	v21 =	vor.u32 s4, v20;
	s4 =	simm.s32 @!p3 $0x35F0  }
0x3cb: {  	vm0 =	vge.u32 v21, v4;
	vm1 =	vlt.s32 v21, v38;
	v21 =	vld [tilespmem:s4+$0x0];
	_ =	sdelay $0x2  }
0x3cc: {  	s7 =	sadd.s32 $0x10, s6  }
0x3cd: {  	s6 =	sadd.s32 s7, s31;
	s7 =	sadd.s32 $0x10, s7;
	vm0 =	vmand vm0, vm1  }
.LBB2_97:
0x3ce: {  	p3 =	sne.s32 s7, $0x790;
	p4 =	slt.s32 s6, $0x35F0;
	v21 =	vsel vm0, $0x0, v21  }
0x3cf: {  	[tilespmem:s4+$0x0] =	vst v21;
	s4 =	smov.u32 s6  }
0x3d0: {  	s4 =	simm.s32 @!p4 $0x35F0  }
.Ltmp50:
0x3d1: {  	v21 =	vld [tilespmem:s4+$0x0];
	(pc) =	sbr.rel @p3 .LBB2_97-.Ltmp50, $4  }
0x3d2: {  	_ = 	snop  }
0x3d3: {  	v24 =	vor.u32 s6, v20  }
0x3d4: {  	vm0 =	vge.u32 v24, v4;
	vm1 =	vlt.s32 v24, v38  }
0x3d5: {  	s6 =	sadd.s32 s7, s31;
	s7 =	sadd.s32 $0x10, s7;
	vm0 =	vmand vm0, vm1  }
0x3d6: {  	p3 =	slt.s32 s6, $0x35F0;
	v21 =	vsel vm0, $0x0, v21  }
0x3d7: {  	v24 =	vor.u32 s6, v20;
	s6 =	simm.s32 @!p3 $0x35F0;
	[tilespmem:s4+$0x0] =	vst v21  }
0x3d8: {  	v21 =	vld [tilespmem:s6+$0x0];
	_ =	sdelay $0x2  }
0x3d9: {  	vm15 =	vge.u32 v24, v4;
	vm1 =	vlt.s32 v24, v38  }
0x3da: {  	vm0 =	vmand vm15, vm1  }
0x3db: {  	v21 =	vsel vm0, $0x0, v21  }
0x3dc: {  	s7 =	rddreg [dreg:$0x6];
	v24 =	vld [tilespmem:$0x1FEC0];
	[tilespmem:s6+$0x0] =	vst v21  }
.LBB2_99:
0x3dd: {  	s4 =	sld [smem:$0x7F5];
	_ =	sdelay $0x2  }
0x3de: {  	p3 =	seq.s32 s4, $0x1  }
.Ltmp51:
0x3df: {  	_ = 	snop;
	(pc) =	sbr.rel @p3 .LBB2_103-.Ltmp51, $1  }
0x3e0: {  	_ =	sdelay $0x3  }
0x3e1: {  	s4 =	sadd.s32 $0x0, s5  }
0x3e2: {  	v21 =	vor.u32 s4, v20  }
0x3e3: {  	v24 =	vadd.s32 v21, v62  }
0x3e4: {  	v26 =	vcvt.s32.f32 v24;
	_ =	sdelay $0x1  }
0x3e5: {  	p3 =	slt.s32 s4, $0x35F0;
	v25 =	vadd.f32 $-1.184000000e+03, v26  }
0x3e6: {  	s4 =	simm.s32 @!p3 $0x35F0  }
0x3e7: {  	v27 =	vmul.f32 $-8.445946150e-04, v25;
	v25 =	vld [tilespmem:s4+$0x0];
	_ =	sdelay $0x1  }
0x3e8: {  	s6 =	sadd.s32 $0x10, s5;
	s7 =	simm.s32 $0x20;
	v26 =	vmul.f32 $8.453085320e-04, v26;
	v27 =	vadd.f32 $1.000000000e+00, v27  }
.LBB2_101:
0x3e9: {  	p3 =	sne.s32 s7, $0x950;
	v28 =	vor.u32 s6, v20;
	vm0 =	vlt.s32 v24, $0x4A0  }
0x3ea: {  	vm1 =	vge.u32 v21, v5;
	v24 =	vadd.s32 v28, v62;
	v26 =	vsel vm0, v26, v27  }
0x3eb: {  	vm0 =	vlt.s32 v21, v40;
	v21 =	vmovc v28;
	v27 =	vcvt.s32.f32 v24;
	v26 =	vmul.f32 v25, v26  }
0x3ec: {  	vm0 =	vmand vm1, vm0  }
0x3ed: {  	p4 =	slt.s32 s6, $0x35F0;
	v28 =	vadd.f32 $-1.184000000e+03, v27;
	v25 =	vsel vm0, v26, v25  }
.Ltmp52:
0x3ee: {  	[tilespmem:s4+$0x0] =	vst v25;
	s4 =	smov.u32 s6;
	(pc) =	sbr.rel @p3 .LBB2_101-.Ltmp52, $3  }
0x3ef: {  	s4 =	simm.s32 @!p4 $0x35F0  }
0x3f0: {  	v28 =	vmul.f32 $-8.445946150e-04, v28;
	v25 =	vld [tilespmem:s4+$0x0];
	_ =	sdelay $0x1  }
0x3f1: {  	v26 =	vmul.f32 $8.453085320e-04, v27;
	s6 =	sadd.s32 s7, s5;
	s7 =	sadd.s32 $0x10, s7;
	v27 =	vadd.f32 $1.000000000e+00, v28  }
0x3f2: {  	v28 =	vor.u32 s6, v20;
	vm0 =	vlt.s32 v24, $0x4A0  }
0x3f3: {  	vm1 =	vge.u32 v21, v5;
	v24 =	vadd.s32 v28, v62;
	v26 =	vsel vm0, v26, v27  }
0x3f4: {  	vm12 =	vlt.s32 v21, v40;
	v27 =	vcvt.s32.f32 v24;
	v21 =	vmul.f32 v25, v26  }
0x3f5: {  	vm0 =	vmand vm1, vm12  }
0x3f6: {  	p3 =	slt.s32 s6, $0x35F0;
	v26 =	vadd.f32 $-1.184000000e+03, v27;
	v21 =	vsel vm0, v21, v25  }
0x3f7: {  	s6 =	simm.s32 @!p3 $0x35F0;
	[tilespmem:s4+$0x0] =	vst v21  }
0x3f8: {  	v21 =	vld [tilespmem:s6+$0x0];
	v25 =	vmul.f32 $-8.445946150e-04, v26;
	_ =	sdelay $0x1  }
0x3f9: {  	v26 =	vmul.f32 $8.453085320e-04, v27;
	v25 =	vadd.f32 $1.000000000e+00, v25  }
0x3fa: {  	vm13 =	vlt.s32 v24, $0x4A0  }
0x3fb: {  	v24 =	vsel vm13, v26, v25  }
0x3fc: {  	vm14 =	vge.u32 v28, v5;
	vm15 =	vlt.s32 v28, v40;
	v27 =	vld [tilespmem:$0x1FED0];
	v24 =	vmul.f32 v21, v24  }
0x3fd: {  	vm0 =	vmand vm14, vm15;
	v25 =	vld [tilespmem:$0x1FE90]  }
0x3fe: {  	v26 =	vld [tilespmem:$0x1FEA0];
	v21 =	vsel vm0, v24, v21  }
0x3ff: {  	s7 =	rddreg [dreg:$0x6];
	v28 =	vmov v33;
	v24 =	vld [tilespmem:$0x1FEC0];
	[tilespmem:s6+$0x0] =	vst v21  }
.LBB2_103:
0x400: {  	s4 =	sld [smem:$0x7F6];
	_ =	sdelay $0x2  }
0x401: {  	p3 =	seq.s32 s4, $0x1  }
.Ltmp53:
0x402: {  	_ = 	snop;
	(pc) =	sbr.rel @p3 .LBB2_107-.Ltmp53, $1  }
0x403: {  	_ =	sdelay $0x3  }
0x404: {  	s4 =	sadd.s32 $0x0, s21  }
0x405: {  	v21 =	vor.u32 s4, v20  }
0x406: {  	v24 =	vadd.s32 v21, v8  }
0x407: {  	v26 =	vcvt.s32.f32 v24;
	_ =	sdelay $0x1  }
0x408: {  	p3 =	slt.s32 s4, $0x35F0;
	v25 =	vadd.f32 $-3.650000000e+02, v26  }
0x409: {  	v41 =	vld [tilespmem:$0x1FE10];
	s4 =	simm.s32 @!p3 $0x35F0  }
0x40a: {  	v27 =	vmul.f32 $2.747252820e-03, v25;
	v25 =	vld [tilespmem:s4+$0x0];
	_ =	sdelay $0x1  }
0x40b: {  	s6 =	sadd.s32 $0x10, s21;
	s7 =	simm.s32 $0x20;
	v26 =	vmul.f32 $2.747252820e-03, v26;
	v27 =	vsub.f32 $1.000000000e+00, v27  }
.LBB2_105:
0x40c: {  	p3 =	sne.s32 s7, $0x2E0;
	v28 =	vor.u32 s6, v20;
	vm0 =	vlt.s32 v24, $0x16D  }
0x40d: {  	vm1 =	vge.u32 v21, v7;
	v24 =	vadd.s32 v28, v8;
	v26 =	vsel vm0, v26, v27  }
0x40e: {  	vm0 =	vlt.s32 v21, v41;
	v21 =	vmovc v28;
	v27 =	vcvt.s32.f32 v24;
	v26 =	vmul.f32 v25, v26  }
0x40f: {  	vm0 =	vmand vm1, vm0  }
0x410: {  	p4 =	slt.s32 s6, $0x35F0;
	v28 =	vadd.f32 $-3.650000000e+02, v27;
	v25 =	vsel vm0, v26, v25  }
.Ltmp54:
0x411: {  	[tilespmem:s4+$0x0] =	vst v25;
	s4 =	smov.u32 s6;
	(pc) =	sbr.rel @p3 .LBB2_105-.Ltmp54, $3  }
0x412: {  	s4 =	simm.s32 @!p4 $0x35F0  }
0x413: {  	v28 =	vmul.f32 $2.747252820e-03, v28;
	v25 =	vld [tilespmem:s4+$0x0];
	_ =	sdelay $0x1  }
0x414: {  	v26 =	vmul.f32 $2.747252820e-03, v27;
	s6 =	sadd.s32 s7, s21;
	s7 =	sadd.s32 $0x10, s7;
	v27 =	vsub.f32 $1.000000000e+00, v28  }
0x415: {  	v28 =	vor.u32 s6, v20;
	vm0 =	vlt.s32 v24, $0x16D  }
0x416: {  	vm1 =	vge.u32 v21, v7;
	v24 =	vadd.s32 v28, v8;
	v26 =	vsel vm0, v26, v27  }
0x417: {  	vm12 =	vlt.s32 v21, v41;
	v27 =	vcvt.s32.f32 v24;
	v21 =	vmul.f32 v25, v26  }
0x418: {  	vm0 =	vmand vm1, vm12  }
0x419: {  	p3 =	slt.s32 s6, $0x35F0;
	v26 =	vadd.f32 $-3.650000000e+02, v27;
	v21 =	vsel vm0, v21, v25  }
0x41a: {  	s6 =	simm.s32 @!p3 $0x35F0;
	[tilespmem:s4+$0x0] =	vst v21  }
0x41b: {  	v21 =	vld [tilespmem:s6+$0x0];
	v25 =	vmul.f32 $2.747252820e-03, v26;
	_ =	sdelay $0x1  }
0x41c: {  	v26 =	vmul.f32 $2.747252820e-03, v27;
	v25 =	vsub.f32 $1.000000000e+00, v25  }
0x41d: {  	vm13 =	vlt.s32 v24, $0x16D  }
0x41e: {  	vm15 =	vlt.s32 v28, v41;
	v41 =	vld [tilespmem:$0x1FEE0];
	v24 =	vsel vm13, v26, v25  }
0x41f: {  	vm14 =	vge.u32 v28, v7;
	v27 =	vld [tilespmem:$0x1FED0];
	v24 =	vmul.f32 v21, v24  }
0x420: {  	vm0 =	vmand vm14, vm15;
	v25 =	vld [tilespmem:$0x1FE90]  }
0x421: {  	v26 =	vld [tilespmem:$0x1FEA0];
	v21 =	vsel vm0, v24, v21  }
0x422: {  	s7 =	rddreg [dreg:$0x6];
	v28 =	vmov v33;
	v24 =	vld [tilespmem:$0x1FEC0];
	[tilespmem:s6+$0x0] =	vst v21  }
.LBB2_107:
0x423: {  	s4 =	sld [smem:$0x7F7];
	_ =	sdelay $0x2  }
0x424: {  	p3 =	seq.s32 s4, $0x1  }
.Ltmp55:
0x425: {  	_ = 	snop;
	(pc) =	sbr.rel @p3 .LBB2_111-.Ltmp55, $1  }
0x426: {  	_ =	sdelay $0x3  }
0x427: {  	s4 =	sadd.s32 $0x0, s3  }
0x428: {  	v21 =	vor.u32 s4, v20  }
0x429: {  	v24 =	vadd.s32 v21, v12  }
0x42a: {  	v26 =	vcvt.s32.f32 v24;
	_ =	sdelay $0x1  }
0x42b: {  	p3 =	slt.s32 s4, $0x35F0;
	v25 =	vadd.f32 $-9.300000000e+02, v26  }
0x42c: {  	s4 =	simm.s32 @!p3 $0x35F0  }
0x42d: {  	v27 =	vmul.f32 $-1.075268840e-03, v25;
	v25 =	vld [tilespmem:s4+$0x0];
	_ =	sdelay $0x1  }
0x42e: {  	s6 =	sadd.s32 $0x10, s3;
	s7 =	simm.s32 $0x20;
	v26 =	vmul.f32 $1.076426240e-03, v26;
	v27 =	vadd.f32 $1.000000000e+00, v27  }
.LBB2_109:
0x42f: {  	p3 =	sne.s32 s7, $0x750;
	v28 =	vor.u32 s6, v20;
	vm0 =	vlt.s32 v24, $0x3A2  }
0x430: {  	vm1 =	vge.u32 v21, v9;
	v24 =	vadd.s32 v28, v12;
	v26 =	vsel vm0, v26, v27  }
0x431: {  	vm0 =	vlt.s32 v21, v41;
	v21 =	vmovc v28;
	v27 =	vcvt.s32.f32 v24;
	v26 =	vmul.f32 v25, v26  }
0x432: {  	vm0 =	vmand vm1, vm0  }
0x433: {  	p4 =	slt.s32 s6, $0x35F0;
	v28 =	vadd.f32 $-9.300000000e+02, v27;
	v25 =	vsel vm0, v26, v25  }
.Ltmp56:
0x434: {  	[tilespmem:s4+$0x0] =	vst v25;
	s4 =	smov.u32 s6;
	(pc) =	sbr.rel @p3 .LBB2_109-.Ltmp56, $3  }
0x435: {  	s4 =	simm.s32 @!p4 $0x35F0  }
0x436: {  	v28 =	vmul.f32 $-1.075268840e-03, v28;
	v25 =	vld [tilespmem:s4+$0x0];
	_ =	sdelay $0x1  }
0x437: {  	v26 =	vmul.f32 $1.076426240e-03, v27;
	s6 =	sadd.s32 s7, s3;
	s7 =	sadd.s32 $0x10, s7;
	v27 =	vadd.f32 $1.000000000e+00, v28  }
0x438: {  	v28 =	vor.u32 s6, v20;
	vm0 =	vlt.s32 v24, $0x3A2  }
0x439: {  	vm1 =	vge.u32 v21, v9;
	v24 =	vadd.s32 v28, v12;
	v26 =	vsel vm0, v26, v27  }
0x43a: {  	vm12 =	vlt.s32 v21, v41;
	v27 =	vcvt.s32.f32 v24;
	v21 =	vmul.f32 v25, v26  }
0x43b: {  	vm0 =	vmand vm1, vm12  }
0x43c: {  	p3 =	slt.s32 s6, $0x35F0;
	v26 =	vadd.f32 $-9.300000000e+02, v27;
	v21 =	vsel vm0, v21, v25  }
0x43d: {  	s6 =	simm.s32 @!p3 $0x35F0;
	[tilespmem:s4+$0x0] =	vst v21  }
0x43e: {  	v21 =	vld [tilespmem:s6+$0x0];
	v25 =	vmul.f32 $-1.075268840e-03, v26;
	_ =	sdelay $0x1  }
0x43f: {  	v26 =	vmul.f32 $1.076426240e-03, v27;
	v25 =	vadd.f32 $1.000000000e+00, v25  }
0x440: {  	vm13 =	vlt.s32 v24, $0x3A2  }
0x441: {  	v24 =	vsel vm13, v26, v25  }
0x442: {  	vm14 =	vge.u32 v28, v9;
	vm15 =	vlt.s32 v28, v41;
	v27 =	vld [tilespmem:$0x1FED0];
	v24 =	vmul.f32 v21, v24  }
0x443: {  	vm0 =	vmand vm14, vm15;
	v25 =	vld [tilespmem:$0x1FE90]  }
0x444: {  	v26 =	vld [tilespmem:$0x1FEA0];
	v21 =	vsel vm0, v24, v21  }
0x445: {  	s7 =	rddreg [dreg:$0x6];
	v28 =	vmov v33;
	v24 =	vld [tilespmem:$0x1FEC0];
	[tilespmem:s6+$0x0] =	vst v21  }
.LBB2_111:
.Ltmp57:
0x446: {  	(pc) =	sbr.rel @p6 .LBB2_115-.Ltmp57, $1  }
0x447: {  	_ =	sdelay $0x3  }
0x448: {  	s4 =	sadd.s32 $0x0, s14  }
0x449: {  	v21 =	vor.u32 s4, v20  }
0x44a: {  	v24 =	vadd.s32 v21, v13  }
0x44b: {  	v26 =	vcvt.s32.f32 v24;
	_ =	sdelay $0x1  }
0x44c: {  	p3 =	slt.s32 s4, $0x35F0;
	v25 =	vadd.f32 $-7.250000000e+02, v26  }
0x44d: {  	s4 =	simm.s32 @!p3 $0x35F0  }
0x44e: {  	v27 =	vmul.f32 $-1.379310390e-03, v25;
	v25 =	vld [tilespmem:s4+$0x0];
	_ =	sdelay $0x1  }
0x44f: {  	s6 =	sadd.s32 $0x10, s14;
	s7 =	simm.s32 $0x20;
	v26 =	vmul.f32 $1.381215520e-03, v26;
	v27 =	vadd.f32 $1.000000000e+00, v27  }
.LBB2_113:
0x450: {  	p3 =	sne.s32 s7, $0x5B0;
	v28 =	vor.u32 s6, v20;
	vm0 =	vlt.s32 v24, $0x2D5  }
0x451: {  	vm1 =	vge.u32 v21, v10;
	v24 =	vadd.s32 v28, v13;
	v26 =	vsel vm0, v26, v27  }
0x452: {  	vm0 =	vlt.s32 v21, v44;
	v21 =	vmovc v28;
	v27 =	vcvt.s32.f32 v24;
	v26 =	vmul.f32 v25, v26  }
0x453: {  	vm0 =	vmand vm1, vm0  }
0x454: {  	p4 =	slt.s32 s6, $0x35F0;
	v28 =	vadd.f32 $-7.250000000e+02, v27;
	v25 =	vsel vm0, v26, v25  }
.Ltmp58:
0x455: {  	[tilespmem:s4+$0x0] =	vst v25;
	s4 =	smov.u32 s6;
	(pc) =	sbr.rel @p3 .LBB2_113-.Ltmp58, $3  }
0x456: {  	s4 =	simm.s32 @!p4 $0x35F0  }
0x457: {  	v28 =	vmul.f32 $-1.379310390e-03, v28;
	v25 =	vld [tilespmem:s4+$0x0];
	_ =	sdelay $0x1  }
0x458: {  	v26 =	vmul.f32 $1.381215520e-03, v27;
	s6 =	sadd.s32 s7, s14;
	s7 =	sadd.s32 $0x10, s7;
	v27 =	vadd.f32 $1.000000000e+00, v28  }
0x459: {  	v28 =	vor.u32 s6, v20;
	vm0 =	vlt.s32 v24, $0x2D5  }
0x45a: {  	vm1 =	vge.u32 v21, v10;
	v24 =	vadd.s32 v28, v13;
	v26 =	vsel vm0, v26, v27  }
0x45b: {  	vm12 =	vlt.s32 v21, v44;
	v27 =	vcvt.s32.f32 v24;
	v21 =	vmul.f32 v25, v26  }
0x45c: {  	vm0 =	vmand vm1, vm12  }
0x45d: {  	p3 =	slt.s32 s6, $0x35F0;
	v26 =	vadd.f32 $-7.250000000e+02, v27;
	v21 =	vsel vm0, v21, v25  }
0x45e: {  	s6 =	simm.s32 @!p3 $0x35F0;
	[tilespmem:s4+$0x0] =	vst v21  }
0x45f: {  	v21 =	vld [tilespmem:s6+$0x0];
	v25 =	vmul.f32 $-1.379310390e-03, v26;
	_ =	sdelay $0x1  }
0x460: {  	v26 =	vmul.f32 $1.381215520e-03, v27;
	v25 =	vadd.f32 $1.000000000e+00, v25  }
0x461: {  	vm13 =	vlt.s32 v24, $0x2D5  }
0x462: {  	v24 =	vsel vm13, v26, v25  }
0x463: {  	vm14 =	vge.u32 v28, v10;
	vm15 =	vlt.s32 v28, v44;
	v27 =	vld [tilespmem:$0x1FED0];
	v24 =	vmul.f32 v21, v24  }
0x464: {  	vm0 =	vmand vm14, vm15;
	v25 =	vld [tilespmem:$0x1FE90]  }
0x465: {  	v26 =	vld [tilespmem:$0x1FEA0];
	v21 =	vsel vm0, v24, v21  }
0x466: {  	s7 =	rddreg [dreg:$0x6];
	v28 =	vmov v33;
	v24 =	vld [tilespmem:$0x1FEC0];
	[tilespmem:s6+$0x0] =	vst v21  }
.LBB2_115:
.Ltmp59:
0x467: {  	(pc) =	sbr.rel @p0 .LBB2_119-.Ltmp59, $2  }
0x468: {  	_ =	sdelay $0x2  }
0x469: {  	s6 =	simm.s32 $0x0  }
0x46a: {  	s4 =	sadd.s32 s6, s8  }
0x46b: {  	p3 =	slt.s32 s4, $0x35F0  }
0x46c: {  	v21 =	vor.u32 s4, v20;
	s4 =	simm.s32 @!p3 $0x35F0  }
0x46d: {  	vm0 =	vge.u32 v21, v11;
	vm1 =	vlt.s32 v21, v45;
	v21 =	vld [tilespmem:s4+$0x0];
	_ =	sdelay $0x2  }
0x46e: {  	s7 =	sadd.s32 $0x10, s6  }
0x46f: {  	s6 =	sadd.s32 s7, s8;
	s7 =	sadd.s32 $0x10, s7;
	vm0 =	vmand vm0, vm1  }
.LBB2_117:
0x470: {  	p3 =	sne.s32 s7, $0xAF0;
	p4 =	slt.s32 s6, $0x35F0;
	v21 =	vsel vm0, $0x0, v21  }
0x471: {  	[tilespmem:s4+$0x0] =	vst v21;
	s4 =	smov.u32 s6  }
0x472: {  	s4 =	simm.s32 @!p4 $0x35F0  }
.Ltmp60:
0x473: {  	v21 =	vld [tilespmem:s4+$0x0];
	(pc) =	sbr.rel @p3 .LBB2_117-.Ltmp60, $4  }
0x474: {  	_ = 	snop  }
0x475: {  	v24 =	vor.u32 s6, v20  }
0x476: {  	vm0 =	vge.u32 v24, v11;
	vm1 =	vlt.s32 v24, v45  }
0x477: {  	s6 =	sadd.s32 s7, s8;
	s7 =	sadd.s32 $0x10, s7;
	vm0 =	vmand vm0, vm1  }
0x478: {  	p3 =	slt.s32 s6, $0x35F0;
	v21 =	vsel vm0, $0x0, v21  }
0x479: {  	v24 =	vor.u32 s6, v20;
	s6 =	simm.s32 @!p3 $0x35F0;
	[tilespmem:s4+$0x0] =	vst v21  }
0x47a: {  	v21 =	vld [tilespmem:s6+$0x0];
	_ =	sdelay $0x2  }
0x47b: {  	vm15 =	vge.u32 v24, v11;
	vm1 =	vlt.s32 v24, v45  }
0x47c: {  	vm0 =	vmand vm15, vm1  }
0x47d: {  	v21 =	vsel vm0, $0x0, v21  }
0x47e: {  	s7 =	rddreg [dreg:$0x6];
	v24 =	vld [tilespmem:$0x1FEC0];
	[tilespmem:s6+$0x0] =	vst v21  }
.LBB2_119:
.Ltmp61:
0x47f: {  	(pc) =	sbr.rel @p1 .LBB2_123-.Ltmp61, $2  }
0x480: {  	_ =	sdelay $0x2  }
0x481: {  	s6 =	simm.s32 $0x0  }
0x482: {  	s4 =	sadd.s32 s6, s1  }
0x483: {  	p3 =	slt.s32 s4, $0x35F0  }
0x484: {  	v21 =	vor.u32 s4, v20;
	s4 =	simm.s32 @!p3 $0x35F0  }
0x485: {  	vm0 =	vge.u32 v21, v14;
	vm1 =	vlt.s32 v21, v49;
	v21 =	vld [tilespmem:s4+$0x0];
	_ =	sdelay $0x2  }
0x486: {  	s7 =	sadd.s32 $0x10, s6  }
0x487: {  	s6 =	sadd.s32 s7, s1;
	s7 =	sadd.s32 $0x10, s7;
	vm0 =	vmand vm0, vm1  }
.LBB2_121:
0x488: {  	p3 =	sne.s32 s7, $0xD90;
	p4 =	slt.s32 s6, $0x35F0;
	v21 =	vsel vm0, $0x0, v21  }
0x489: {  	[tilespmem:s4+$0x0] =	vst v21;
	s4 =	smov.u32 s6  }
0x48a: {  	s4 =	simm.s32 @!p4 $0x35F0  }
.Ltmp62:
0x48b: {  	v21 =	vld [tilespmem:s4+$0x0];
	(pc) =	sbr.rel @p3 .LBB2_121-.Ltmp62, $4  }
0x48c: {  	_ = 	snop  }
0x48d: {  	v24 =	vor.u32 s6, v20  }
0x48e: {  	vm0 =	vge.u32 v24, v14;
	vm1 =	vlt.s32 v24, v49  }
0x48f: {  	s6 =	sadd.s32 s7, s1;
	s7 =	sadd.s32 $0x10, s7;
	vm0 =	vmand vm0, vm1  }
0x490: {  	p3 =	slt.s32 s6, $0x35F0;
	v21 =	vsel vm0, $0x0, v21  }
0x491: {  	v24 =	vor.u32 s6, v20;
	s6 =	simm.s32 @!p3 $0x35F0;
	[tilespmem:s4+$0x0] =	vst v21  }
0x492: {  	v21 =	vld [tilespmem:s6+$0x0];
	_ =	sdelay $0x2  }
0x493: {  	vm15 =	vge.u32 v24, v14;
	vm1 =	vlt.s32 v24, v49  }
0x494: {  	vm0 =	vmand vm15, vm1  }
0x495: {  	v21 =	vsel vm0, $0x0, v21  }
0x496: {  	s7 =	rddreg [dreg:$0x6];
	v24 =	vld [tilespmem:$0x1FEC0];
	[tilespmem:s6+$0x0] =	vst v21  }
.LBB2_123:
0x497: {  	s4 =	rddreg [dreg:$0x4]  }
0x498: {  	s6 =	rddreg [dreg:$0x8]  }
0x499: {  	p3 =	sge.s32 s6, s4  }
.Ltmp63:
0x49a: {  	_ = 	snop;
	(pc) =	sbr.rel @p3 .LBB2_127-.Ltmp63, $2  }
0x49b: {  	_ =	sdelay $0x2  }
0x49c: {  	s6 =	simm.s32 $0x0  }
0x49d: {  	s4 =	sadd.s32 s6, s2  }
0x49e: {  	p3 =	slt.s32 s4, $0x35F0  }
0x49f: {  	v21 =	vor.u32 s4, v20;
	s4 =	simm.s32 @!p3 $0x35F0  }
0x4a0: {  	vm0 =	vge.u32 v21, v15;
	vm1 =	vlt.s32 v21, v16;
	v21 =	vld [tilespmem:s4+$0x0];
	_ =	sdelay $0x2  }
0x4a1: {  	s7 =	sadd.s32 $0x10, s6  }
0x4a2: {  	s6 =	sadd.s32 s7, s2;
	s7 =	sadd.s32 $0x10, s7;
	vm0 =	vmand vm0, vm1  }
.LBB2_125:
0x4a3: {  	p3 =	sne.s32 s7, $0xF90;
	p4 =	slt.s32 s6, $0x35F0;
	v21 =	vsel vm0, $0x0, v21  }
0x4a4: {  	[tilespmem:s4+$0x0] =	vst v21;
	s4 =	smov.u32 s6  }
0x4a5: {  	s4 =	simm.s32 @!p4 $0x35F0  }
.Ltmp64:
0x4a6: {  	v21 =	vld [tilespmem:s4+$0x0];
	(pc) =	sbr.rel @p3 .LBB2_125-.Ltmp64, $4  }
0x4a7: {  	_ = 	snop  }
0x4a8: {  	v24 =	vor.u32 s6, v20  }
0x4a9: {  	vm0 =	vge.u32 v24, v15;
	vm1 =	vlt.s32 v24, v16  }
0x4aa: {  	s6 =	sadd.s32 s7, s2;
	s7 =	sadd.s32 $0x10, s7;
	vm0 =	vmand vm0, vm1  }
0x4ab: {  	p3 =	slt.s32 s6, $0x35F0;
	v21 =	vsel vm0, $0x0, v21  }
0x4ac: {  	v24 =	vor.u32 s6, v20;
	s6 =	simm.s32 @!p3 $0x35F0;
	[tilespmem:s4+$0x0] =	vst v21  }
0x4ad: {  	v21 =	vld [tilespmem:s6+$0x0];
	_ =	sdelay $0x2  }
0x4ae: {  	vm15 =	vge.u32 v24, v15;
	vm1 =	vlt.s32 v24, v16  }
0x4af: {  	vm0 =	vmand vm15, vm1  }
0x4b0: {  	v21 =	vsel vm0, $0x0, v21  }
0x4b1: {  	s7 =	rddreg [dreg:$0x6];
	v24 =	vld [tilespmem:$0x1FEC0];
	[tilespmem:s6+$0x0] =	vst v21  }
.LBB2_127:
0x4b2: {  	s4 =	rddreg [dreg:$0x3]  }
0x4b3: {  	p3 =	sge.s32 s12, s4  }
.Ltmp65:
0x4b4: {  	_ = 	snop;
	(pc) =	sbr.rel @p3 .LBB2_131-.Ltmp65, $2  }
0x4b5: {  	_ =	sdelay $0x2  }
0x4b6: {  	s6 =	simm.s32 $0x0  }
0x4b7: {  	s4 =	sadd.s32 s6, s12  }
0x4b8: {  	p3 =	slt.s32 s4, $0x35F0  }
0x4b9: {  	v21 =	vadd.s32 s4, v20;
	s4 =	simm.s32 @!p3 $0x35F0  }
0x4ba: {  	vm0 =	vge.s32 v21, v17;
	vm1 =	vlt.s32 v21, v18;
	v21 =	vld [tilespmem:s4+$0x0];
	_ =	sdelay $0x2  }
0x4bb: {  	s7 =	sadd.s32 $0x10, s6  }
0x4bc: {  	s6 =	sadd.s32 s7, s12;
	s7 =	sadd.s32 $0x10, s7;
	vm0 =	vmand vm0, vm1  }
.LBB2_129:
0x4bd: {  	p3 =	sne.s32 s7, $0xCD0;
	p4 =	slt.s32 s6, $0x35F0;
	v21 =	vsel vm0, $0x0, v21  }
0x4be: {  	[tilespmem:s4+$0x0] =	vst v21;
	s4 =	smov.u32 s6  }
0x4bf: {  	s4 =	simm.s32 @!p4 $0x35F0  }
.Ltmp66:
0x4c0: {  	v21 =	vld [tilespmem:s4+$0x0];
	(pc) =	sbr.rel @p3 .LBB2_129-.Ltmp66, $4  }
0x4c1: {  	_ = 	snop  }
0x4c2: {  	v24 =	vadd.s32 s6, v20  }
0x4c3: {  	vm0 =	vge.s32 v24, v17;
	vm1 =	vlt.s32 v24, v18  }
0x4c4: {  	s6 =	sadd.s32 s7, s12;
	s7 =	sadd.s32 $0x10, s7;
	vm0 =	vmand vm0, vm1  }
.Ltmp67:
0x4c5: {  	_ = 	snop;
	(pc) =	sbr.rel .LBB2_130-.Ltmp67, $1  }
0x4c6: {  	_ =	sdelay $0x3  }
.LBB2_132:
0x4c7: {  	_ =	sfence.sel $0x180000  }
0x4c8: {  	[bflag:$0x0] =	sbarrier.arrive $0xFFFF  }
0x4c9: {  	_ =	strace $0x90000047  }
0x4ca: {  	s0 =	stileid.u32;
	[bflag:$0x2] =	sbarrier.arrive $0xFFFF  }
0x4cb: {  	p0 =	sne.s32 s0, $0x0;
	s0 =	rddreg [dreg:$0x1]  }
0x4cc: {  	s0 =	sadd.s32 @!p0 $0x100000, s0  }
0x4cd: {  	[sflag:s0] =	ssyncadd.tile.s32 @!p0 $0x1;
	_ =	shalt  }
.Lfunc_end2:
_tile_overlayer_lowered:
.L_overlay_start_2:
0x4ce: {  	(tag) =	ssettag $0x2  }
0x4cf: {  	s0 =	rddreg [dreg:$0x0];
	s2 =	stileid.u32  }
0x4d0: {  	s1 =	rddreg [dreg:$0x1];
	p0 =	sne.s32 s2, $0x0  }
0x4d1: {  	s3 =	rddreg [dreg:$0x2];
	[bflag:$0x3] =	sbarrier.arrive $0xFFFF;
	s2 =	simm.s32 @!p0 $0x1C02  }
0x4d2: {  	[timem:s3], [sflag:s2] =	dma.local @!p0 [hbm:s0], s1  }
0x4d3: {  	s0 =	simm.s32 @!p0 $0x2  }
0x4d4: {  	_ =	swait.ge @!p0 [sflag:s0], s1  }
0x4d5: {  	s1 =	ssub.s32 @!p0 $0x0, s1;
	[sflag:s0] =	ssyncset.done @!p0 $0x0  }
0x4d6: {  	[sflag:s0] =	ssyncadd.s32 @!p0 s1  }
0x4d7: {  	[bflag:$0x3] =	sbarrier.arrive $0xFFFF  }
0x4d8: {  	_ =	shalt  }

</sc_bundles>
